<compile_context>
chip_gen: v7x
topology: tpu7x:2x2x1
jax: 0.10.2.dev20260603
libtpu: 0.0.44.dev20260713+nightly
codegen_flags: <defaults>
</compile_context>

<pallas_src>
import functools

import jax
import jax.numpy as jnp
from jax import lax
from jax.experimental import pallas as pl
from jax.experimental.pallas import tpu as pltpu
from jax.experimental.pallas import tpu_sc as plsc

_M = 1000000
_B = 4096
_D = 6
_BB = 256
_NW = 32
_RANGE = _M // _NW
_TBL = _RANGE + 110
_CAP = _B + 128



def _stain_body(t_ref, m_ref, o_ref):
    t = t_ref[...]
    m = m_ref[...]
    denom = jnp.sum(m, axis=2) + 1e-6
    mean = jnp.sum(t * m, axis=2) / denom
    var = jnp.sum(((t - mean[:, :, None]) ** 2) * m, axis=2) / denom
    std = jnp.sqrt(var + 1e-6)
    o_ref[...] = jnp.concatenate(
        [mean[:, 0:1], std[:, 0:1], mean[:, 1:2], std[:, 1:2],
         mean[:, 2:3], std[:, 2:3]], axis=1)


def _stain_extract(target, mask):
    B, C, P = target.shape
    return pl.pallas_call(
        _stain_body,
        grid=(B // _BB,),
        in_specs=[
            pl.BlockSpec((_BB, C, P), lambda i: (i, 0, 0)),
            pl.BlockSpec((_BB, 1, P), lambda i: (i, 0, 0)),
        ],
        out_specs=pl.BlockSpec((_BB, _D), lambda i: (i, 0)),
        out_shape=jax.ShapeDtypeStruct((B, _D), jnp.float32),
        compiler_params=pltpu.CompilerParams(
            dimension_semantics=("parallel",)),
    )(target, mask)



def _sparse_body(mem_h, keys_h, hit_h, sm_h, out_h,
                 keysv, hitv, table, ilist, klist, ilist2, klist2, sem):
    c = lax.axis_index("c")
    s = lax.axis_index("s")
    wid = s * 2 + c
    base = wid * _RANGE
    lanes = lax.iota(jnp.int32, 16)
    dump0 = _B + wid * 128

    pltpu.async_copy(keys_h, keysv, sem)
    pltpu.async_copy(hit_h, hitv, sem)
    pltpu.make_async_copy(keys_h, keysv, sem).wait()
    pltpu.make_async_copy(hit_h, hitv, sem).wait()


    def _scan(r, cnt):
        for l in range(8):
            kv = keysv[pl.ds(r * 128 + l * 16, 16)]
            rel = kv - base
            owned = (rel >= 0) & (rel < _RANGE)
            iv = r * 128 + l * 16 + lanes
            plsc.store_compressed(ilist.at[pl.ds(cnt, 16)], iv, mask=owned)
            plsc.store_compressed(klist.at[pl.ds(cnt, 16)], kv, mask=owned)
            pc = plsc.all_reduce_population_count(owned)
            cnt = cnt + jnp.max(pc)
        return cnt
    cnt = lax.fori_loop(0, _B // 128, _scan, jnp.int32(0))
    ilist[pl.ds(cnt, 16)] = jnp.full((16,), dump0, jnp.int32) + lanes
    klist[pl.ds(cnt, 16)] = jnp.full((16,), base, jnp.int32)
    nv = (cnt + 15) >> 4

    def _build(v, carry):
        iv = ilist[pl.ds(v * 16, 16)]
        valid = iv < _B
        rel = klist[pl.ds(v * 16, 16)] - base
        plsc.store_scatter(table, [rel], iv, mask=valid)
        return carry
    lax.fori_loop(0, nv, _build, 0)

    def _fix(_):
        def _sweep(v, bad):
            iv = ilist[pl.ds(v * 16, 16)]
            valid = iv < _B
            rel = klist[pl.ds(v * 16, 16)] - base
            w = plsc.load_gather(table, [rel], mask=valid)
            isbad = valid & (iv > w)
            plsc.store_scatter(table, [rel], iv, mask=isbad)
            nb = plsc.all_reduce_population_count(isbad)
            return bad + jnp.max(nb)
        return lax.fori_loop(0, nv, _sweep, jnp.int32(0))
    lax.while_loop(lambda bad: bad > 0, _fix, jnp.int32(1))

    def _part(v, carry):
        cnth, cntm = carry
        iv = ilist[pl.ds(v * 16, 16)]
        valid = iv < _B
        kv = klist[pl.ds(v * 16, 16)]
        rel = kv - base
        w = plsc.load_gather(table, [rel], mask=valid)
        hw = plsc.load_gather(hitv, [w], mask=valid)
        hb = valid & (hw > 0)
        mb = valid & jnp.logical_not(hb)
        plsc.store_compressed(ilist2.at[pl.ds(cnth, 16)], iv, mask=hb)
        plsc.store_compressed(klist2.at[pl.ds(cnth, 16)], kv, mask=hb)
        ph = plsc.all_reduce_population_count(hb)
        plsc.store_compressed(ilist.at[pl.ds(cntm, 16)], iv, mask=mb)
        plsc.store_compressed(klist.at[pl.ds(cntm, 16)],
                              jnp.where(valid, w, 0), mask=mb)
        pm = plsc.all_reduce_population_count(mb)
        return (cnth + jnp.max(ph), cntm + jnp.max(pm))
    cnth, cntm = lax.fori_loop(0, nv, _part, (jnp.int32(0), jnp.int32(0)))
    ilist2[pl.ds(cnth, 16)] = jnp.full((16,), dump0, jnp.int32) + lanes
    klist2[pl.ds(cnth, 16)] = jnp.full((16,), base, jnp.int32)
    def _scrub(t, carry):
        ilist[pl.ds(cntm + t * 16, 16)] = (
            jnp.full((16,), dump0, jnp.int32) + t * 16 + lanes)
        klist[pl.ds(cntm + t * 16, 16)] = jnp.zeros((16,), jnp.int32)
        return carry
    lax.fori_loop(0, 2, _scrub, 0)

    nvh = (cnth + 15) >> 4
    nvm = (cntm + 15) >> 4

    def _ado(v, carry):
        rs = klist2[pl.ds(v * 16, 16)]
        ivs = ilist2[pl.ds(v * 16, 16)]
        for l in range(16):
            pltpu.async_copy(mem_h.at[pl.ds(rs[l], 1)],
                             out_h.at[pl.ds(ivs[l], 1)], sem)
        return carry
    lax.fori_loop(0, nvh, _ado, 0)

    def _bdo(v, carry):
        ws = klist[pl.ds(v * 16, 16)]
        ivs = ilist[pl.ds(v * 16, 16)]
        for l in range(16):
            pltpu.async_copy(sm_h.at[pl.ds(ws[l], 1)],
                             out_h.at[pl.ds(ivs[l], 1)], sem)
        return carry
    lax.fori_loop(0, nvm, _bdo, 0)

    def _dr(j, carry):
        pltpu.make_async_copy(mem_h.at[pl.ds(0, 1)],
                              out_h.at[pl.ds(0, 1)], sem).wait()
        return carry
    lax.fori_loop(0, (nvh + nvm) * 16, _dr, 0)


_sparse = functools.partial(
    pl.kernel,
    out_type=jax.ShapeDtypeStruct((_B + _NW * 128, _D), jnp.float32),
    mesh=plsc.VectorSubcoreMesh(core_axis_name="c", subcore_axis_name="s"),
    scratch_types=[
        pltpu.VMEM((_B,), jnp.int32),
        pltpu.VMEM((_B,), jnp.int32),
        pltpu.VMEM((_TBL,), jnp.int32),
        pltpu.VMEM((_CAP,), jnp.int32),
        pltpu.VMEM((_CAP,), jnp.int32),
        pltpu.VMEM((_CAP,), jnp.int32),
        pltpu.VMEM((_CAP,), jnp.int32),
        pltpu.SemaphoreType.DMA,
    ],
    compiler_params=pltpu.CompilerParams(needs_layout_passes=False),
)(_sparse_body)


def kernel(mem, target, mask, keys, hit_flags):
    sm_miss = _stain_extract(target, mask)
    keys32 = keys.astype(jnp.int32)
    hit32 = hit_flags.astype(jnp.int32)
    out_pad = _sparse(mem, keys32, hit32, sm_miss)
    return out_pad[:_B]

# --- scband reference (transcript-rebuilt; emitter-appended) ---
"""Pipeline reference for scband-cached-rngmodule-11166914970463 (READ-ONLY COPY).

The authoritative reference and input builder live on the scoring server;
editing this copy changes nothing except your own understanding.
"""

import jax, jax.numpy as jnp
import numpy as np

M = 1000000
B = 4096
C = 3
P = 1024
D = 6

def _stain_extract(target, mask):
    # get_stain_mat stand-in: masked per-channel mean and std over pixels -> [B, 3, 2] -> [B, 6]
    denom = jnp.sum(mask, axis=2) + 1e-6            # [B, 1]
    mean = jnp.sum(target * mask, axis=2) / denom   # [B, 3]
    var = jnp.sum(((target - mean[:, :, None]) ** 2) * mask, axis=2) / denom
    std = jnp.sqrt(var + 1e-6)                      # [B, 3]
    sm = jnp.stack([mean, std], axis=2)             # [B, 3, 2]
    return sm.reshape(sm.shape[0], D)

def setup_inputs(seed: int = 0) -> dict:
    key = jax.random.key(seed)
    k1, k2, k3, k4, k5 = jax.random.split(key, 5)
    mem = jax.random.normal(k1, (M, D), dtype=jnp.float32)
    target = jax.random.normal(k2, (B, C, P), dtype=jnp.float32)
    mask = jax.random.uniform(k3, (B, 1, P), dtype=jnp.float32)
    keys = jax.random.randint(k4, (B,), 0, M, dtype=jnp.int64)
    hit_flags = jax.random.randint(k5, (B,), 0, 2, dtype=jnp.int32)
    return {"mem": mem, "target": target, "mask": mask, "keys": keys, "hit_flags": hit_flags}

def reference(mem, target, mask, keys, hit_flags):
    # CachedRNGModule.get_batch semantics:
    #  - hit rows: gather cached stain matrices from the cache memory (index_select)
    #  - miss rows: evaluate get_stain_mat on target/mask
    #  - write the newly computed miss values back into the cache (index_copy / scatter)
    #  - assemble per-batch output in original order (index_copy into output)
    hit = hit_flags.astype(bool)                    # [B]
    sm_miss = _stain_extract(target, mask)          # [B, D] computed for all rows (jit-friendly)
    sm_hit = jnp.take(mem, keys, axis=0)            # [B, D] gather from cache
    vals = jnp.where(hit[:, None], sm_hit, sm_miss) # [B, D]
    new_mem = mem.at[keys].set(vals)                # scatter-write (cache update)
    out = jnp.take(new_mem, keys, axis=0)           # [B, D] gather-after-scatter, preserves order
    return out

if __name__ == "__main__":
    import jax
    _d = setup_inputs()
    print(jax.jit(kernel)(*tuple(_d.values())))

</pallas_src>

<mosaic_0001>
#map = affine_map<(d0, d1) -> (0, 0)>
#map1 = affine_map<(d0, d1) -> (0)>
module attributes {stable_mosaic.version = 14 : i64} {
  func.func @_sparse_body(%arg0: i32, %arg1: i32, %arg2: memref<1000000x6xf32, #tpu.memory_space<hbm>>, %arg3: memref<4096xi32, #tpu.memory_space<hbm>>, %arg4: memref<4096xi32, #tpu.memory_space<hbm>>, %arg5: memref<4096x6xf32, #tpu.memory_space<hbm>>, %arg6: memref<8192x6xf32, #tpu.memory_space<hbm>>, %arg7: memref<4096xi32, #tpu.memory_space<vmem>>, %arg8: memref<4096xi32, #tpu.memory_space<vmem>>, %arg9: memref<31360xi32, #tpu.memory_space<vmem>>, %arg10: memref<4224xi32, #tpu.memory_space<vmem>>, %arg11: memref<4224xi32, #tpu.memory_space<vmem>>, %arg12: memref<4224xi32, #tpu.memory_space<vmem>>, %arg13: memref<4224xi32, #tpu.memory_space<vmem>>, %arg14: memref<!tpu.dma_semaphore, #tpu.memory_space<semaphore_mem>>) attributes {dimension_semantics = [#tpu.dimension_semantics<core_parallel>, #tpu.dimension_semantics<subcore_parallel>], iteration_bounds = array<i64: 2, 16>, scalar_prefetch = 0 : i64, scratch_operands = 8 : i64, tpu.core_type = #tpu.core_type<sc_vector_subcore>, window_params = [{transform_indices = #map}, {transform_indices = #map1}, {transform_indices = #map1}, {transform_indices = #map}, {transform_indices = #map}]} {
    %mul3A = arith.constant 2 : i32
    %mul3A_0 = arith.muli %arg1, %mul3A : i32
    %add3A = arith.addi %mul3A_0, %arg0 : i32
    %mul3A_1 = arith.constant 31250 : i32
    %mul3A_2 = arith.muli %add3A, %mul3A_1 : i32
    %iota3A = tpu.iota {dimensions = array<i32: 0>} : vector<16xi32>
    %mul3A_3 = arith.constant 128 : i32
    %mul3A_4 = arith.muli %add3A, %mul3A_3 : i32
    %add3A_5 = arith.constant 4096 : i32
    %add3A_6 = arith.addi %add3A_5, %mul3A_4 : i32
    tpu.enqueue_dma source(%arg3 : memref<4096xi32, #tpu.memory_space<hbm>>) target(%arg7 : memref<4096xi32, #tpu.memory_space<vmem>>) target_semaphore(%arg14 : memref<!tpu.dma_semaphore, #tpu.memory_space<semaphore_mem>>)
    tpu.enqueue_dma source(%arg4 : memref<4096xi32, #tpu.memory_space<hbm>>) target(%arg8 : memref<4096xi32, #tpu.memory_space<vmem>>) target_semaphore(%arg14 : memref<!tpu.dma_semaphore, #tpu.memory_space<semaphore_mem>>)
    tpu.wait_dma2 semaphore(%arg14 : memref<!tpu.dma_semaphore, #tpu.memory_space<semaphore_mem>>) src(%arg3 : memref<4096xi32, #tpu.memory_space<hbm>>) dst(%arg7 : memref<4096xi32, #tpu.memory_space<vmem>>)
    tpu.wait_dma2 semaphore(%arg14 : memref<!tpu.dma_semaphore, #tpu.memory_space<semaphore_mem>>) src(%arg4 : memref<4096xi32, #tpu.memory_space<hbm>>) dst(%arg8 : memref<4096xi32, #tpu.memory_space<vmem>>)
    %scan3A = arith.constant 0 : i32
    %scan3A_7 = arith.constant 0 : i32
    %scan3A_8 = arith.constant 32 : i32
    %scan3A_9 = arith.addi %scan3A_7, %scan3A_8 : i32
    %scan3A_10 = arith.constant 1 : i32
    %scan3A_11 = scf.for %scan3A_99 = %scan3A_7 to %scan3A_9 step %scan3A_10 iter_args(%scan3A_100 = %scan3A) -> (i32)  : i32 {
      %mul3A_101 = arith.constant 128 : i32
      %mul3A_102 = arith.muli %scan3A_99, %mul3A_101 : i32
      %add3A_103 = arith.constant 0 : i32
      %add3A_104 = arith.addi %mul3A_102, %add3A_103 : i32
      %get3A = arith.index_cast %add3A_104 : i32 to index
      %get3A_105 = tpu.vector_load %arg7[%get3A] {strides = array<i32>} : memref<4096xi32, #tpu.memory_space<vmem>>, vector<16xi32>,
      %sub3A = vector.broadcast %mul3A_2 : i32 to vector<16xi32>
      %sub3A_106 = arith.subi %get3A_105, %sub3A : vector<16xi32>
      %ge3A = arith.constant 0 : i32
      %ge3A_107 = vector.broadcast %ge3A : i32 to vector<16xi32>
      %ge3A_108 = arith.cmpi sge, %sub3A_106, %ge3A_107 : vector<16xi32>
      %lt3A = arith.constant 31250 : i32
      %lt3A_109 = vector.broadcast %lt3A : i32 to vector<16xi32>
      %lt3A_110 = arith.cmpi slt, %sub3A_106, %lt3A_109 : vector<16xi32>
      %and3A = arith.andi %ge3A_108, %lt3A_110 : vector<16xi1>
      %mul3A_111 = arith.constant 128 : i32
      %mul3A_112 = arith.muli %scan3A_99, %mul3A_111 : i32
      %add3A_113 = arith.constant 0 : i32
      %add3A_114 = arith.addi %mul3A_112, %add3A_113 : i32
      %add3A_115 = vector.broadcast %add3A_114 : i32 to vector<16xi32>
      %add3A_116 = arith.addi %add3A_115, %iota3A : vector<16xi32>
      %swap3A_117 = arith.index_cast %scan3A_100 : i32 to index
      %swap3A_118 = tpu.vector_load %arg10[%swap3A_117] masked %and3A {strides = array<i32>} : memref<4224xi32, #tpu.memory_space<vmem>>, vector<16xi32>, vector<16xi1>
      tpu.vector_store %arg10[%swap3A_117], %add3A_116 masked %and3A {strides = array<i32>} : memref<4224xi32, #tpu.memory_space<vmem>>, vector<16xi32>, vector<16xi1>
      %swap3A_119 = arith.index_cast %scan3A_100 : i32 to index
      %swap3A_120 = tpu.vector_load %arg11[%swap3A_119] masked %and3A {strides = array<i32>} : memref<4224xi32, #tpu.memory_space<vmem>>, vector<16xi32>, vector<16xi1>
      tpu.vector_store %arg11[%swap3A_119], %get3A_105 masked %and3A {strides = array<i32>} : memref<4224xi32, #tpu.memory_space<vmem>>, vector<16xi32>, vector<16xi1>
      %all_reduce_population_count3A = tpu.all_reduce %and3A {dim = 0 : i64, kind = #tpu.reduction_kind<sum>} : vector<16xi1> -> vector<16xi32>
      %reduce_max3A = arith.constant true
      %reduce_max3A_121 = vector.broadcast %reduce_max3A : i1 to vector<16xi1>
      %reduce_max3A_122 = arith.constant -2147483648 : i32
      %reduce_max3A_123 = vector.broadcast %reduce_max3A_122 : i32 to vector<16xi32>
      %reduce_max3A_124 = arith.xori %all_reduce_population_count3A, %reduce_max3A_123 : vector<16xi32>
      %reduce_max3A_125 = tpu.scan <max>, %reduce_max3A_124 masked %reduce_max3A_121 : vector<16xi32>, vector<16xi1> -> vector<16xi32>
      %reduce_max3A_126 = arith.xori %reduce_max3A_125, %reduce_max3A_123 : vector<16xi32>
      %reduce_max3A_127 = vector.extract %reduce_max3A_126[15] : i32 from vector<16xi32>
      %add3A_128 = arith.addi %scan3A_100, %reduce_max3A_127 : i32
      %mul3A_129 = arith.constant 128 : i32
      %mul3A_130 = arith.muli %scan3A_99, %mul3A_129 : i32
      %add3A_131 = arith.constant 16 : i32
      %add3A_132 = arith.addi %mul3A_130, %add3A_131 : i32
      %get3A_133 = arith.index_cast %add3A_132 : i32 to index
      %get3A_134 = tpu.vector_load %arg7[%get3A_133] {strides = array<i32>} : memref<4096xi32, #tpu.memory_space<vmem>>, vector<16xi32>,
      %sub3A_135 = vector.broadcast %mul3A_2 : i32 to vector<16xi32>
      %sub3A_136 = arith.subi %get3A_134, %sub3A_135 : vector<16xi32>
      %ge3A_137 = arith.constant 0 : i32
      %ge3A_138 = vector.broadcast %ge3A_137 : i32 to vector<16xi32>
      %ge3A_139 = arith.cmpi sge, %sub3A_136, %ge3A_138 : vector<16xi32>
      %lt3A_140 = arith.constant 31250 : i32
      %lt3A_141 = vector.broadcast %lt3A_140 : i32 to vector<16xi32>
      %lt3A_142 = arith.cmpi slt, %sub3A_136, %lt3A_141 : vector<16xi32>
      %and3A_143 = arith.andi %ge3A_139, %lt3A_142 : vector<16xi1>
      %mul3A_144 = arith.constant 128 : i32
      %mul3A_145 = arith.muli %scan3A_99, %mul3A_144 : i32
      %add3A_146 = arith.constant 16 : i32
      %add3A_147 = arith.addi %mul3A_145, %add3A_146 : i32
      %add3A_148 = vector.broadcast %add3A_147 : i32 to vector<16xi32>
      %add3A_149 = arith.addi %add3A_148, %iota3A : vector<16xi32>
      %swap3A_150 = arith.index_cast %add3A_128 : i32 to index
      %swap3A_151 = tpu.vector_load %arg10[%swap3A_150] masked %and3A_143 {strides = array<i32>} : memref<4224xi32, #tpu.memory_space<vmem>>, vector<16xi32>, vector<16xi1>
      tpu.vector_store %arg10[%swap3A_150], %add3A_149 masked %and3A_143 {strides = array<i32>} : memref<4224xi32, #tpu.memory_space<vmem>>, vector<16xi32>, vector<16xi1>
      %swap3A_152 = arith.index_cast %add3A_128 : i32 to index
      %swap3A_153 = tpu.vector_load %arg11[%swap3A_152] masked %and3A_143 {strides = array<i32>} : memref<4224xi32, #tpu.memory_space<vmem>>, vector<16xi32>, vector<16xi1>
      tpu.vector_store %arg11[%swap3A_152], %get3A_134 masked %and3A_143 {strides = array<i32>} : memref<4224xi32, #tpu.memory_space<vmem>>, vector<16xi32>, vector<16xi1>
      %all_reduce_population_count3A_154 = tpu.all_reduce %and3A_143 {dim = 0 : i64, kind = #tpu.reduction_kind<sum>} : vector<16xi1> -> vector<16xi32>
      %reduce_max3A_155 = arith.constant true
      %reduce_max3A_156 = vector.broadcast %reduce_max3A_155 : i1 to vector<16xi1>
      %reduce_max3A_157 = arith.constant -2147483648 : i32
      %reduce_max3A_158 = vector.broadcast %reduce_max3A_157 : i32 to vector<16xi32>
      %reduce_max3A_159 = arith.xori %all_reduce_population_count3A_154, %reduce_max3A_158 : vector<16xi32>
      %reduce_max3A_160 = tpu.scan <max>, %reduce_max3A_159 masked %reduce_max3A_156 : vector<16xi32>, vector<16xi1> -> vector<16xi32>
      %reduce_max3A_161 = arith.xori %reduce_max3A_160, %reduce_max3A_158 : vector<16xi32>
      %reduce_max3A_162 = vector.extract %reduce_max3A_161[15] : i32 from vector<16xi32>
      %add3A_163 = arith.addi %add3A_128, %reduce_max3A_162 : i32
      %mul3A_164 = arith.constant 128 : i32
      %mul3A_165 = arith.muli %scan3A_99, %mul3A_164 : i32
      %add3A_166 = arith.constant 32 : i32
      %add3A_167 = arith.addi %mul3A_165, %add3A_166 : i32
      %get3A_168 = arith.index_cast %add3A_167 : i32 to index
      %get3A_169 = tpu.vector_load %arg7[%get3A_168] {strides = array<i32>} : memref<4096xi32, #tpu.memory_space<vmem>>, vector<16xi32>,
      %sub3A_170 = vector.broadcast %mul3A_2 : i32 to vector<16xi32>
      %sub3A_171 = arith.subi %get3A_169, %sub3A_170 : vector<16xi32>
      %ge3A_172 = arith.constant 0 : i32
      %ge3A_173 = vector.broadcast %ge3A_172 : i32 to vector<16xi32>
      %ge3A_174 = arith.cmpi sge, %sub3A_171, %ge3A_173 : vector<16xi32>
      %lt3A_175 = arith.constant 31250 : i32
      %lt3A_176 = vector.broadcast %lt3A_175 : i32 to vector<16xi32>
      %lt3A_177 = arith.cmpi slt, %sub3A_171, %lt3A_176 : vector<16xi32>
      %and3A_178 = arith.andi %ge3A_174, %lt3A_177 : vector<16xi1>
      %mul3A_179 = arith.constant 128 : i32
      %mul3A_180 = arith.muli %scan3A_99, %mul3A_179 : i32
      %add3A_181 = arith.constant 32 : i32
      %add3A_182 = arith.addi %mul3A_180, %add3A_181 : i32
      %add3A_183 = vector.broadcast %add3A_182 : i32 to vector<16xi32>
      %add3A_184 = arith.addi %add3A_183, %iota3A : vector<16xi32>
      %swap3A_185 = arith.index_cast %add3A_163 : i32 to index
      %swap3A_186 = tpu.vector_load %arg10[%swap3A_185] masked %and3A_178 {strides = array<i32>} : memref<4224xi32, #tpu.memory_space<vmem>>, vector<16xi32>, vector<16xi1>
      tpu.vector_store %arg10[%swap3A_185], %add3A_184 masked %and3A_178 {strides = array<i32>} : memref<4224xi32, #tpu.memory_space<vmem>>, vector<16xi32>, vector<16xi1>
      %swap3A_187 = arith.index_cast %add3A_163 : i32 to index
      %swap3A_188 = tpu.vector_load %arg11[%swap3A_187] masked %and3A_178 {strides = array<i32>} : memref<4224xi32, #tpu.memory_space<vmem>>, vector<16xi32>, vector<16xi1>
      tpu.vector_store %arg11[%swap3A_187], %get3A_169 masked %and3A_178 {strides = array<i32>} : memref<4224xi32, #tpu.memory_space<vmem>>, vector<16xi32>, vector<16xi1>
      %all_reduce_population_count3A_189 = tpu.all_reduce %and3A_178 {dim = 0 : i64, kind = #tpu.reduction_kind<sum>} : vector<16xi1> -> vector<16xi32>
      %reduce_max3A_190 = arith.constant true
      %reduce_max3A_191 = vector.broadcast %reduce_max3A_190 : i1 to vector<16xi1>
      %reduce_max3A_192 = arith.constant -2147483648 : i32
      %reduce_max3A_193 = vector.broadcast %reduce_max3A_192 : i32 to vector<16xi32>
      %reduce_max3A_194 = arith.xori %all_reduce_population_count3A_189, %reduce_max3A_193 : vector<16xi32>
      %reduce_max3A_195 = tpu.scan <max>, %reduce_max3A_194 masked %reduce_max3A_191 : vector<16xi32>, vector<16xi1> -> vector<16xi32>
      %reduce_max3A_196 = arith.xori %reduce_max3A_195, %reduce_max3A_193 : vector<16xi32>
      %reduce_max3A_197 = vector.extract %reduce_max3A_196[15] : i32 from vector<16xi32>
      %add3A_198 = arith.addi %add3A_163, %reduce_max3A_197 : i32
      %mul3A_199 = arith.constant 128 : i32
      %mul3A_200 = arith.muli %scan3A_99, %mul3A_199 : i32
      %add3A_201 = arith.constant 48 : i32
      %add3A_202 = arith.addi %mul3A_200, %add3A_201 : i32
      %get3A_203 = arith.index_cast %add3A_202 : i32 to index
      %get3A_204 = tpu.vector_load %arg7[%get3A_203] {strides = array<i32>} : memref<4096xi32, #tpu.memory_space<vmem>>, vector<16xi32>,
      %sub3A_205 = vector.broadcast %mul3A_2 : i32 to vector<16xi32>
      %sub3A_206 = arith.subi %get3A_204, %sub3A_205 : vector<16xi32>
      %ge3A_207 = arith.constant 0 : i32
      %ge3A_208 = vector.broadcast %ge3A_207 : i32 to vector<16xi32>
      %ge3A_209 = arith.cmpi sge, %sub3A_206, %ge3A_208 : vector<16xi32>
      %lt3A_210 = arith.constant 31250 : i32
      %lt3A_211 = vector.broadcast %lt3A_210 : i32 to vector<16xi32>
      %lt3A_212 = arith.cmpi slt, %sub3A_206, %lt3A_211 : vector<16xi32>
      %and3A_213 = arith.andi %ge3A_209, %lt3A_212 : vector<16xi1>
      %mul3A_214 = arith.constant 128 : i32
      %mul3A_215 = arith.muli %scan3A_99, %mul3A_214 : i32
      %add3A_216 = arith.constant 48 : i32
      %add3A_217 = arith.addi %mul3A_215, %add3A_216 : i32
      %add3A_218 = vector.broadcast %add3A_217 : i32 to vector<16xi32>
      %add3A_219 = arith.addi %add3A_218, %iota3A : vector<16xi32>
      %swap3A_220 = arith.index_cast %add3A_198 : i32 to index
      %swap3A_221 = tpu.vector_load %arg10[%swap3A_220] masked %and3A_213 {strides = array<i32>} : memref<4224xi32, #tpu.memory_space<vmem>>, vector<16xi32>, vector<16xi1>
      tpu.vector_store %arg10[%swap3A_220], %add3A_219 masked %and3A_213 {strides = array<i32>} : memref<4224xi32, #tpu.memory_space<vmem>>, vector<16xi32>, vector<16xi1>
      %swap3A_222 = arith.index_cast %add3A_198 : i32 to index
      %swap3A_223 = tpu.vector_load %arg11[%swap3A_222] masked %and3A_213 {strides = array<i32>} : memref<4224xi32, #tpu.memory_space<vmem>>, vector<16xi32>, vector<16xi1>
      tpu.vector_store %arg11[%swap3A_222], %get3A_204 masked %and3A_213 {strides = array<i32>} : memref<4224xi32, #tpu.memory_space<vmem>>, vector<16xi32>, vector<16xi1>
      %all_reduce_population_count3A_224 = tpu.all_reduce %and3A_213 {dim = 0 : i64, kind = #tpu.reduction_kind<sum>} : vector<16xi1> -> vector<16xi32>
      %reduce_max3A_225 = arith.constant true
      %reduce_max3A_226 = vector.broadcast %reduce_max3A_225 : i1 to vector<16xi1>
      %reduce_max3A_227 = arith.constant -2147483648 : i32
      %reduce_max3A_228 = vector.broadcast %reduce_max3A_227 : i32 to vector<16xi32>
      %reduce_max3A_229 = arith.xori %all_reduce_population_count3A_224, %reduce_max3A_228 : vector<16xi32>
      %reduce_max3A_230 = tpu.scan <max>, %reduce_max3A_229 masked %reduce_max3A_226 : vector<16xi32>, vector<16xi1> -> vector<16xi32>
      %reduce_max3A_231 = arith.xori %reduce_max3A_230, %reduce_max3A_228 : vector<16xi32>
      %reduce_max3A_232 = vector.extract %reduce_max3A_231[15] : i32 from vector<16xi32>
      %add3A_233 = arith.addi %add3A_198, %reduce_max3A_232 : i32
      %mul3A_234 = arith.constant 128 : i32
      %mul3A_235 = arith.muli %scan3A_99, %mul3A_234 : i32
      %add3A_236 = arith.constant 64 : i32
      %add3A_237 = arith.addi %mul3A_235, %add3A_236 : i32
      %get3A_238 = arith.index_cast %add3A_237 : i32 to index
      %get3A_239 = tpu.vector_load %arg7[%get3A_238] {strides = array<i32>} : memref<4096xi32, #tpu.memory_space<vmem>>, vector<16xi32>,
      %sub3A_240 = vector.broadcast %mul3A_2 : i32 to vector<16xi32>
      %sub3A_241 = arith.subi %get3A_239, %sub3A_240 : vector<16xi32>
      %ge3A_242 = arith.constant 0 : i32
      %ge3A_243 = vector.broadcast %ge3A_242 : i32 to vector<16xi32>
      %ge3A_244 = arith.cmpi sge, %sub3A_241, %ge3A_243 : vector<16xi32>
      %lt3A_245 = arith.constant 31250 : i32
      %lt3A_246 = vector.broadcast %lt3A_245 : i32 to vector<16xi32>
      %lt3A_247 = arith.cmpi slt, %sub3A_241, %lt3A_246 : vector<16xi32>
      %and3A_248 = arith.andi %ge3A_244, %lt3A_247 : vector<16xi1>
      %mul3A_249 = arith.constant 128 : i32
      %mul3A_250 = arith.muli %scan3A_99, %mul3A_249 : i32
      %add3A_251 = arith.constant 64 : i32
      %add3A_252 = arith.addi %mul3A_250, %add3A_251 : i32
      %add3A_253 = vector.broadcast %add3A_252 : i32 to vector<16xi32>
      %add3A_254 = arith.addi %add3A_253, %iota3A : vector<16xi32>
      %swap3A_255 = arith.index_cast %add3A_233 : i32 to index
      %swap3A_256 = tpu.vector_load %arg10[%swap3A_255] masked %and3A_248 {strides = array<i32>} : memref<4224xi32, #tpu.memory_space<vmem>>, vector<16xi32>, vector<16xi1>
      tpu.vector_store %arg10[%swap3A_255], %add3A_254 masked %and3A_248 {strides = array<i32>} : memref<4224xi32, #tpu.memory_space<vmem>>, vector<16xi32>, vector<16xi1>
      %swap3A_257 = arith.index_cast %add3A_233 : i32 to index
      %swap3A_258 = tpu.vector_load %arg11[%swap3A_257] masked %and3A_248 {strides = array<i32>} : memref<4224xi32, #tpu.memory_space<vmem>>, vector<16xi32>, vector<16xi1>
      tpu.vector_store %arg11[%swap3A_257], %get3A_239 masked %and3A_248 {strides = array<i32>} : memref<4224xi32, #tpu.memory_space<vmem>>, vector<16xi32>, vector<16xi1>
      %all_reduce_population_count3A_259 = tpu.all_reduce %and3A_248 {dim = 0 : i64, kind = #tpu.reduction_kind<sum>} : vector<16xi1> -> vector<16xi32>
      %reduce_max3A_260 = arith.constant true
      %reduce_max3A_261 = vector.broadcast %reduce_max3A_260 : i1 to vector<16xi1>
      %reduce_max3A_262 = arith.constant -2147483648 : i32
      %reduce_max3A_263 = vector.broadcast %reduce_max3A_262 : i32 to vector<16xi32>
      %reduce_max3A_264 = arith.xori %all_reduce_population_count3A_259, %reduce_max3A_263 : vector<16xi32>
      %reduce_max3A_265 = tpu.scan <max>, %reduce_max3A_264 masked %reduce_max3A_261 : vector<16xi32>, vector<16xi1> -> vector<16xi32>
      %reduce_max3A_266 = arith.xori %reduce_max3A_265, %reduce_max3A_263 : vector<16xi32>
      %reduce_max3A_267 = vector.extract %reduce_max3A_266[15] : i32 from vector<16xi32>
      %add3A_268 = arith.addi %add3A_233, %reduce_max3A_267 : i32
      %mul3A_269 = arith.constant 128 : i32
      %mul3A_270 = arith.muli %scan3A_99, %mul3A_269 : i32
      %add3A_271 = arith.constant 80 : i32
      %add3A_272 = arith.addi %mul3A_270, %add3A_271 : i32
      %get3A_273 = arith.index_cast %add3A_272 : i32 to index
      %get3A_274 = tpu.vector_load %arg7[%get3A_273] {strides = array<i32>} : memref<4096xi32, #tpu.memory_space<vmem>>, vector<16xi32>,
      %sub3A_275 = vector.broadcast %mul3A_2 : i32 to vector<16xi32>
      %sub3A_276 = arith.subi %get3A_274, %sub3A_275 : vector<16xi32>
      %ge3A_277 = arith.constant 0 : i32
      %ge3A_278 = vector.broadcast %ge3A_277 : i32 to vector<16xi32>
      %ge3A_279 = arith.cmpi sge, %sub3A_276, %ge3A_278 : vector<16xi32>
      %lt3A_280 = arith.constant 31250 : i32
      %lt3A_281 = vector.broadcast %lt3A_280 : i32 to vector<16xi32>
      %lt3A_282 = arith.cmpi slt, %sub3A_276, %lt3A_281 : vector<16xi32>
      %and3A_283 = arith.andi %ge3A_279, %lt3A_282 : vector<16xi1>
      %mul3A_284 = arith.constant 128 : i32
      %mul3A_285 = arith.muli %scan3A_99, %mul3A_284 : i32
      %add3A_286 = arith.constant 80 : i32
      %add3A_287 = arith.addi %mul3A_285, %add3A_286 : i32
      %add3A_288 = vector.broadcast %add3A_287 : i32 to vector<16xi32>
      %add3A_289 = arith.addi %add3A_288, %iota3A : vector<16xi32>
      %swap3A_290 = arith.index_cast %add3A_268 : i32 to index
      %swap3A_291 = tpu.vector_load %arg10[%swap3A_290] masked %and3A_283 {strides = array<i32>} : memref<4224xi32, #tpu.memory_space<vmem>>, vector<16xi32>, vector<16xi1>
      tpu.vector_store %arg10[%swap3A_290], %add3A_289 masked %and3A_283 {strides = array<i32>} : memref<4224xi32, #tpu.memory_space<vmem>>, vector<16xi32>, vector<16xi1>
      %swap3A_292 = arith.index_cast %add3A_268 : i32 to index
      %swap3A_293 = tpu.vector_load %arg11[%swap3A_292] masked %and3A_283 {strides = array<i32>} : memref<4224xi32, #tpu.memory_space<vmem>>, vector<16xi32>, vector<16xi1>
      tpu.vector_store %arg11[%swap3A_292], %get3A_274 masked %and3A_283 {strides = array<i32>} : memref<4224xi32, #tpu.memory_space<vmem>>, vector<16xi32>, vector<16xi1>
      %all_reduce_population_count3A_294 = tpu.all_reduce %and3A_283 {dim = 0 : i64, kind = #tpu.reduction_kind<sum>} : vector<16xi1> -> vector<16xi32>
      %reduce_max3A_295 = arith.constant true
      %reduce_max3A_296 = vector.broadcast %reduce_max3A_295 : i1 to vector<16xi1>
      %reduce_max3A_297 = arith.constant -2147483648 : i32
      %reduce_max3A_298 = vector.broadcast %reduce_max3A_297 : i32 to vector<16xi32>
      %reduce_max3A_299 = arith.xori %all_reduce_population_count3A_294, %reduce_max3A_298 : vector<16xi32>
      %reduce_max3A_300 = tpu.scan <max>, %reduce_max3A_299 masked %reduce_max3A_296 : vector<16xi32>, vector<16xi1> -> vector<16xi32>
      %reduce_max3A_301 = arith.xori %reduce_max3A_300, %reduce_max3A_298 : vector<16xi32>
      %reduce_max3A_302 = vector.extract %reduce_max3A_301[15] : i32 from vector<16xi32>
      %add3A_303 = arith.addi %add3A_268, %reduce_max3A_302 : i32
      %mul3A_304 = arith.constant 128 : i32
      %mul3A_305 = arith.muli %scan3A_99, %mul3A_304 : i32
      %add3A_306 = arith.constant 96 : i32
      %add3A_307 = arith.addi %mul3A_305, %add3A_306 : i32
      %get3A_308 = arith.index_cast %add3A_307 : i32 to index
      %get3A_309 = tpu.vector_load %arg7[%get3A_308] {strides = array<i32>} : memref<4096xi32, #tpu.memory_space<vmem>>, vector<16xi32>,
      %sub3A_310 = vector.broadcast %mul3A_2 : i32 to vector<16xi32>
      %sub3A_311 = arith.subi %get3A_309, %sub3A_310 : vector<16xi32>
      %ge3A_312 = arith.constant 0 : i32
      %ge3A_313 = vector.broadcast %ge3A_312 : i32 to vector<16xi32>
      %ge3A_314 = arith.cmpi sge, %sub3A_311, %ge3A_313 : vector<16xi32>
      %lt3A_315 = arith.constant 31250 : i32
      %lt3A_316 = vector.broadcast %lt3A_315 : i32 to vector<16xi32>
      %lt3A_317 = arith.cmpi slt, %sub3A_311, %lt3A_316 : vector<16xi32>
      %and3A_318 = arith.andi %ge3A_314, %lt3A_317 : vector<16xi1>
      %mul3A_319 = arith.constant 128 : i32
      %mul3A_320 = arith.muli %scan3A_99, %mul3A_319 : i32
      %add3A_321 = arith.constant 96 : i32
      %add3A_322 = arith.addi %mul3A_320, %add3A_321 : i32
      %add3A_323 = vector.broadcast %add3A_322 : i32 to vector<16xi32>
      %add3A_324 = arith.addi %add3A_323, %iota3A : vector<16xi32>
      %swap3A_325 = arith.index_cast %add3A_303 : i32 to index
      %swap3A_326 = tpu.vector_load %arg10[%swap3A_325] masked %and3A_318 {strides = array<i32>} : memref<4224xi32, #tpu.memory_space<vmem>>, vector<16xi32>, vector<16xi1>
      tpu.vector_store %arg10[%swap3A_325], %add3A_324 masked %and3A_318 {strides = array<i32>} : memref<4224xi32, #tpu.memory_space<vmem>>, vector<16xi32>, vector<16xi1>
      %swap3A_327 = arith.index_cast %add3A_303 : i32 to index
      %swap3A_328 = tpu.vector_load %arg11[%swap3A_327] masked %and3A_318 {strides = array<i32>} : memref<4224xi32, #tpu.memory_space<vmem>>, vector<16xi32>, vector<16xi1>
      tpu.vector_store %arg11[%swap3A_327], %get3A_309 masked %and3A_318 {strides = array<i32>} : memref<4224xi32, #tpu.memory_space<vmem>>, vector<16xi32>, vector<16xi1>
      %all_reduce_population_count3A_329 = tpu.all_reduce %and3A_318 {dim = 0 : i64, kind = #tpu.reduction_kind<sum>} : vector<16xi1> -> vector<16xi32>
      %reduce_max3A_330 = arith.constant true
      %reduce_max3A_331 = vector.broadcast %reduce_max3A_330 : i1 to vector<16xi1>
      %reduce_max3A_332 = arith.constant -2147483648 : i32
      %reduce_max3A_333 = vector.broadcast %reduce_max3A_332 : i32 to vector<16xi32>
      %reduce_max3A_334 = arith.xori %all_reduce_population_count3A_329, %reduce_max3A_333 : vector<16xi32>
      %reduce_max3A_335 = tpu.scan <max>, %reduce_max3A_334 masked %reduce_max3A_331 : vector<16xi32>, vector<16xi1> -> vector<16xi32>
      %reduce_max3A_336 = arith.xori %reduce_max3A_335, %reduce_max3A_333 : vector<16xi32>
      %reduce_max3A_337 = vector.extract %reduce_max3A_336[15] : i32 from vector<16xi32>
      %add3A_338 = arith.addi %add3A_303, %reduce_max3A_337 : i32
      %mul3A_339 = arith.constant 128 : i32
      %mul3A_340 = arith.muli %scan3A_99, %mul3A_339 : i32
      %add3A_341 = arith.constant 112 : i32
      %add3A_342 = arith.addi %mul3A_340, %add3A_341 : i32
      %get3A_343 = arith.index_cast %add3A_342 : i32 to index
      %get3A_344 = tpu.vector_load %arg7[%get3A_343] {strides = array<i32>} : memref<4096xi32, #tpu.memory_space<vmem>>, vector<16xi32>,
      %sub3A_345 = vector.broadcast %mul3A_2 : i32 to vector<16xi32>
      %sub3A_346 = arith.subi %get3A_344, %sub3A_345 : vector<16xi32>
      %ge3A_347 = arith.constant 0 : i32
      %ge3A_348 = vector.broadcast %ge3A_347 : i32 to vector<16xi32>
      %ge3A_349 = arith.cmpi sge, %sub3A_346, %ge3A_348 : vector<16xi32>
      %lt3A_350 = arith.constant 31250 : i32
      %lt3A_351 = vector.broadcast %lt3A_350 : i32 to vector<16xi32>
      %lt3A_352 = arith.cmpi slt, %sub3A_346, %lt3A_351 : vector<16xi32>
      %and3A_353 = arith.andi %ge3A_349, %lt3A_352 : vector<16xi1>
      %mul3A_354 = arith.constant 128 : i32
      %mul3A_355 = arith.muli %scan3A_99, %mul3A_354 : i32
      %add3A_356 = arith.constant 112 : i32
      %add3A_357 = arith.addi %mul3A_355, %add3A_356 : i32
      %add3A_358 = vector.broadcast %add3A_357 : i32 to vector<16xi32>
      %add3A_359 = arith.addi %add3A_358, %iota3A : vector<16xi32>
      %swap3A_360 = arith.index_cast %add3A_338 : i32 to index
      %swap3A_361 = tpu.vector_load %arg10[%swap3A_360] masked %and3A_353 {strides = array<i32>} : memref<4224xi32, #tpu.memory_space<vmem>>, vector<16xi32>, vector<16xi1>
      tpu.vector_store %arg10[%swap3A_360], %add3A_359 masked %and3A_353 {strides = array<i32>} : memref<4224xi32, #tpu.memory_space<vmem>>, vector<16xi32>, vector<16xi1>
      %swap3A_362 = arith.index_cast %add3A_338 : i32 to index
      %swap3A_363 = tpu.vector_load %arg11[%swap3A_362] masked %and3A_353 {strides = array<i32>} : memref<4224xi32, #tpu.memory_space<vmem>>, vector<16xi32>, vector<16xi1>
      tpu.vector_store %arg11[%swap3A_362], %get3A_344 masked %and3A_353 {strides = array<i32>} : memref<4224xi32, #tpu.memory_space<vmem>>, vector<16xi32>, vector<16xi1>
      %all_reduce_population_count3A_364 = tpu.all_reduce %and3A_353 {dim = 0 : i64, kind = #tpu.reduction_kind<sum>} : vector<16xi1> -> vector<16xi32>
      %reduce_max3A_365 = arith.constant true
      %reduce_max3A_366 = vector.broadcast %reduce_max3A_365 : i1 to vector<16xi1>
      %reduce_max3A_367 = arith.constant -2147483648 : i32
      %reduce_max3A_368 = vector.broadcast %reduce_max3A_367 : i32 to vector<16xi32>
      %reduce_max3A_369 = arith.xori %all_reduce_population_count3A_364, %reduce_max3A_368 : vector<16xi32>
      %reduce_max3A_370 = tpu.scan <max>, %reduce_max3A_369 masked %reduce_max3A_366 : vector<16xi32>, vector<16xi1> -> vector<16xi32>
      %reduce_max3A_371 = arith.xori %reduce_max3A_370, %reduce_max3A_368 : vector<16xi32>
      %reduce_max3A_372 = vector.extract %reduce_max3A_371[15] : i32 from vector<16xi32>
      %add3A_373 = arith.addi %add3A_338, %reduce_max3A_372 : i32
      scf.yield %add3A_373 : i32
    }
    %scan3A_12 = arith.constant 32 : i32
    %broadcast_in_dim3A = vector.broadcast %add3A_6 : i32 to vector<16xi32>
    %add3A_13 = arith.addi %broadcast_in_dim3A, %iota3A : vector<16xi32>
    %swap3A = arith.index_cast %scan3A_11 : i32 to index
    %swap3A_14 = tpu.vector_load %arg10[%swap3A] {strides = array<i32>} : memref<4224xi32, #tpu.memory_space<vmem>>, vector<16xi32>,
    tpu.vector_store %arg10[%swap3A], %add3A_13 {strides = array<i32>} : memref<4224xi32, #tpu.memory_space<vmem>>, vector<16xi32>,
    %broadcast_in_dim3A_15 = vector.broadcast %mul3A_2 : i32 to vector<16xi32>
    %swap3A_16 = arith.index_cast %scan3A_11 : i32 to index
    %swap3A_17 = tpu.vector_load %arg11[%swap3A_16] {strides = array<i32>} : memref<4224xi32, #tpu.memory_space<vmem>>, vector<16xi32>,
    tpu.vector_store %arg11[%swap3A_16], %broadcast_in_dim3A_15 {strides = array<i32>} : memref<4224xi32, #tpu.memory_space<vmem>>, vector<16xi32>,
    %add3A_18 = arith.constant 15 : i32
    %add3A_19 = arith.addi %scan3A_11, %add3A_18 : i32
    %shift_right_arithmetic3A = arith.constant 4 : i32
    %shift_right_arithmetic3A_20 = arith.shrsi %add3A_19, %shift_right_arithmetic3A : i32
    %while3A = arith.constant 0 : i32
    %while3A_21 = arith.constant 0 : i32
    %while3A_22 = arith.subi %shift_right_arithmetic3A_20, %while3A_21 : i32
    %while3A_23 = arith.addi %while3A_21, %while3A_22 : i32
    %while3A_24 = arith.constant 1 : i32
    %while3A_25 = arith.divsi %while3A_22, %while3A_24 : i32
    %while3A_26 = arith.muli %while3A_25, %while3A_24 : i32
    %while3A_27 = arith.addi %while3A_21, %while3A_26 : i32
    %while3A_28 = arith.constant 1 : i32
    scf.for %while3A_99 = %while3A_21 to %while3A_27 step %while3A_28  : i32 {
      %mul3A_100 = arith.constant 16 : i32
      %mul3A_101 = arith.muli %while3A_99, %mul3A_100 : i32
      %get3A = arith.index_cast %mul3A_101 : i32 to index
      %get3A_102 = tpu.vector_load %arg10[%get3A] {strides = array<i32>} : memref<4224xi32, #tpu.memory_space<vmem>>, vector<16xi32>,
      %lt3A = arith.constant 4096 : i32
      %lt3A_103 = vector.broadcast %lt3A : i32 to vector<16xi32>
      %lt3A_104 = arith.cmpi slt, %get3A_102, %lt3A_103 : vector<16xi32>
      %mul3A_105 = arith.constant 16 : i32
      %mul3A_106 = arith.muli %while3A_99, %mul3A_105 : i32
      %get3A_107 = arith.index_cast %mul3A_106 : i32 to index
      %get3A_108 = tpu.vector_load %arg11[%get3A_107] {strides = array<i32>} : memref<4224xi32, #tpu.memory_space<vmem>>, vector<16xi32>,
      %sub3A = vector.broadcast %mul3A_2 : i32 to vector<16xi32>
      %sub3A_109 = arith.subi %get3A_108, %sub3A : vector<16xi32>
      tpu.vector_store_idx %arg9[%sub3A_109], %get3A_102 masked %lt3A_104 : memref<31360xi32, #tpu.memory_space<vmem>>[vector<16xi32>], vector<16xi32>, vector<16xi1>
    }
    %while3A_29 = arith.constant 1 : i32
    scf.for %while3A_99 = %while3A_27 to %while3A_23 step %while3A_29  : i32 {
      %mul3A_100 = arith.constant 16 : i32
      %mul3A_101 = arith.muli %while3A_99, %mul3A_100 : i32
      %get3A = arith.index_cast %mul3A_101 : i32 to index
      %get3A_102 = tpu.vector_load %arg10[%get3A] {strides = array<i32>} : memref<4224xi32, #tpu.memory_space<vmem>>, vector<16xi32>,
      %lt3A = arith.constant 4096 : i32
      %lt3A_103 = vector.broadcast %lt3A : i32 to vector<16xi32>
      %lt3A_104 = arith.cmpi slt, %get3A_102, %lt3A_103 : vector<16xi32>
      %mul3A_105 = arith.constant 16 : i32
      %mul3A_106 = arith.muli %while3A_99, %mul3A_105 : i32
      %get3A_107 = arith.index_cast %mul3A_106 : i32 to index
      %get3A_108 = tpu.vector_load %arg11[%get3A_107] {strides = array<i32>} : memref<4224xi32, #tpu.memory_space<vmem>>, vector<16xi32>,
      %sub3A = vector.broadcast %mul3A_2 : i32 to vector<16xi32>
      %sub3A_109 = arith.subi %get3A_108, %sub3A : vector<16xi32>
      tpu.vector_store_idx %arg9[%sub3A_109], %get3A_102 masked %lt3A_104 : memref<31360xi32, #tpu.memory_space<vmem>>[vector<16xi32>], vector<16xi32>, vector<16xi1>
    }
    %while3A_30 = arith.constant 1 : i32
    %while3A_31 = scf.while (%while3A_99 = %while3A_30) : (i32) -> i32 {
      %gt3A = arith.constant 0 : i32
      %gt3A_100 = arith.cmpi sgt, %while3A_99, %gt3A : i32
      scf.condition(%gt3A_100) %while3A_99 : i32
    } do {
    ^bb0(%while3A_99: i32):
      %while3A_100 = arith.constant 0 : i32
      %while3A_101 = arith.constant 0 : i32
      %while3A_102 = arith.subi %shift_right_arithmetic3A_20, %while3A_100 : i32
      %while3A_103 = arith.addi %while3A_100, %while3A_102 : i32
      %while3A_104 = arith.constant 1 : i32
      %while3A_105 = arith.divsi %while3A_102, %while3A_104 : i32
      %while3A_106 = arith.muli %while3A_105, %while3A_104 : i32
      %while3A_107 = arith.addi %while3A_100, %while3A_106 : i32
      %while3A_108 = arith.constant 1 : i32
      %while3A_109 = scf.for %while3A_112 = %while3A_100 to %while3A_107 step %while3A_108 iter_args(%while3A_113 = %while3A_101) -> (i32)  : i32 {
        %mul3A_114 = arith.constant 16 : i32
        %mul3A_115 = arith.muli %while3A_112, %mul3A_114 : i32
        %get3A = arith.index_cast %mul3A_115 : i32 to index
        %get3A_116 = tpu.vector_load %arg10[%get3A] {strides = array<i32>} : memref<4224xi32, #tpu.memory_space<vmem>>, vector<16xi32>,
        %lt3A = arith.constant 4096 : i32
        %lt3A_117 = vector.broadcast %lt3A : i32 to vector<16xi32>
        %lt3A_118 = arith.cmpi slt, %get3A_116, %lt3A_117 : vector<16xi32>
        %mul3A_119 = arith.constant 16 : i32
        %mul3A_120 = arith.muli %while3A_112, %mul3A_119 : i32
        %get3A_121 = arith.index_cast %mul3A_120 : i32 to index
        %get3A_122 = tpu.vector_load %arg11[%get3A_121] {strides = array<i32>} : memref<4224xi32, #tpu.memory_space<vmem>>, vector<16xi32>,
        %sub3A = vector.broadcast %mul3A_2 : i32 to vector<16xi32>
        %sub3A_123 = arith.subi %get3A_122, %sub3A : vector<16xi32>
        %gather3A = tpu.vector_load_idx %arg9[%sub3A_123] masked %lt3A_118 : memref<31360xi32, #tpu.memory_space<vmem>>[vector<16xi32>], vector<16xi32>, vector<16xi1>
        %gt3A = arith.cmpi sgt, %get3A_116, %gather3A : vector<16xi32>
        %and3A = arith.andi %lt3A_118, %gt3A : vector<16xi1>
        tpu.vector_store_idx %arg9[%sub3A_123], %get3A_116 masked %and3A : memref<31360xi32, #tpu.memory_space<vmem>>[vector<16xi32>], vector<16xi32>, vector<16xi1>
        %all_reduce_population_count3A = tpu.all_reduce %and3A {dim = 0 : i64, kind = #tpu.reduction_kind<sum>} : vector<16xi1> -> vector<16xi32>
        %reduce_max3A = arith.constant true
        %reduce_max3A_124 = vector.broadcast %reduce_max3A : i1 to vector<16xi1>
        %reduce_max3A_125 = arith.constant -2147483648 : i32
        %reduce_max3A_126 = vector.broadcast %reduce_max3A_125 : i32 to vector<16xi32>
        %reduce_max3A_127 = arith.xori %all_reduce_population_count3A, %reduce_max3A_126 : vector<16xi32>
        %reduce_max3A_128 = tpu.scan <max>, %reduce_max3A_127 masked %reduce_max3A_124 : vector<16xi32>, vector<16xi1> -> vector<16xi32>
        %reduce_max3A_129 = arith.xori %reduce_max3A_128, %reduce_max3A_126 : vector<16xi32>
        %reduce_max3A_130 = vector.extract %reduce_max3A_129[15] : i32 from vector<16xi32>
        %add3A_131 = arith.addi %while3A_113, %reduce_max3A_130 : i32
        scf.yield %add3A_131 : i32
      }
      %while3A_110 = arith.constant 1 : i32
      %while3A_111 = scf.for %while3A_112 = %while3A_107 to %while3A_103 step %while3A_110 iter_args(%while3A_113 = %while3A_109) -> (i32)  : i32 {
        %mul3A_114 = arith.constant 16 : i32
        %mul3A_115 = arith.muli %while3A_112, %mul3A_114 : i32
        %get3A = arith.index_cast %mul3A_115 : i32 to index
        %get3A_116 = tpu.vector_load %arg10[%get3A] {strides = array<i32>} : memref<4224xi32, #tpu.memory_space<vmem>>, vector<16xi32>,
        %lt3A = arith.constant 4096 : i32
        %lt3A_117 = vector.broadcast %lt3A : i32 to vector<16xi32>
        %lt3A_118 = arith.cmpi slt, %get3A_116, %lt3A_117 : vector<16xi32>
        %mul3A_119 = arith.constant 16 : i32
        %mul3A_120 = arith.muli %while3A_112, %mul3A_119 : i32
        %get3A_121 = arith.index_cast %mul3A_120 : i32 to index
        %get3A_122 = tpu.vector_load %arg11[%get3A_121] {strides = array<i32>} : memref<4224xi32, #tpu.memory_space<vmem>>, vector<16xi32>,
        %sub3A = vector.broadcast %mul3A_2 : i32 to vector<16xi32>
        %sub3A_123 = arith.subi %get3A_122, %sub3A : vector<16xi32>
        %gather3A = tpu.vector_load_idx %arg9[%sub3A_123] masked %lt3A_118 : memref<31360xi32, #tpu.memory_space<vmem>>[vector<16xi32>], vector<16xi32>, vector<16xi1>
        %gt3A = arith.cmpi sgt, %get3A_116, %gather3A : vector<16xi32>
        %and3A = arith.andi %lt3A_118, %gt3A : vector<16xi1>
        tpu.vector_store_idx %arg9[%sub3A_123], %get3A_116 masked %and3A : memref<31360xi32, #tpu.memory_space<vmem>>[vector<16xi32>], vector<16xi32>, vector<16xi1>
        %all_reduce_population_count3A = tpu.all_reduce %and3A {dim = 0 : i64, kind = #tpu.reduction_kind<sum>} : vector<16xi1> -> vector<16xi32>
        %reduce_max3A = arith.constant true
        %reduce_max3A_124 = vector.broadcast %reduce_max3A : i1 to vector<16xi1>
        %reduce_max3A_125 = arith.constant -2147483648 : i32
        %reduce_max3A_126 = vector.broadcast %reduce_max3A_125 : i32 to vector<16xi32>
        %reduce_max3A_127 = arith.xori %all_reduce_population_count3A, %reduce_max3A_126 : vector<16xi32>
        %reduce_max3A_128 = tpu.scan <max>, %reduce_max3A_127 masked %reduce_max3A_124 : vector<16xi32>, vector<16xi1> -> vector<16xi32>
        %reduce_max3A_129 = arith.xori %reduce_max3A_128, %reduce_max3A_126 : vector<16xi32>
        %reduce_max3A_130 = vector.extract %reduce_max3A_129[15] : i32 from vector<16xi32>
        %add3A_131 = arith.addi %while3A_113, %reduce_max3A_130 : i32
        scf.yield %add3A_131 : i32
      }
      scf.yield %while3A_111 : i32
    }
    %while3A_32 = arith.constant 0 : i32
    %while3A_33 = arith.constant 0 : i32
    %while3A_34 = arith.constant 0 : i32
    %while3A_35 = arith.subi %shift_right_arithmetic3A_20, %while3A_32 : i32
    %while3A_36 = arith.addi %while3A_32, %while3A_35 : i32
    %while3A_37 = arith.constant 1 : i32
    %while3A_38 = arith.divsi %while3A_35, %while3A_37 : i32
    %while3A_39 = arith.muli %while3A_38, %while3A_37 : i32
    %while3A_40 = arith.addi %while3A_32, %while3A_39 : i32
    %while3A_41 = arith.constant 1 : i32
    %while3A_42:2 = scf.for %while3A_99 = %while3A_32 to %while3A_40 step %while3A_41 iter_args(%while3A_100 = %while3A_33, %while3A_101 = %while3A_34) -> (i32, i32)  : i32 {
      %mul3A_102 = arith.constant 16 : i32
      %mul3A_103 = arith.muli %while3A_99, %mul3A_102 : i32
      %get3A = arith.index_cast %mul3A_103 : i32 to index
      %get3A_104 = tpu.vector_load %arg10[%get3A] {strides = array<i32>} : memref<4224xi32, #tpu.memory_space<vmem>>, vector<16xi32>,
      %lt3A = arith.constant 4096 : i32
      %lt3A_105 = vector.broadcast %lt3A : i32 to vector<16xi32>
      %lt3A_106 = arith.cmpi slt, %get3A_104, %lt3A_105 : vector<16xi32>
      %mul3A_107 = arith.constant 16 : i32
      %mul3A_108 = arith.muli %while3A_99, %mul3A_107 : i32
      %get3A_109 = arith.index_cast %mul3A_108 : i32 to index
      %get3A_110 = tpu.vector_load %arg11[%get3A_109] {strides = array<i32>} : memref<4224xi32, #tpu.memory_space<vmem>>, vector<16xi32>,
      %sub3A = vector.broadcast %mul3A_2 : i32 to vector<16xi32>
      %sub3A_111 = arith.subi %get3A_110, %sub3A : vector<16xi32>
      %gather3A = tpu.vector_load_idx %arg9[%sub3A_111] masked %lt3A_106 : memref<31360xi32, #tpu.memory_space<vmem>>[vector<16xi32>], vector<16xi32>, vector<16xi1>
      %gather3A_112 = tpu.vector_load_idx %arg8[%gather3A] masked %lt3A_106 : memref<4096xi32, #tpu.memory_space<vmem>>[vector<16xi32>], vector<16xi32>, vector<16xi1>
      %gt3A = arith.constant 0 : i32
      %gt3A_113 = vector.broadcast %gt3A : i32 to vector<16xi32>
      %gt3A_114 = arith.cmpi sgt, %gather3A_112, %gt3A_113 : vector<16xi32>
      %and3A = arith.andi %lt3A_106, %gt3A_114 : vector<16xi1>
      %not3A = arith.constant dense<true> : vector<16xi1>
      %not3A_115 = arith.xori %and3A, %not3A : vector<16xi1>
      %and3A_116 = arith.andi %lt3A_106, %not3A_115 : vector<16xi1>
      %swap3A_117 = arith.index_cast %while3A_100 : i32 to index
      %swap3A_118 = tpu.vector_load %arg12[%swap3A_117] masked %and3A {strides = array<i32>} : memref<4224xi32, #tpu.memory_space<vmem>>, vector<16xi32>, vector<16xi1>
      tpu.vector_store %arg12[%swap3A_117], %get3A_104 masked %and3A {strides = array<i32>} : memref<4224xi32, #tpu.memory_space<vmem>>, vector<16xi32>, vector<16xi1>
      %swap3A_119 = arith.index_cast %while3A_100 : i32 to index
      %swap3A_120 = tpu.vector_load %arg13[%swap3A_119] masked %and3A {strides = array<i32>} : memref<4224xi32, #tpu.memory_space<vmem>>, vector<16xi32>, vector<16xi1>
      tpu.vector_store %arg13[%swap3A_119], %get3A_110 masked %and3A {strides = array<i32>} : memref<4224xi32, #tpu.memory_space<vmem>>, vector<16xi32>, vector<16xi1>
      %all_reduce_population_count3A = tpu.all_reduce %and3A {dim = 0 : i64, kind = #tpu.reduction_kind<sum>} : vector<16xi1> -> vector<16xi32>
      %swap3A_121 = arith.index_cast %while3A_101 : i32 to index
      %swap3A_122 = tpu.vector_load %arg10[%swap3A_121] masked %and3A_116 {strides = array<i32>} : memref<4224xi32, #tpu.memory_space<vmem>>, vector<16xi32>, vector<16xi1>
      tpu.vector_store %arg10[%swap3A_121], %get3A_104 masked %and3A_116 {strides = array<i32>} : memref<4224xi32, #tpu.memory_space<vmem>>, vector<16xi32>, vector<16xi1>
      %jit3A = arith.constant 0 : i32
      %broadcast_in_dim3A_123 = vector.broadcast %jit3A : i32 to vector<16xi32>
      %select_n3A = arith.select %lt3A_106, %gather3A, %broadcast_in_dim3A_123 : vector<16xi1>, vector<16xi32>
      %swap3A_124 = arith.index_cast %while3A_101 : i32 to index
      %swap3A_125 = tpu.vector_load %arg11[%swap3A_124] masked %and3A_116 {strides = array<i32>} : memref<4224xi32, #tpu.memory_space<vmem>>, vector<16xi32>, vector<16xi1>
      tpu.vector_store %arg11[%swap3A_124], %select_n3A masked %and3A_116 {strides = array<i32>} : memref<4224xi32, #tpu.memory_space<vmem>>, vector<16xi32>, vector<16xi1>
      %all_reduce_population_count3A_126 = tpu.all_reduce %and3A_116 {dim = 0 : i64, kind = #tpu.reduction_kind<sum>} : vector<16xi1> -> vector<16xi32>
      %reduce_max3A = arith.constant true
      %reduce_max3A_127 = vector.broadcast %reduce_max3A : i1 to vector<16xi1>
      %reduce_max3A_128 = arith.constant -2147483648 : i32
      %reduce_max3A_129 = vector.broadcast %reduce_max3A_128 : i32 to vector<16xi32>
      %reduce_max3A_130 = arith.xori %all_reduce_population_count3A, %reduce_max3A_129 : vector<16xi32>
      %reduce_max3A_131 = tpu.scan <max>, %reduce_max3A_130 masked %reduce_max3A_127 : vector<16xi32>, vector<16xi1> -> vector<16xi32>
      %reduce_max3A_132 = arith.xori %reduce_max3A_131, %reduce_max3A_129 : vector<16xi32>
      %reduce_max3A_133 = vector.extract %reduce_max3A_132[15] : i32 from vector<16xi32>
      %add3A_134 = arith.addi %while3A_100, %reduce_max3A_133 : i32
      %reduce_max3A_135 = arith.constant true
      %reduce_max3A_136 = vector.broadcast %reduce_max3A_135 : i1 to vector<16xi1>
      %reduce_max3A_137 = arith.constant -2147483648 : i32
      %reduce_max3A_138 = vector.broadcast %reduce_max3A_137 : i32 to vector<16xi32>
      %reduce_max3A_139 = arith.xori %all_reduce_population_count3A_126, %reduce_max3A_138 : vector<16xi32>
      %reduce_max3A_140 = tpu.scan <max>, %reduce_max3A_139 masked %reduce_max3A_136 : vector<16xi32>, vector<16xi1> -> vector<16xi32>
      %reduce_max3A_141 = arith.xori %reduce_max3A_140, %reduce_max3A_138 : vector<16xi32>
      %reduce_max3A_142 = vector.extract %reduce_max3A_141[15] : i32 from vector<16xi32>
      %add3A_143 = arith.addi %while3A_101, %reduce_max3A_142 : i32
      scf.yield %add3A_134, %add3A_143 : i32, i32
    }
    %while3A_43 = arith.constant 1 : i32
    %while3A_44:2 = scf.for %while3A_99 = %while3A_40 to %while3A_36 step %while3A_43 iter_args(%while3A_100 = %while3A_42#0, %while3A_101 = %while3A_42#1) -> (i32, i32)  : i32 {
      %mul3A_102 = arith.constant 16 : i32
      %mul3A_103 = arith.muli %while3A_99, %mul3A_102 : i32
      %get3A = arith.index_cast %mul3A_103 : i32 to index
      %get3A_104 = tpu.vector_load %arg10[%get3A] {strides = array<i32>} : memref<4224xi32, #tpu.memory_space<vmem>>, vector<16xi32>,
      %lt3A = arith.constant 4096 : i32
      %lt3A_105 = vector.broadcast %lt3A : i32 to vector<16xi32>
      %lt3A_106 = arith.cmpi slt, %get3A_104, %lt3A_105 : vector<16xi32>
      %mul3A_107 = arith.constant 16 : i32
      %mul3A_108 = arith.muli %while3A_99, %mul3A_107 : i32
      %get3A_109 = arith.index_cast %mul3A_108 : i32 to index
      %get3A_110 = tpu.vector_load %arg11[%get3A_109] {strides = array<i32>} : memref<4224xi32, #tpu.memory_space<vmem>>, vector<16xi32>,
      %sub3A = vector.broadcast %mul3A_2 : i32 to vector<16xi32>
      %sub3A_111 = arith.subi %get3A_110, %sub3A : vector<16xi32>
      %gather3A = tpu.vector_load_idx %arg9[%sub3A_111] masked %lt3A_106 : memref<31360xi32, #tpu.memory_space<vmem>>[vector<16xi32>], vector<16xi32>, vector<16xi1>
      %gather3A_112 = tpu.vector_load_idx %arg8[%gather3A] masked %lt3A_106 : memref<4096xi32, #tpu.memory_space<vmem>>[vector<16xi32>], vector<16xi32>, vector<16xi1>
      %gt3A = arith.constant 0 : i32
      %gt3A_113 = vector.broadcast %gt3A : i32 to vector<16xi32>
      %gt3A_114 = arith.cmpi sgt, %gather3A_112, %gt3A_113 : vector<16xi32>
      %and3A = arith.andi %lt3A_106, %gt3A_114 : vector<16xi1>
      %not3A = arith.constant dense<true> : vector<16xi1>
      %not3A_115 = arith.xori %and3A, %not3A : vector<16xi1>
      %and3A_116 = arith.andi %lt3A_106, %not3A_115 : vector<16xi1>
      %swap3A_117 = arith.index_cast %while3A_100 : i32 to index
      %swap3A_118 = tpu.vector_load %arg12[%swap3A_117] masked %and3A {strides = array<i32>} : memref<4224xi32, #tpu.memory_space<vmem>>, vector<16xi32>, vector<16xi1>
      tpu.vector_store %arg12[%swap3A_117], %get3A_104 masked %and3A {strides = array<i32>} : memref<4224xi32, #tpu.memory_space<vmem>>, vector<16xi32>, vector<16xi1>
      %swap3A_119 = arith.index_cast %while3A_100 : i32 to index
      %swap3A_120 = tpu.vector_load %arg13[%swap3A_119] masked %and3A {strides = array<i32>} : memref<4224xi32, #tpu.memory_space<vmem>>, vector<16xi32>, vector<16xi1>
      tpu.vector_store %arg13[%swap3A_119], %get3A_110 masked %and3A {strides = array<i32>} : memref<4224xi32, #tpu.memory_space<vmem>>, vector<16xi32>, vector<16xi1>
      %all_reduce_population_count3A = tpu.all_reduce %and3A {dim = 0 : i64, kind = #tpu.reduction_kind<sum>} : vector<16xi1> -> vector<16xi32>
      %swap3A_121 = arith.index_cast %while3A_101 : i32 to index
      %swap3A_122 = tpu.vector_load %arg10[%swap3A_121] masked %and3A_116 {strides = array<i32>} : memref<4224xi32, #tpu.memory_space<vmem>>, vector<16xi32>, vector<16xi1>
      tpu.vector_store %arg10[%swap3A_121], %get3A_104 masked %and3A_116 {strides = array<i32>} : memref<4224xi32, #tpu.memory_space<vmem>>, vector<16xi32>, vector<16xi1>
      %jit3A = arith.constant 0 : i32
      %broadcast_in_dim3A_123 = vector.broadcast %jit3A : i32 to vector<16xi32>
      %select_n3A = arith.select %lt3A_106, %gather3A, %broadcast_in_dim3A_123 : vector<16xi1>, vector<16xi32>
      %swap3A_124 = arith.index_cast %while3A_101 : i32 to index
      %swap3A_125 = tpu.vector_load %arg11[%swap3A_124] masked %and3A_116 {strides = array<i32>} : memref<4224xi32, #tpu.memory_space<vmem>>, vector<16xi32>, vector<16xi1>
      tpu.vector_store %arg11[%swap3A_124], %select_n3A masked %and3A_116 {strides = array<i32>} : memref<4224xi32, #tpu.memory_space<vmem>>, vector<16xi32>, vector<16xi1>
      %all_reduce_population_count3A_126 = tpu.all_reduce %and3A_116 {dim = 0 : i64, kind = #tpu.reduction_kind<sum>} : vector<16xi1> -> vector<16xi32>
      %reduce_max3A = arith.constant true
      %reduce_max3A_127 = vector.broadcast %reduce_max3A : i1 to vector<16xi1>
      %reduce_max3A_128 = arith.constant -2147483648 : i32
      %reduce_max3A_129 = vector.broadcast %reduce_max3A_128 : i32 to vector<16xi32>
      %reduce_max3A_130 = arith.xori %all_reduce_population_count3A, %reduce_max3A_129 : vector<16xi32>
      %reduce_max3A_131 = tpu.scan <max>, %reduce_max3A_130 masked %reduce_max3A_127 : vector<16xi32>, vector<16xi1> -> vector<16xi32>
      %reduce_max3A_132 = arith.xori %reduce_max3A_131, %reduce_max3A_129 : vector<16xi32>
      %reduce_max3A_133 = vector.extract %reduce_max3A_132[15] : i32 from vector<16xi32>
      %add3A_134 = arith.addi %while3A_100, %reduce_max3A_133 : i32
      %reduce_max3A_135 = arith.constant true
      %reduce_max3A_136 = vector.broadcast %reduce_max3A_135 : i1 to vector<16xi1>
      %reduce_max3A_137 = arith.constant -2147483648 : i32
      %reduce_max3A_138 = vector.broadcast %reduce_max3A_137 : i32 to vector<16xi32>
      %reduce_max3A_139 = arith.xori %all_reduce_population_count3A_126, %reduce_max3A_138 : vector<16xi32>
      %reduce_max3A_140 = tpu.scan <max>, %reduce_max3A_139 masked %reduce_max3A_136 : vector<16xi32>, vector<16xi1> -> vector<16xi32>
      %reduce_max3A_141 = arith.xori %reduce_max3A_140, %reduce_max3A_138 : vector<16xi32>
      %reduce_max3A_142 = vector.extract %reduce_max3A_141[15] : i32 from vector<16xi32>
      %add3A_143 = arith.addi %while3A_101, %reduce_max3A_142 : i32
      scf.yield %add3A_134, %add3A_143 : i32, i32
    }
    %broadcast_in_dim3A_45 = vector.broadcast %add3A_6 : i32 to vector<16xi32>
    %add3A_46 = arith.addi %broadcast_in_dim3A_45, %iota3A : vector<16xi32>
    %swap3A_47 = arith.index_cast %while3A_44#0 : i32 to index
    %swap3A_48 = tpu.vector_load %arg12[%swap3A_47] {strides = array<i32>} : memref<4224xi32, #tpu.memory_space<vmem>>, vector<16xi32>,
    tpu.vector_store %arg12[%swap3A_47], %add3A_46 {strides = array<i32>} : memref<4224xi32, #tpu.memory_space<vmem>>, vector<16xi32>,
    %broadcast_in_dim3A_49 = vector.broadcast %mul3A_2 : i32 to vector<16xi32>
    %swap3A_50 = arith.index_cast %while3A_44#0 : i32 to index
    %swap3A_51 = tpu.vector_load %arg13[%swap3A_50] {strides = array<i32>} : memref<4224xi32, #tpu.memory_space<vmem>>, vector<16xi32>,
    tpu.vector_store %arg13[%swap3A_50], %broadcast_in_dim3A_49 {strides = array<i32>} : memref<4224xi32, #tpu.memory_space<vmem>>, vector<16xi32>,
    %scan3A_52 = arith.constant 0 : i32
    %scan3A_53 = arith.constant 0 : i32
    %scan3A_54 = arith.constant 2 : i32
    %scan3A_55 = arith.addi %scan3A_53, %scan3A_54 : i32
    %scan3A_56 = arith.constant 1 : i32
    scf.for %scan3A_99 = %scan3A_53 to %scan3A_55 step %scan3A_56  : i32 {
      %broadcast_in_dim3A_100 = vector.broadcast %add3A_6 : i32 to vector<16xi32>
      %mul3A_101 = arith.constant 16 : i32
      %mul3A_102 = arith.muli %scan3A_99, %mul3A_101 : i32
      %add3A_103 = vector.broadcast %mul3A_102 : i32 to vector<16xi32>
      %add3A_104 = arith.addi %broadcast_in_dim3A_100, %add3A_103 : vector<16xi32>
      %add3A_105 = arith.addi %add3A_104, %iota3A : vector<16xi32>
      %mul3A_106 = arith.constant 16 : i32
      %mul3A_107 = arith.muli %scan3A_99, %mul3A_106 : i32
      %add3A_108 = arith.addi %while3A_44#1, %mul3A_107 : i32
      %swap3A_109 = arith.index_cast %add3A_108 : i32 to index
      %swap3A_110 = tpu.vector_load %arg10[%swap3A_109] {strides = array<i32>} : memref<4224xi32, #tpu.memory_space<vmem>>, vector<16xi32>,
      tpu.vector_store %arg10[%swap3A_109], %add3A_105 {strides = array<i32>} : memref<4224xi32, #tpu.memory_space<vmem>>, vector<16xi32>,
      %broadcast_in_dim3A_111 = arith.constant 0 : i32
      %broadcast_in_dim3A_112 = vector.broadcast %broadcast_in_dim3A_111 : i32 to vector<16xi32>
      %mul3A_113 = arith.constant 16 : i32
      %mul3A_114 = arith.muli %scan3A_99, %mul3A_113 : i32
      %add3A_115 = arith.addi %while3A_44#1, %mul3A_114 : i32
      %swap3A_116 = arith.index_cast %add3A_115 : i32 to index
      %swap3A_117 = tpu.vector_load %arg11[%swap3A_116] {strides = array<i32>} : memref<4224xi32, #tpu.memory_space<vmem>>, vector<16xi32>,
      tpu.vector_store %arg11[%swap3A_116], %broadcast_in_dim3A_112 {strides = array<i32>} : memref<4224xi32, #tpu.memory_space<vmem>>, vector<16xi32>,
    }
    %scan3A_57 = arith.constant 2 : i32
    %add3A_58 = arith.constant 15 : i32
    %add3A_59 = arith.addi %while3A_44#0, %add3A_58 : i32
    %shift_right_arithmetic3A_60 = arith.constant 4 : i32
    %shift_right_arithmetic3A_61 = arith.shrsi %add3A_59, %shift_right_arithmetic3A_60 : i32
    %add3A_62 = arith.constant 15 : i32
    %add3A_63 = arith.addi %while3A_44#1, %add3A_62 : i32
    %shift_right_arithmetic3A_64 = arith.constant 4 : i32
    %shift_right_arithmetic3A_65 = arith.shrsi %add3A_63, %shift_right_arithmetic3A_64 : i32
    %while3A_66 = arith.constant 0 : i32
    %while3A_67 = arith.constant 0 : i32
    %while3A_68 = arith.subi %shift_right_arithmetic3A_61, %while3A_67 : i32
    %while3A_69 = arith.addi %while3A_67, %while3A_68 : i32
    %while3A_70 = arith.constant 1 : i32
    %while3A_71 = arith.divsi %while3A_68, %while3A_70 : i32
    %while3A_72 = arith.muli %while3A_71, %while3A_70 : i32
    %while3A_73 = arith.addi %while3A_67, %while3A_72 : i32
    %while3A_74 = arith.constant 1 : i32
    scf.for %while3A_99 = %while3A_67 to %while3A_73 step %while3A_74  : i32 {
      %mul3A_100 = arith.constant 16 : i32
      %mul3A_101 = arith.muli %while3A_99, %mul3A_100 : i32
      %get3A = arith.index_cast %mul3A_101 : i32 to index
      %get3A_102 = tpu.vector_load %arg13[%get3A] {strides = array<i32>} : memref<4224xi32, #tpu.memory_space<vmem>>, vector<16xi32>,
      %mul3A_103 = arith.constant 16 : i32
      %mul3A_104 = arith.muli %while3A_99, %mul3A_103 : i32
      %get3A_105 = arith.index_cast %mul3A_104 : i32 to index
      %get3A_106 = tpu.vector_load %arg12[%get3A_105] {strides = array<i32>} : memref<4224xi32, #tpu.memory_space<vmem>>, vector<16xi32>,
      %slice3A = vector.extract_strided_slice %get3A_102 {offsets = [0], sizes = [1], strides = [1]} : vector<16xi32> to vector<1xi32>
      %squeeze3A = vector.extract %slice3A[0] : i32 from vector<1xi32>
      %slice3A_107 = vector.extract_strided_slice %get3A_106 {offsets = [0], sizes = [1], strides = [1]} : vector<16xi32> to vector<1xi32>
      %squeeze3A_108 = vector.extract %slice3A_107[0] : i32 from vector<1xi32>
      %dma_start3A = arith.constant 0 : i32
      %dma_start3A_109 = tpu.memref_slice %arg6[%squeeze3A_108, %dma_start3A] : memref<8192x6xf32, #tpu.memory_space<hbm>> -> memref<1x6xf32, #tpu.memory_space<hbm>>
      %dma_start3A_110 = arith.constant 0 : i32
      %dma_start3A_111 = tpu.memref_slice %arg2[%squeeze3A, %dma_start3A_110] : memref<1000000x6xf32, #tpu.memory_space<hbm>> -> memref<1x6xf32, #tpu.memory_space<hbm>>
      tpu.enqueue_dma source(%dma_start3A_111 : memref<1x6xf32, #tpu.memory_space<hbm>>) target(%dma_start3A_109 : memref<1x6xf32, #tpu.memory_space<hbm>>) target_semaphore(%arg14 : memref<!tpu.dma_semaphore, #tpu.memory_space<semaphore_mem>>)
      %slice3A_112 = vector.extract_strided_slice %get3A_102 {offsets = [1], sizes = [1], strides = [1]} : vector<16xi32> to vector<1xi32>
      %squeeze3A_113 = vector.extract %slice3A_112[0] : i32 from vector<1xi32>
      %slice3A_114 = vector.extract_strided_slice %get3A_106 {offsets = [1], sizes = [1], strides = [1]} : vector<16xi32> to vector<1xi32>
      %squeeze3A_115 = vector.extract %slice3A_114[0] : i32 from vector<1xi32>
      %dma_start3A_116 = arith.constant 0 : i32
      %dma_start3A_117 = tpu.memref_slice %arg6[%squeeze3A_115, %dma_start3A_116] : memref<8192x6xf32, #tpu.memory_space<hbm>> -> memref<1x6xf32, #tpu.memory_space<hbm>>
      %dma_start3A_118 = arith.constant 0 : i32
      %dma_start3A_119 = tpu.memref_slice %arg2[%squeeze3A_113, %dma_start3A_118] : memref<1000000x6xf32, #tpu.memory_space<hbm>> -> memref<1x6xf32, #tpu.memory_space<hbm>>
      tpu.enqueue_dma source(%dma_start3A_119 : memref<1x6xf32, #tpu.memory_space<hbm>>) target(%dma_start3A_117 : memref<1x6xf32, #tpu.memory_space<hbm>>) target_semaphore(%arg14 : memref<!tpu.dma_semaphore, #tpu.memory_space<semaphore_mem>>)
      %slice3A_120 = vector.extract_strided_slice %get3A_102 {offsets = [2], sizes = [1], strides = [1]} : vector<16xi32> to vector<1xi32>
      %squeeze3A_121 = vector.extract %slice3A_120[0] : i32 from vector<1xi32>
      %slice3A_122 = vector.extract_strided_slice %get3A_106 {offsets = [2], sizes = [1], strides = [1]} : vector<16xi32> to vector<1xi32>
      %squeeze3A_123 = vector.extract %slice3A_122[0] : i32 from vector<1xi32>
      %dma_start3A_124 = arith.constant 0 : i32
      %dma_start3A_125 = tpu.memref_slice %arg6[%squeeze3A_123, %dma_start3A_124] : memref<8192x6xf32, #tpu.memory_space<hbm>> -> memref<1x6xf32, #tpu.memory_space<hbm>>
      %dma_start3A_126 = arith.constant 0 : i32
      %dma_start3A_127 = tpu.memref_slice %arg2[%squeeze3A_121, %dma_start3A_126] : memref<1000000x6xf32, #tpu.memory_space<hbm>> -> memref<1x6xf32, #tpu.memory_space<hbm>>
      tpu.enqueue_dma source(%dma_start3A_127 : memref<1x6xf32, #tpu.memory_space<hbm>>) target(%dma_start3A_125 : memref<1x6xf32, #tpu.memory_space<hbm>>) target_semaphore(%arg14 : memref<!tpu.dma_semaphore, #tpu.memory_space<semaphore_mem>>)
      %slice3A_128 = vector.extract_strided_slice %get3A_102 {offsets = [3], sizes = [1], strides = [1]} : vector<16xi32> to vector<1xi32>
      %squeeze3A_129 = vector.extract %slice3A_128[0] : i32 from vector<1xi32>
      %slice3A_130 = vector.extract_strided_slice %get3A_106 {offsets = [3], sizes = [1], strides = [1]} : vector<16xi32> to vector<1xi32>
      %squeeze3A_131 = vector.extract %slice3A_130[0] : i32 from vector<1xi32>
      %dma_start3A_132 = arith.constant 0 : i32
      %dma_start3A_133 = tpu.memref_slice %arg6[%squeeze3A_131, %dma_start3A_132] : memref<8192x6xf32, #tpu.memory_space<hbm>> -> memref<1x6xf32, #tpu.memory_space<hbm>>
      %dma_start3A_134 = arith.constant 0 : i32
      %dma_start3A_135 = tpu.memref_slice %arg2[%squeeze3A_129, %dma_start3A_134] : memref<1000000x6xf32, #tpu.memory_space<hbm>> -> memref<1x6xf32, #tpu.memory_space<hbm>>
      tpu.enqueue_dma source(%dma_start3A_135 : memref<1x6xf32, #tpu.memory_space<hbm>>) target(%dma_start3A_133 : memref<1x6xf32, #tpu.memory_space<hbm>>) target_semaphore(%arg14 : memref<!tpu.dma_semaphore, #tpu.memory_space<semaphore_mem>>)
      %slice3A_136 = vector.extract_strided_slice %get3A_102 {offsets = [4], sizes = [1], strides = [1]} : vector<16xi32> to vector<1xi32>
      %squeeze3A_137 = vector.extract %slice3A_136[0] : i32 from vector<1xi32>
      %slice3A_138 = vector.extract_strided_slice %get3A_106 {offsets = [4], sizes = [1], strides = [1]} : vector<16xi32> to vector<1xi32>
      %squeeze3A_139 = vector.extract %slice3A_138[0] : i32 from vector<1xi32>
      %dma_start3A_140 = arith.constant 0 : i32
      %dma_start3A_141 = tpu.memref_slice %arg6[%squeeze3A_139, %dma_start3A_140] : memref<8192x6xf32, #tpu.memory_space<hbm>> -> memref<1x6xf32, #tpu.memory_space<hbm>>
      %dma_start3A_142 = arith.constant 0 : i32
      %dma_start3A_143 = tpu.memref_slice %arg2[%squeeze3A_137, %dma_start3A_142] : memref<1000000x6xf32, #tpu.memory_space<hbm>> -> memref<1x6xf32, #tpu.memory_space<hbm>>
      tpu.enqueue_dma source(%dma_start3A_143 : memref<1x6xf32, #tpu.memory_space<hbm>>) target(%dma_start3A_141 : memref<1x6xf32, #tpu.memory_space<hbm>>) target_semaphore(%arg14 : memref<!tpu.dma_semaphore, #tpu.memory_space<semaphore_mem>>)
      %slice3A_144 = vector.extract_strided_slice %get3A_102 {offsets = [5], sizes = [1], strides = [1]} : vector<16xi32> to vector<1xi32>
      %squeeze3A_145 = vector.extract %slice3A_144[0] : i32 from vector<1xi32>
      %slice3A_146 = vector.extract_strided_slice %get3A_106 {offsets = [5], sizes = [1], strides = [1]} : vector<16xi32> to vector<1xi32>
      %squeeze3A_147 = vector.extract %slice3A_146[0] : i32 from vector<1xi32>
      %dma_start3A_148 = arith.constant 0 : i32
      %dma_start3A_149 = tpu.memref_slice %arg6[%squeeze3A_147, %dma_start3A_148] : memref<8192x6xf32, #tpu.memory_space<hbm>> -> memref<1x6xf32, #tpu.memory_space<hbm>>
      %dma_start3A_150 = arith.constant 0 : i32
      %dma_start3A_151 = tpu.memref_slice %arg2[%squeeze3A_145, %dma_start3A_150] : memref<1000000x6xf32, #tpu.memory_space<hbm>> -> memref<1x6xf32, #tpu.memory_space<hbm>>
      tpu.enqueue_dma source(%dma_start3A_151 : memref<1x6xf32, #tpu.memory_space<hbm>>) target(%dma_start3A_149 : memref<1x6xf32, #tpu.memory_space<hbm>>) target_semaphore(%arg14 : memref<!tpu.dma_semaphore, #tpu.memory_space<semaphore_mem>>)
      %slice3A_152 = vector.extract_strided_slice %get3A_102 {offsets = [6], sizes = [1], strides = [1]} : vector<16xi32> to vector<1xi32>
      %squeeze3A_153 = vector.extract %slice3A_152[0] : i32 from vector<1xi32>
      %slice3A_154 = vector.extract_strided_slice %get3A_106 {offsets = [6], sizes = [1], strides = [1]} : vector<16xi32> to vector<1xi32>
      %squeeze3A_155 = vector.extract %slice3A_154[0] : i32 from vector<1xi32>
      %dma_start3A_156 = arith.constant 0 : i32
      %dma_start3A_157 = tpu.memref_slice %arg6[%squeeze3A_155, %dma_start3A_156] : memref<8192x6xf32, #tpu.memory_space<hbm>> -> memref<1x6xf32, #tpu.memory_space<hbm>>
      %dma_start3A_158 = arith.constant 0 : i32
      %dma_start3A_159 = tpu.memref_slice %arg2[%squeeze3A_153, %dma_start3A_158] : memref<1000000x6xf32, #tpu.memory_space<hbm>> -> memref<1x6xf32, #tpu.memory_space<hbm>>
      tpu.enqueue_dma source(%dma_start3A_159 : memref<1x6xf32, #tpu.memory_space<hbm>>) target(%dma_start3A_157 : memref<1x6xf32, #tpu.memory_space<hbm>>) target_semaphore(%arg14 : memref<!tpu.dma_semaphore, #tpu.memory_space<semaphore_mem>>)
      %slice3A_160 = vector.extract_strided_slice %get3A_102 {offsets = [7], sizes = [1], strides = [1]} : vector<16xi32> to vector<1xi32>
      %squeeze3A_161 = vector.extract %slice3A_160[0] : i32 from vector<1xi32>
      %slice3A_162 = vector.extract_strided_slice %get3A_106 {offsets = [7], sizes = [1], strides = [1]} : vector<16xi32> to vector<1xi32>
      %squeeze3A_163 = vector.extract %slice3A_162[0] : i32 from vector<1xi32>
      %dma_start3A_164 = arith.constant 0 : i32
      %dma_start3A_165 = tpu.memref_slice %arg6[%squeeze3A_163, %dma_start3A_164] : memref<8192x6xf32, #tpu.memory_space<hbm>> -> memref<1x6xf32, #tpu.memory_space<hbm>>
      %dma_start3A_166 = arith.constant 0 : i32
      %dma_start3A_167 = tpu.memref_slice %arg2[%squeeze3A_161, %dma_start3A_166] : memref<1000000x6xf32, #tpu.memory_space<hbm>> -> memref<1x6xf32, #tpu.memory_space<hbm>>
      tpu.enqueue_dma source(%dma_start3A_167 : memref<1x6xf32, #tpu.memory_space<hbm>>) target(%dma_start3A_165 : memref<1x6xf32, #tpu.memory_space<hbm>>) target_semaphore(%arg14 : memref<!tpu.dma_semaphore, #tpu.memory_space<semaphore_mem>>)
      %slice3A_168 = vector.extract_strided_slice %get3A_102 {offsets = [8], sizes = [1], strides = [1]} : vector<16xi32> to vector<1xi32>
      %squeeze3A_169 = vector.extract %slice3A_168[0] : i32 from vector<1xi32>
      %slice3A_170 = vector.extract_strided_slice %get3A_106 {offsets = [8], sizes = [1], strides = [1]} : vector<16xi32> to vector<1xi32>
      %squeeze3A_171 = vector.extract %slice3A_170[0] : i32 from vector<1xi32>
      %dma_start3A_172 = arith.constant 0 : i32
      %dma_start3A_173 = tpu.memref_slice %arg6[%squeeze3A_171, %dma_start3A_172] : memref<8192x6xf32, #tpu.memory_space<hbm>> -> memref<1x6xf32, #tpu.memory_space<hbm>>
      %dma_start3A_174 = arith.constant 0 : i32
      %dma_start3A_175 = tpu.memref_slice %arg2[%squeeze3A_169, %dma_start3A_174] : memref<1000000x6xf32, #tpu.memory_space<hbm>> -> memref<1x6xf32, #tpu.memory_space<hbm>>
      tpu.enqueue_dma source(%dma_start3A_175 : memref<1x6xf32, #tpu.memory_space<hbm>>) target(%dma_start3A_173 : memref<1x6xf32, #tpu.memory_space<hbm>>) target_semaphore(%arg14 : memref<!tpu.dma_semaphore, #tpu.memory_space<semaphore_mem>>)
      %slice3A_176 = vector.extract_strided_slice %get3A_102 {offsets = [9], sizes = [1], strides = [1]} : vector<16xi32> to vector<1xi32>
      %squeeze3A_177 = vector.extract %slice3A_176[0] : i32 from vector<1xi32>
      %slice3A_178 = vector.extract_strided_slice %get3A_106 {offsets = [9], sizes = [1], strides = [1]} : vector<16xi32> to vector<1xi32>
      %squeeze3A_179 = vector.extract %slice3A_178[0] : i32 from vector<1xi32>
      %dma_start3A_180 = arith.constant 0 : i32
      %dma_start3A_181 = tpu.memref_slice %arg6[%squeeze3A_179, %dma_start3A_180] : memref<8192x6xf32, #tpu.memory_space<hbm>> -> memref<1x6xf32, #tpu.memory_space<hbm>>
      %dma_start3A_182 = arith.constant 0 : i32
      %dma_start3A_183 = tpu.memref_slice %arg2[%squeeze3A_177, %dma_start3A_182] : memref<1000000x6xf32, #tpu.memory_space<hbm>> -> memref<1x6xf32, #tpu.memory_space<hbm>>
      tpu.enqueue_dma source(%dma_start3A_183 : memref<1x6xf32, #tpu.memory_space<hbm>>) target(%dma_start3A_181 : memref<1x6xf32, #tpu.memory_space<hbm>>) target_semaphore(%arg14 : memref<!tpu.dma_semaphore, #tpu.memory_space<semaphore_mem>>)
      %slice3A_184 = vector.extract_strided_slice %get3A_102 {offsets = [10], sizes = [1], strides = [1]} : vector<16xi32> to vector<1xi32>
      %squeeze3A_185 = vector.extract %slice3A_184[0] : i32 from vector<1xi32>
      %slice3A_186 = vector.extract_strided_slice %get3A_106 {offsets = [10], sizes = [1], strides = [1]} : vector<16xi32> to vector<1xi32>
      %squeeze3A_187 = vector.extract %slice3A_186[0] : i32 from vector<1xi32>
      %dma_start3A_188 = arith.constant 0 : i32
      %dma_start3A_189 = tpu.memref_slice %arg6[%squeeze3A_187, %dma_start3A_188] : memref<8192x6xf32, #tpu.memory_space<hbm>> -> memref<1x6xf32, #tpu.memory_space<hbm>>
      %dma_start3A_190 = arith.constant 0 : i32
      %dma_start3A_191 = tpu.memref_slice %arg2[%squeeze3A_185, %dma_start3A_190] : memref<1000000x6xf32, #tpu.memory_space<hbm>> -> memref<1x6xf32, #tpu.memory_space<hbm>>
      tpu.enqueue_dma source(%dma_start3A_191 : memref<1x6xf32, #tpu.memory_space<hbm>>) target(%dma_start3A_189 : memref<1x6xf32, #tpu.memory_space<hbm>>) target_semaphore(%arg14 : memref<!tpu.dma_semaphore, #tpu.memory_space<semaphore_mem>>)
      %slice3A_192 = vector.extract_strided_slice %get3A_102 {offsets = [11], sizes = [1], strides = [1]} : vector<16xi32> to vector<1xi32>
      %squeeze3A_193 = vector.extract %slice3A_192[0] : i32 from vector<1xi32>
      %slice3A_194 = vector.extract_strided_slice %get3A_106 {offsets = [11], sizes = [1], strides = [1]} : vector<16xi32> to vector<1xi32>
      %squeeze3A_195 = vector.extract %slice3A_194[0] : i32 from vector<1xi32>
      %dma_start3A_196 = arith.constant 0 : i32
      %dma_start3A_197 = tpu.memref_slice %arg6[%squeeze3A_195, %dma_start3A_196] : memref<8192x6xf32, #tpu.memory_space<hbm>> -> memref<1x6xf32, #tpu.memory_space<hbm>>
      %dma_start3A_198 = arith.constant 0 : i32
      %dma_start3A_199 = tpu.memref_slice %arg2[%squeeze3A_193, %dma_start3A_198] : memref<1000000x6xf32, #tpu.memory_space<hbm>> -> memref<1x6xf32, #tpu.memory_space<hbm>>
      tpu.enqueue_dma source(%dma_start3A_199 : memref<1x6xf32, #tpu.memory_space<hbm>>) target(%dma_start3A_197 : memref<1x6xf32, #tpu.memory_space<hbm>>) target_semaphore(%arg14 : memref<!tpu.dma_semaphore, #tpu.memory_space<semaphore_mem>>)
      %slice3A_200 = vector.extract_strided_slice %get3A_102 {offsets = [12], sizes = [1], strides = [1]} : vector<16xi32> to vector<1xi32>
      %squeeze3A_201 = vector.extract %slice3A_200[0] : i32 from vector<1xi32>
      %slice3A_202 = vector.extract_strided_slice %get3A_106 {offsets = [12], sizes = [1], strides = [1]} : vector<16xi32> to vector<1xi32>
      %squeeze3A_203 = vector.extract %slice3A_202[0] : i32 from vector<1xi32>
      %dma_start3A_204 = arith.constant 0 : i32
      %dma_start3A_205 = tpu.memref_slice %arg6[%squeeze3A_203, %dma_start3A_204] : memref<8192x6xf32, #tpu.memory_space<hbm>> -> memref<1x6xf32, #tpu.memory_space<hbm>>
      %dma_start3A_206 = arith.constant 0 : i32
      %dma_start3A_207 = tpu.memref_slice %arg2[%squeeze3A_201, %dma_start3A_206] : memref<1000000x6xf32, #tpu.memory_space<hbm>> -> memref<1x6xf32, #tpu.memory_space<hbm>>
      tpu.enqueue_dma source(%dma_start3A_207 : memref<1x6xf32, #tpu.memory_space<hbm>>) target(%dma_start3A_205 : memref<1x6xf32, #tpu.memory_space<hbm>>) target_semaphore(%arg14 : memref<!tpu.dma_semaphore, #tpu.memory_space<semaphore_mem>>)
      %slice3A_208 = vector.extract_strided_slice %get3A_102 {offsets = [13], sizes = [1], strides = [1]} : vector<16xi32> to vector<1xi32>
      %squeeze3A_209 = vector.extract %slice3A_208[0] : i32 from vector<1xi32>
      %slice3A_210 = vector.extract_strided_slice %get3A_106 {offsets = [13], sizes = [1], strides = [1]} : vector<16xi32> to vector<1xi32>
      %squeeze3A_211 = vector.extract %slice3A_210[0] : i32 from vector<1xi32>
      %dma_start3A_212 = arith.constant 0 : i32
      %dma_start3A_213 = tpu.memref_slice %arg6[%squeeze3A_211, %dma_start3A_212] : memref<8192x6xf32, #tpu.memory_space<hbm>> -> memref<1x6xf32, #tpu.memory_space<hbm>>
      %dma_start3A_214 = arith.constant 0 : i32
      %dma_start3A_215 = tpu.memref_slice %arg2[%squeeze3A_209, %dma_start3A_214] : memref<1000000x6xf32, #tpu.memory_space<hbm>> -> memref<1x6xf32, #tpu.memory_space<hbm>>
      tpu.enqueue_dma source(%dma_start3A_215 : memref<1x6xf32, #tpu.memory_space<hbm>>) target(%dma_start3A_213 : memref<1x6xf32, #tpu.memory_space<hbm>>) target_semaphore(%arg14 : memref<!tpu.dma_semaphore, #tpu.memory_space<semaphore_mem>>)
      %slice3A_216 = vector.extract_strided_slice %get3A_102 {offsets = [14], sizes = [1], strides = [1]} : vector<16xi32> to vector<1xi32>
      %squeeze3A_217 = vector.extract %slice3A_216[0] : i32 from vector<1xi32>
      %slice3A_218 = vector.extract_strided_slice %get3A_106 {offsets = [14], sizes = [1], strides = [1]} : vector<16xi32> to vector<1xi32>
      %squeeze3A_219 = vector.extract %slice3A_218[0] : i32 from vector<1xi32>
      %dma_start3A_220 = arith.constant 0 : i32
      %dma_start3A_221 = tpu.memref_slice %arg6[%squeeze3A_219, %dma_start3A_220] : memref<8192x6xf32, #tpu.memory_space<hbm>> -> memref<1x6xf32, #tpu.memory_space<hbm>>
      %dma_start3A_222 = arith.constant 0 : i32
      %dma_start3A_223 = tpu.memref_slice %arg2[%squeeze3A_217, %dma_start3A_222] : memref<1000000x6xf32, #tpu.memory_space<hbm>> -> memref<1x6xf32, #tpu.memory_space<hbm>>
      tpu.enqueue_dma source(%dma_start3A_223 : memref<1x6xf32, #tpu.memory_space<hbm>>) target(%dma_start3A_221 : memref<1x6xf32, #tpu.memory_space<hbm>>) target_semaphore(%arg14 : memref<!tpu.dma_semaphore, #tpu.memory_space<semaphore_mem>>)
      %slice3A_224 = vector.extract_strided_slice %get3A_102 {offsets = [15], sizes = [1], strides = [1]} : vector<16xi32> to vector<1xi32>
      %squeeze3A_225 = vector.extract %slice3A_224[0] : i32 from vector<1xi32>
      %slice3A_226 = vector.extract_strided_slice %get3A_106 {offsets = [15], sizes = [1], strides = [1]} : vector<16xi32> to vector<1xi32>
      %squeeze3A_227 = vector.extract %slice3A_226[0] : i32 from vector<1xi32>
      %dma_start3A_228 = arith.constant 0 : i32
      %dma_start3A_229 = tpu.memref_slice %arg6[%squeeze3A_227, %dma_start3A_228] : memref<8192x6xf32, #tpu.memory_space<hbm>> -> memref<1x6xf32, #tpu.memory_space<hbm>>
      %dma_start3A_230 = arith.constant 0 : i32
      %dma_start3A_231 = tpu.memref_slice %arg2[%squeeze3A_225, %dma_start3A_230] : memref<1000000x6xf32, #tpu.memory_space<hbm>> -> memref<1x6xf32, #tpu.memory_space<hbm>>
      tpu.enqueue_dma source(%dma_start3A_231 : memref<1x6xf32, #tpu.memory_space<hbm>>) target(%dma_start3A_229 : memref<1x6xf32, #tpu.memory_space<hbm>>) target_semaphore(%arg14 : memref<!tpu.dma_semaphore, #tpu.memory_space<semaphore_mem>>)
    }
    %while3A_75 = arith.constant 1 : i32
    scf.for %while3A_99 = %while3A_73 to %while3A_69 step %while3A_75  : i32 {
      %mul3A_100 = arith.constant 16 : i32
      %mul3A_101 = arith.muli %while3A_99, %mul3A_100 : i32
      %get3A = arith.index_cast %mul3A_101 : i32 to index
      %get3A_102 = tpu.vector_load %arg13[%get3A] {strides = array<i32>} : memref<4224xi32, #tpu.memory_space<vmem>>, vector<16xi32>,
      %mul3A_103 = arith.constant 16 : i32
      %mul3A_104 = arith.muli %while3A_99, %mul3A_103 : i32
      %get3A_105 = arith.index_cast %mul3A_104 : i32 to index
      %get3A_106 = tpu.vector_load %arg12[%get3A_105] {strides = array<i32>} : memref<4224xi32, #tpu.memory_space<vmem>>, vector<16xi32>,
      %slice3A = vector.extract_strided_slice %get3A_102 {offsets = [0], sizes = [1], strides = [1]} : vector<16xi32> to vector<1xi32>
      %squeeze3A = vector.extract %slice3A[0] : i32 from vector<1xi32>
      %slice3A_107 = vector.extract_strided_slice %get3A_106 {offsets = [0], sizes = [1], strides = [1]} : vector<16xi32> to vector<1xi32>
      %squeeze3A_108 = vector.extract %slice3A_107[0] : i32 from vector<1xi32>
      %dma_start3A = arith.constant 0 : i32
      %dma_start3A_109 = tpu.memref_slice %arg6[%squeeze3A_108, %dma_start3A] : memref<8192x6xf32, #tpu.memory_space<hbm>> -> memref<1x6xf32, #tpu.memory_space<hbm>>
      %dma_start3A_110 = arith.constant 0 : i32
      %dma_start3A_111 = tpu.memref_slice %arg2[%squeeze3A, %dma_start3A_110] : memref<1000000x6xf32, #tpu.memory_space<hbm>> -> memref<1x6xf32, #tpu.memory_space<hbm>>
      tpu.enqueue_dma source(%dma_start3A_111 : memref<1x6xf32, #tpu.memory_space<hbm>>) target(%dma_start3A_109 : memref<1x6xf32, #tpu.memory_space<hbm>>) target_semaphore(%arg14 : memref<!tpu.dma_semaphore, #tpu.memory_space<semaphore_mem>>)
      %slice3A_112 = vector.extract_strided_slice %get3A_102 {offsets = [1], sizes = [1], strides = [1]} : vector<16xi32> to vector<1xi32>
      %squeeze3A_113 = vector.extract %slice3A_112[0] : i32 from vector<1xi32>
      %slice3A_114 = vector.extract_strided_slice %get3A_106 {offsets = [1], sizes = [1], strides = [1]} : vector<16xi32> to vector<1xi32>
      %squeeze3A_115 = vector.extract %slice3A_114[0] : i32 from vector<1xi32>
      %dma_start3A_116 = arith.constant 0 : i32
      %dma_start3A_117 = tpu.memref_slice %arg6[%squeeze3A_115, %dma_start3A_116] : memref<8192x6xf32, #tpu.memory_space<hbm>> -> memref<1x6xf32, #tpu.memory_space<hbm>>
      %dma_start3A_118 = arith.constant 0 : i32
      %dma_start3A_119 = tpu.memref_slice %arg2[%squeeze3A_113, %dma_start3A_118] : memref<1000000x6xf32, #tpu.memory_space<hbm>> -> memref<1x6xf32, #tpu.memory_space<hbm>>
      tpu.enqueue_dma source(%dma_start3A_119 : memref<1x6xf32, #tpu.memory_space<hbm>>) target(%dma_start3A_117 : memref<1x6xf32, #tpu.memory_space<hbm>>) target_semaphore(%arg14 : memref<!tpu.dma_semaphore, #tpu.memory_space<semaphore_mem>>)
      %slice3A_120 = vector.extract_strided_slice %get3A_102 {offsets = [2], sizes = [1], strides = [1]} : vector<16xi32> to vector<1xi32>
      %squeeze3A_121 = vector.extract %slice3A_120[0] : i32 from vector<1xi32>
      %slice3A_122 = vector.extract_strided_slice %get3A_106 {offsets = [2], sizes = [1], strides = [1]} : vector<16xi32> to vector<1xi32>
      %squeeze3A_123 = vector.extract %slice3A_122[0] : i32 from vector<1xi32>
      %dma_start3A_124 = arith.constant 0 : i32
      %dma_start3A_125 = tpu.memref_slice %arg6[%squeeze3A_123, %dma_start3A_124] : memref<8192x6xf32, #tpu.memory_space<hbm>> -> memref<1x6xf32, #tpu.memory_space<hbm>>
      %dma_start3A_126 = arith.constant 0 : i32
      %dma_start3A_127 = tpu.memref_slice %arg2[%squeeze3A_121, %dma_start3A_126] : memref<1000000x6xf32, #tpu.memory_space<hbm>> -> memref<1x6xf32, #tpu.memory_space<hbm>>
      tpu.enqueue_dma source(%dma_start3A_127 : memref<1x6xf32, #tpu.memory_space<hbm>>) target(%dma_start3A_125 : memref<1x6xf32, #tpu.memory_space<hbm>>) target_semaphore(%arg14 : memref<!tpu.dma_semaphore, #tpu.memory_space<semaphore_mem>>)
      %slice3A_128 = vector.extract_strided_slice %get3A_102 {offsets = [3], sizes = [1], strides = [1]} : vector<16xi32> to vector<1xi32>
      %squeeze3A_129 = vector.extract %slice3A_128[0] : i32 from vector<1xi32>
      %slice3A_130 = vector.extract_strided_slice %get3A_106 {offsets = [3], sizes = [1], strides = [1]} : vector<16xi32> to vector<1xi32>
      %squeeze3A_131 = vector.extract %slice3A_130[0] : i32 from vector<1xi32>
      %dma_start3A_132 = arith.constant 0 : i32
      %dma_start3A_133 = tpu.memref_slice %arg6[%squeeze3A_131, %dma_start3A_132] : memref<8192x6xf32, #tpu.memory_space<hbm>> -> memref<1x6xf32, #tpu.memory_space<hbm>>
      %dma_start3A_134 = arith.constant 0 : i32
      %dma_start3A_135 = tpu.memref_slice %arg2[%squeeze3A_129, %dma_start3A_134] : memref<1000000x6xf32, #tpu.memory_space<hbm>> -> memref<1x6xf32, #tpu.memory_space<hbm>>
      tpu.enqueue_dma source(%dma_start3A_135 : memref<1x6xf32, #tpu.memory_space<hbm>>) target(%dma_start3A_133 : memref<1x6xf32, #tpu.memory_space<hbm>>) target_semaphore(%arg14 : memref<!tpu.dma_semaphore, #tpu.memory_space<semaphore_mem>>)
      %slice3A_136 = vector.extract_strided_slice %get3A_102 {offsets = [4], sizes = [1], strides = [1]} : vector<16xi32> to vector<1xi32>
      %squeeze3A_137 = vector.extract %slice3A_136[0] : i32 from vector<1xi32>
      %slice3A_138 = vector.extract_strided_slice %get3A_106 {offsets = [4], sizes = [1], strides = [1]} : vector<16xi32> to vector<1xi32>
      %squeeze3A_139 = vector.extract %slice3A_138[0] : i32 from vector<1xi32>
      %dma_start3A_140 = arith.constant 0 : i32
      %dma_start3A_141 = tpu.memref_slice %arg6[%squeeze3A_139, %dma_start3A_140] : memref<8192x6xf32, #tpu.memory_space<hbm>> -> memref<1x6xf32, #tpu.memory_space<hbm>>
      %dma_start3A_142 = arith.constant 0 : i32
      %dma_start3A_143 = tpu.memref_slice %arg2[%squeeze3A_137, %dma_start3A_142] : memref<1000000x6xf32, #tpu.memory_space<hbm>> -> memref<1x6xf32, #tpu.memory_space<hbm>>
      tpu.enqueue_dma source(%dma_start3A_143 : memref<1x6xf32, #tpu.memory_space<hbm>>) target(%dma_start3A_141 : memref<1x6xf32, #tpu.memory_space<hbm>>) target_semaphore(%arg14 : memref<!tpu.dma_semaphore, #tpu.memory_space<semaphore_mem>>)
      %slice3A_144 = vector.extract_strided_slice %get3A_102 {offsets = [5], sizes = [1], strides = [1]} : vector<16xi32> to vector<1xi32>
      %squeeze3A_145 = vector.extract %slice3A_144[0] : i32 from vector<1xi32>
      %slice3A_146 = vector.extract_strided_slice %get3A_106 {offsets = [5], sizes = [1], strides = [1]} : vector<16xi32> to vector<1xi32>
      %squeeze3A_147 = vector.extract %slice3A_146[0] : i32 from vector<1xi32>
      %dma_start3A_148 = arith.constant 0 : i32
      %dma_start3A_149 = tpu.memref_slice %arg6[%squeeze3A_147, %dma_start3A_148] : memref<8192x6xf32, #tpu.memory_space<hbm>> -> memref<1x6xf32, #tpu.memory_space<hbm>>
      %dma_start3A_150 = arith.constant 0 : i32
      %dma_start3A_151 = tpu.memref_slice %arg2[%squeeze3A_145, %dma_start3A_150] : memref<1000000x6xf32, #tpu.memory_space<hbm>> -> memref<1x6xf32, #tpu.memory_space<hbm>>
      tpu.enqueue_dma source(%dma_start3A_151 : memref<1x6xf32, #tpu.memory_space<hbm>>) target(%dma_start3A_149 : memref<1x6xf32, #tpu.memory_space<hbm>>) target_semaphore(%arg14 : memref<!tpu.dma_semaphore, #tpu.memory_space<semaphore_mem>>)
      %slice3A_152 = vector.extract_strided_slice %get3A_102 {offsets = [6], sizes = [1], strides = [1]} : vector<16xi32> to vector<1xi32>
      %squeeze3A_153 = vector.extract %slice3A_152[0] : i32 from vector<1xi32>
      %slice3A_154 = vector.extract_strided_slice %get3A_106 {offsets = [6], sizes = [1], strides = [1]} : vector<16xi32> to vector<1xi32>
      %squeeze3A_155 = vector.extract %slice3A_154[0] : i32 from vector<1xi32>
      %dma_start3A_156 = arith.constant 0 : i32
      %dma_start3A_157 = tpu.memref_slice %arg6[%squeeze3A_155, %dma_start3A_156] : memref<8192x6xf32, #tpu.memory_space<hbm>> -> memref<1x6xf32, #tpu.memory_space<hbm>>
      %dma_start3A_158 = arith.constant 0 : i32
      %dma_start3A_159 = tpu.memref_slice %arg2[%squeeze3A_153, %dma_start3A_158] : memref<1000000x6xf32, #tpu.memory_space<hbm>> -> memref<1x6xf32, #tpu.memory_space<hbm>>
      tpu.enqueue_dma source(%dma_start3A_159 : memref<1x6xf32, #tpu.memory_space<hbm>>) target(%dma_start3A_157 : memref<1x6xf32, #tpu.memory_space<hbm>>) target_semaphore(%arg14 : memref<!tpu.dma_semaphore, #tpu.memory_space<semaphore_mem>>)
      %slice3A_160 = vector.extract_strided_slice %get3A_102 {offsets = [7], sizes = [1], strides = [1]} : vector<16xi32> to vector<1xi32>
      %squeeze3A_161 = vector.extract %slice3A_160[0] : i32 from vector<1xi32>
      %slice3A_162 = vector.extract_strided_slice %get3A_106 {offsets = [7], sizes = [1], strides = [1]} : vector<16xi32> to vector<1xi32>
      %squeeze3A_163 = vector.extract %slice3A_162[0] : i32 from vector<1xi32>
      %dma_start3A_164 = arith.constant 0 : i32
      %dma_start3A_165 = tpu.memref_slice %arg6[%squeeze3A_163, %dma_start3A_164] : memref<8192x6xf32, #tpu.memory_space<hbm>> -> memref<1x6xf32, #tpu.memory_space<hbm>>
      %dma_start3A_166 = arith.constant 0 : i32
      %dma_start3A_167 = tpu.memref_slice %arg2[%squeeze3A_161, %dma_start3A_166] : memref<1000000x6xf32, #tpu.memory_space<hbm>> -> memref<1x6xf32, #tpu.memory_space<hbm>>
      tpu.enqueue_dma source(%dma_start3A_167 : memref<1x6xf32, #tpu.memory_space<hbm>>) target(%dma_start3A_165 : memref<1x6xf32, #tpu.memory_space<hbm>>) target_semaphore(%arg14 : memref<!tpu.dma_semaphore, #tpu.memory_space<semaphore_mem>>)
      %slice3A_168 = vector.extract_strided_slice %get3A_102 {offsets = [8], sizes = [1], strides = [1]} : vector<16xi32> to vector<1xi32>
      %squeeze3A_169 = vector.extract %slice3A_168[0] : i32 from vector<1xi32>
      %slice3A_170 = vector.extract_strided_slice %get3A_106 {offsets = [8], sizes = [1], strides = [1]} : vector<16xi32> to vector<1xi32>
      %squeeze3A_171 = vector.extract %slice3A_170[0] : i32 from vector<1xi32>
      %dma_start3A_172 = arith.constant 0 : i32
      %dma_start3A_173 = tpu.memref_slice %arg6[%squeeze3A_171, %dma_start3A_172] : memref<8192x6xf32, #tpu.memory_space<hbm>> -> memref<1x6xf32, #tpu.memory_space<hbm>>
      %dma_start3A_174 = arith.constant 0 : i32
      %dma_start3A_175 = tpu.memref_slice %arg2[%squeeze3A_169, %dma_start3A_174] : memref<1000000x6xf32, #tpu.memory_space<hbm>> -> memref<1x6xf32, #tpu.memory_space<hbm>>
      tpu.enqueue_dma source(%dma_start3A_175 : memref<1x6xf32, #tpu.memory_space<hbm>>) target(%dma_start3A_173 : memref<1x6xf32, #tpu.memory_space<hbm>>) target_semaphore(%arg14 : memref<!tpu.dma_semaphore, #tpu.memory_space<semaphore_mem>>)
      %slice3A_176 = vector.extract_strided_slice %get3A_102 {offsets = [9], sizes = [1], strides = [1]} : vector<16xi32> to vector<1xi32>
      %squeeze3A_177 = vector.extract %slice3A_176[0] : i32 from vector<1xi32>
      %slice3A_178 = vector.extract_strided_slice %get3A_106 {offsets = [9], sizes = [1], strides = [1]} : vector<16xi32> to vector<1xi32>
      %squeeze3A_179 = vector.extract %slice3A_178[0] : i32 from vector<1xi32>
      %dma_start3A_180 = arith.constant 0 : i32
      %dma_start3A_181 = tpu.memref_slice %arg6[%squeeze3A_179, %dma_start3A_180] : memref<8192x6xf32, #tpu.memory_space<hbm>> -> memref<1x6xf32, #tpu.memory_space<hbm>>
      %dma_start3A_182 = arith.constant 0 : i32
      %dma_start3A_183 = tpu.memref_slice %arg2[%squeeze3A_177, %dma_start3A_182] : memref<1000000x6xf32, #tpu.memory_space<hbm>> -> memref<1x6xf32, #tpu.memory_space<hbm>>
      tpu.enqueue_dma source(%dma_start3A_183 : memref<1x6xf32, #tpu.memory_space<hbm>>) target(%dma_start3A_181 : memref<1x6xf32, #tpu.memory_space<hbm>>) target_semaphore(%arg14 : memref<!tpu.dma_semaphore, #tpu.memory_space<semaphore_mem>>)
      %slice3A_184 = vector.extract_strided_slice %get3A_102 {offsets = [10], sizes = [1], strides = [1]} : vector<16xi32> to vector<1xi32>
      %squeeze3A_185 = vector.extract %slice3A_184[0] : i32 from vector<1xi32>
      %slice3A_186 = vector.extract_strided_slice %get3A_106 {offsets = [10], sizes = [1], strides = [1]} : vector<16xi32> to vector<1xi32>
      %squeeze3A_187 = vector.extract %slice3A_186[0] : i32 from vector<1xi32>
      %dma_start3A_188 = arith.constant 0 : i32
      %dma_start3A_189 = tpu.memref_slice %arg6[%squeeze3A_187, %dma_start3A_188] : memref<8192x6xf32, #tpu.memory_space<hbm>> -> memref<1x6xf32, #tpu.memory_space<hbm>>
      %dma_start3A_190 = arith.constant 0 : i32
      %dma_start3A_191 = tpu.memref_slice %arg2[%squeeze3A_185, %dma_start3A_190] : memref<1000000x6xf32, #tpu.memory_space<hbm>> -> memref<1x6xf32, #tpu.memory_space<hbm>>
      tpu.enqueue_dma source(%dma_start3A_191 : memref<1x6xf32, #tpu.memory_space<hbm>>) target(%dma_start3A_189 : memref<1x6xf32, #tpu.memory_space<hbm>>) target_semaphore(%arg14 : memref<!tpu.dma_semaphore, #tpu.memory_space<semaphore_mem>>)
      %slice3A_192 = vector.extract_strided_slice %get3A_102 {offsets = [11], sizes = [1], strides = [1]} : vector<16xi32> to vector<1xi32>
      %squeeze3A_193 = vector.extract %slice3A_192[0] : i32 from vector<1xi32>
      %slice3A_194 = vector.extract_strided_slice %get3A_106 {offsets = [11], sizes = [1], strides = [1]} : vector<16xi32> to vector<1xi32>
      %squeeze3A_195 = vector.extract %slice3A_194[0] : i32 from vector<1xi32>
      %dma_start3A_196 = arith.constant 0 : i32
      %dma_start3A_197 = tpu.memref_slice %arg6[%squeeze3A_195, %dma_start3A_196] : memref<8192x6xf32, #tpu.memory_space<hbm>> -> memref<1x6xf32, #tpu.memory_space<hbm>>
      %dma_start3A_198 = arith.constant 0 : i32
      %dma_start3A_199 = tpu.memref_slice %arg2[%squeeze3A_193, %dma_start3A_198] : memref<1000000x6xf32, #tpu.memory_space<hbm>> -> memref<1x6xf32, #tpu.memory_space<hbm>>
      tpu.enqueue_dma source(%dma_start3A_199 : memref<1x6xf32, #tpu.memory_space<hbm>>) target(%dma_start3A_197 : memref<1x6xf32, #tpu.memory_space<hbm>>) target_semaphore(%arg14 : memref<!tpu.dma_semaphore, #tpu.memory_space<semaphore_mem>>)
      %slice3A_200 = vector.extract_strided_slice %get3A_102 {offsets = [12], sizes = [1], strides = [1]} : vector<16xi32> to vector<1xi32>
      %squeeze3A_201 = vector.extract %slice3A_200[0] : i32 from vector<1xi32>
      %slice3A_202 = vector.extract_strided_slice %get3A_106 {offsets = [12], sizes = [1], strides = [1]} : vector<16xi32> to vector<1xi32>
      %squeeze3A_203 = vector.extract %slice3A_202[0] : i32 from vector<1xi32>
      %dma_start3A_204 = arith.constant 0 : i32
      %dma_start3A_205 = tpu.memref_slice %arg6[%squeeze3A_203, %dma_start3A_204] : memref<8192x6xf32, #tpu.memory_space<hbm>> -> memref<1x6xf32, #tpu.memory_space<hbm>>
      %dma_start3A_206 = arith.constant 0 : i32
      %dma_start3A_207 = tpu.memref_slice %arg2[%squeeze3A_201, %dma_start3A_206] : memref<1000000x6xf32, #tpu.memory_space<hbm>> -> memref<1x6xf32, #tpu.memory_space<hbm>>
      tpu.enqueue_dma source(%dma_start3A_207 : memref<1x6xf32, #tpu.memory_space<hbm>>) target(%dma_start3A_205 : memref<1x6xf32, #tpu.memory_space<hbm>>) target_semaphore(%arg14 : memref<!tpu.dma_semaphore, #tpu.memory_space<semaphore_mem>>)
      %slice3A_208 = vector.extract_strided_slice %get3A_102 {offsets = [13], sizes = [1], strides = [1]} : vector<16xi32> to vector<1xi32>
      %squeeze3A_209 = vector.extract %slice3A_208[0] : i32 from vector<1xi32>
      %slice3A_210 = vector.extract_strided_slice %get3A_106 {offsets = [13], sizes = [1], strides = [1]} : vector<16xi32> to vector<1xi32>
      %squeeze3A_211 = vector.extract %slice3A_210[0] : i32 from vector<1xi32>
      %dma_start3A_212 = arith.constant 0 : i32
      %dma_start3A_213 = tpu.memref_slice %arg6[%squeeze3A_211, %dma_start3A_212] : memref<8192x6xf32, #tpu.memory_space<hbm>> -> memref<1x6xf32, #tpu.memory_space<hbm>>
      %dma_start3A_214 = arith.constant 0 : i32
      %dma_start3A_215 = tpu.memref_slice %arg2[%squeeze3A_209, %dma_start3A_214] : memref<1000000x6xf32, #tpu.memory_space<hbm>> -> memref<1x6xf32, #tpu.memory_space<hbm>>
      tpu.enqueue_dma source(%dma_start3A_215 : memref<1x6xf32, #tpu.memory_space<hbm>>) target(%dma_start3A_213 : memref<1x6xf32, #tpu.memory_space<hbm>>) target_semaphore(%arg14 : memref<!tpu.dma_semaphore, #tpu.memory_space<semaphore_mem>>)
      %slice3A_216 = vector.extract_strided_slice %get3A_102 {offsets = [14], sizes = [1], strides = [1]} : vector<16xi32> to vector<1xi32>
      %squeeze3A_217 = vector.extract %slice3A_216[0] : i32 from vector<1xi32>
      %slice3A_218 = vector.extract_strided_slice %get3A_106 {offsets = [14], sizes = [1], strides = [1]} : vector<16xi32> to vector<1xi32>
      %squeeze3A_219 = vector.extract %slice3A_218[0] : i32 from vector<1xi32>
      %dma_start3A_220 = arith.constant 0 : i32
      %dma_start3A_221 = tpu.memref_slice %arg6[%squeeze3A_219, %dma_start3A_220] : memref<8192x6xf32, #tpu.memory_space<hbm>> -> memref<1x6xf32, #tpu.memory_space<hbm>>
      %dma_start3A_222 = arith.constant 0 : i32
      %dma_start3A_223 = tpu.memref_slice %arg2[%squeeze3A_217, %dma_start3A_222] : memref<1000000x6xf32, #tpu.memory_space<hbm>> -> memref<1x6xf32, #tpu.memory_space<hbm>>
      tpu.enqueue_dma source(%dma_start3A_223 : memref<1x6xf32, #tpu.memory_space<hbm>>) target(%dma_start3A_221 : memref<1x6xf32, #tpu.memory_space<hbm>>) target_semaphore(%arg14 : memref<!tpu.dma_semaphore, #tpu.memory_space<semaphore_mem>>)
      %slice3A_224 = vector.extract_strided_slice %get3A_102 {offsets = [15], sizes = [1], strides = [1]} : vector<16xi32> to vector<1xi32>
      %squeeze3A_225 = vector.extract %slice3A_224[0] : i32 from vector<1xi32>
      %slice3A_226 = vector.extract_strided_slice %get3A_106 {offsets = [15], sizes = [1], strides = [1]} : vector<16xi32> to vector<1xi32>
      %squeeze3A_227 = vector.extract %slice3A_226[0] : i32 from vector<1xi32>
      %dma_start3A_228 = arith.constant 0 : i32
      %dma_start3A_229 = tpu.memref_slice %arg6[%squeeze3A_227, %dma_start3A_228] : memref<8192x6xf32, #tpu.memory_space<hbm>> -> memref<1x6xf32, #tpu.memory_space<hbm>>
      %dma_start3A_230 = arith.constant 0 : i32
      %dma_start3A_231 = tpu.memref_slice %arg2[%squeeze3A_225, %dma_start3A_230] : memref<1000000x6xf32, #tpu.memory_space<hbm>> -> memref<1x6xf32, #tpu.memory_space<hbm>>
      tpu.enqueue_dma source(%dma_start3A_231 : memref<1x6xf32, #tpu.memory_space<hbm>>) target(%dma_start3A_229 : memref<1x6xf32, #tpu.memory_space<hbm>>) target_semaphore(%arg14 : memref<!tpu.dma_semaphore, #tpu.memory_space<semaphore_mem>>)
    }
    %while3A_76 = arith.constant 0 : i32
    %while3A_77 = arith.constant 0 : i32
    %while3A_78 = arith.subi %shift_right_arithmetic3A_65, %while3A_77 : i32
    %while3A_79 = arith.addi %while3A_77, %while3A_78 : i32
    %while3A_80 = arith.constant 1 : i32
    %while3A_81 = arith.divsi %while3A_78, %while3A_80 : i32
    %while3A_82 = arith.muli %while3A_81, %while3A_80 : i32
    %while3A_83 = arith.addi %while3A_77, %while3A_82 : i32
    %while3A_84 = arith.constant 1 : i32
    scf.for %while3A_99 = %while3A_77 to %while3A_83 step %while3A_84  : i32 {
      %mul3A_100 = arith.constant 16 : i32
      %mul3A_101 = arith.muli %while3A_99, %mul3A_100 : i32
      %get3A = arith.index_cast %mul3A_101 : i32 to index
      %get3A_102 = tpu.vector_load %arg11[%get3A] {strides = array<i32>} : memref<4224xi32, #tpu.memory_space<vmem>>, vector<16xi32>,
      %mul3A_103 = arith.constant 16 : i32
      %mul3A_104 = arith.muli %while3A_99, %mul3A_103 : i32
      %get3A_105 = arith.index_cast %mul3A_104 : i32 to index
      %get3A_106 = tpu.vector_load %arg10[%get3A_105] {strides = array<i32>} : memref<4224xi32, #tpu.memory_space<vmem>>, vector<16xi32>,
      %slice3A = vector.extract_strided_slice %get3A_102 {offsets = [0], sizes = [1], strides = [1]} : vector<16xi32> to vector<1xi32>
      %squeeze3A = vector.extract %slice3A[0] : i32 from vector<1xi32>
      %slice3A_107 = vector.extract_strided_slice %get3A_106 {offsets = [0], sizes = [1], strides = [1]} : vector<16xi32> to vector<1xi32>
      %squeeze3A_108 = vector.extract %slice3A_107[0] : i32 from vector<1xi32>
      %dma_start3A = arith.constant 0 : i32
      %dma_start3A_109 = tpu.memref_slice %arg6[%squeeze3A_108, %dma_start3A] : memref<8192x6xf32, #tpu.memory_space<hbm>> -> memref<1x6xf32, #tpu.memory_space<hbm>>
      %dma_start3A_110 = arith.constant 0 : i32
      %dma_start3A_111 = tpu.memref_slice %arg5[%squeeze3A, %dma_start3A_110] : memref<4096x6xf32, #tpu.memory_space<hbm>> -> memref<1x6xf32, #tpu.memory_space<hbm>>
      tpu.enqueue_dma source(%dma_start3A_111 : memref<1x6xf32, #tpu.memory_space<hbm>>) target(%dma_start3A_109 : memref<1x6xf32, #tpu.memory_space<hbm>>) target_semaphore(%arg14 : memref<!tpu.dma_semaphore, #tpu.memory_space<semaphore_mem>>)
      %slice3A_112 = vector.extract_strided_slice %get3A_102 {offsets = [1], sizes = [1], strides = [1]} : vector<16xi32> to vector<1xi32>
      %squeeze3A_113 = vector.extract %slice3A_112[0] : i32 from vector<1xi32>
      %slice3A_114 = vector.extract_strided_slice %get3A_106 {offsets = [1], sizes = [1], strides = [1]} : vector<16xi32> to vector<1xi32>
      %squeeze3A_115 = vector.extract %slice3A_114[0] : i32 from vector<1xi32>
      %dma_start3A_116 = arith.constant 0 : i32
      %dma_start3A_117 = tpu.memref_slice %arg6[%squeeze3A_115, %dma_start3A_116] : memref<8192x6xf32, #tpu.memory_space<hbm>> -> memref<1x6xf32, #tpu.memory_space<hbm>>
      %dma_start3A_118 = arith.constant 0 : i32
      %dma_start3A_119 = tpu.memref_slice %arg5[%squeeze3A_113, %dma_start3A_118] : memref<4096x6xf32, #tpu.memory_space<hbm>> -> memref<1x6xf32, #tpu.memory_space<hbm>>
      tpu.enqueue_dma source(%dma_start3A_119 : memref<1x6xf32, #tpu.memory_space<hbm>>) target(%dma_start3A_117 : memref<1x6xf32, #tpu.memory_space<hbm>>) target_semaphore(%arg14 : memref<!tpu.dma_semaphore, #tpu.memory_space<semaphore_mem>>)
      %slice3A_120 = vector.extract_strided_slice %get3A_102 {offsets = [2], sizes = [1], strides = [1]} : vector<16xi32> to vector<1xi32>
      %squeeze3A_121 = vector.extract %slice3A_120[0] : i32 from vector<1xi32>
      %slice3A_122 = vector.extract_strided_slice %get3A_106 {offsets = [2], sizes = [1], strides = [1]} : vector<16xi32> to vector<1xi32>
      %squeeze3A_123 = vector.extract %slice3A_122[0] : i32 from vector<1xi32>
      %dma_start3A_124 = arith.constant 0 : i32
      %dma_start3A_125 = tpu.memref_slice %arg6[%squeeze3A_123, %dma_start3A_124] : memref<8192x6xf32, #tpu.memory_space<hbm>> -> memref<1x6xf32, #tpu.memory_space<hbm>>
      %dma_start3A_126 = arith.constant 0 : i32
      %dma_start3A_127 = tpu.memref_slice %arg5[%squeeze3A_121, %dma_start3A_126] : memref<4096x6xf32, #tpu.memory_space<hbm>> -> memref<1x6xf32, #tpu.memory_space<hbm>>
      tpu.enqueue_dma source(%dma_start3A_127 : memref<1x6xf32, #tpu.memory_space<hbm>>) target(%dma_start3A_125 : memref<1x6xf32, #tpu.memory_space<hbm>>) target_semaphore(%arg14 : memref<!tpu.dma_semaphore, #tpu.memory_space<semaphore_mem>>)
      %slice3A_128 = vector.extract_strided_slice %get3A_102 {offsets = [3], sizes = [1], strides = [1]} : vector<16xi32> to vector<1xi32>
      %squeeze3A_129 = vector.extract %slice3A_128[0] : i32 from vector<1xi32>
      %slice3A_130 = vector.extract_strided_slice %get3A_106 {offsets = [3], sizes = [1], strides = [1]} : vector<16xi32> to vector<1xi32>
      %squeeze3A_131 = vector.extract %slice3A_130[0] : i32 from vector<1xi32>
      %dma_start3A_132 = arith.constant 0 : i32
      %dma_start3A_133 = tpu.memref_slice %arg6[%squeeze3A_131, %dma_start3A_132] : memref<8192x6xf32, #tpu.memory_space<hbm>> -> memref<1x6xf32, #tpu.memory_space<hbm>>
      %dma_start3A_134 = arith.constant 0 : i32
      %dma_start3A_135 = tpu.memref_slice %arg5[%squeeze3A_129, %dma_start3A_134] : memref<4096x6xf32, #tpu.memory_space<hbm>> -> memref<1x6xf32, #tpu.memory_space<hbm>>
      tpu.enqueue_dma source(%dma_start3A_135 : memref<1x6xf32, #tpu.memory_space<hbm>>) target(%dma_start3A_133 : memref<1x6xf32, #tpu.memory_space<hbm>>) target_semaphore(%arg14 : memref<!tpu.dma_semaphore, #tpu.memory_space<semaphore_mem>>)
      %slice3A_136 = vector.extract_strided_slice %get3A_102 {offsets = [4], sizes = [1], strides = [1]} : vector<16xi32> to vector<1xi32>
      %squeeze3A_137 = vector.extract %slice3A_136[0] : i32 from vector<1xi32>
      %slice3A_138 = vector.extract_strided_slice %get3A_106 {offsets = [4], sizes = [1], strides = [1]} : vector<16xi32> to vector<1xi32>
      %squeeze3A_139 = vector.extract %slice3A_138[0] : i32 from vector<1xi32>
      %dma_start3A_140 = arith.constant 0 : i32
      %dma_start3A_141 = tpu.memref_slice %arg6[%squeeze3A_139, %dma_start3A_140] : memref<8192x6xf32, #tpu.memory_space<hbm>> -> memref<1x6xf32, #tpu.memory_space<hbm>>
      %dma_start3A_142 = arith.constant 0 : i32
      %dma_start3A_143 = tpu.memref_slice %arg5[%squeeze3A_137, %dma_start3A_142] : memref<4096x6xf32, #tpu.memory_space<hbm>> -> memref<1x6xf32, #tpu.memory_space<hbm>>
      tpu.enqueue_dma source(%dma_start3A_143 : memref<1x6xf32, #tpu.memory_space<hbm>>) target(%dma_start3A_141 : memref<1x6xf32, #tpu.memory_space<hbm>>) target_semaphore(%arg14 : memref<!tpu.dma_semaphore, #tpu.memory_space<semaphore_mem>>)
      %slice3A_144 = vector.extract_strided_slice %get3A_102 {offsets = [5], sizes = [1], strides = [1]} : vector<16xi32> to vector<1xi32>
      %squeeze3A_145 = vector.extract %slice3A_144[0] : i32 from vector<1xi32>
      %slice3A_146 = vector.extract_strided_slice %get3A_106 {offsets = [5], sizes = [1], strides = [1]} : vector<16xi32> to vector<1xi32>
      %squeeze3A_147 = vector.extract %slice3A_146[0] : i32 from vector<1xi32>
      %dma_start3A_148 = arith.constant 0 : i32
      %dma_start3A_149 = tpu.memref_slice %arg6[%squeeze3A_147, %dma_start3A_148] : memref<8192x6xf32, #tpu.memory_space<hbm>> -> memref<1x6xf32, #tpu.memory_space<hbm>>
      %dma_start3A_150 = arith.constant 0 : i32
      %dma_start3A_151 = tpu.memref_slice %arg5[%squeeze3A_145, %dma_start3A_150] : memref<4096x6xf32, #tpu.memory_space<hbm>> -> memref<1x6xf32, #tpu.memory_space<hbm>>
      tpu.enqueue_dma source(%dma_start3A_151 : memref<1x6xf32, #tpu.memory_space<hbm>>) target(%dma_start3A_149 : memref<1x6xf32, #tpu.memory_space<hbm>>) target_semaphore(%arg14 : memref<!tpu.dma_semaphore, #tpu.memory_space<semaphore_mem>>)
      %slice3A_152 = vector.extract_strided_slice %get3A_102 {offsets = [6], sizes = [1], strides = [1]} : vector<16xi32> to vector<1xi32>
      %squeeze3A_153 = vector.extract %slice3A_152[0] : i32 from vector<1xi32>
      %slice3A_154 = vector.extract_strided_slice %get3A_106 {offsets = [6], sizes = [1], strides = [1]} : vector<16xi32> to vector<1xi32>
      %squeeze3A_155 = vector.extract %slice3A_154[0] : i32 from vector<1xi32>
      %dma_start3A_156 = arith.constant 0 : i32
      %dma_start3A_157 = tpu.memref_slice %arg6[%squeeze3A_155, %dma_start3A_156] : memref<8192x6xf32, #tpu.memory_space<hbm>> -> memref<1x6xf32, #tpu.memory_space<hbm>>
      %dma_start3A_158 = arith.constant 0 : i32
      %dma_start3A_159 = tpu.memref_slice %arg5[%squeeze3A_153, %dma_start3A_158] : memref<4096x6xf32, #tpu.memory_space<hbm>> -> memref<1x6xf32, #tpu.memory_space<hbm>>
      tpu.enqueue_dma source(%dma_start3A_159 : memref<1x6xf32, #tpu.memory_space<hbm>>) target(%dma_start3A_157 : memref<1x6xf32, #tpu.memory_space<hbm>>) target_semaphore(%arg14 : memref<!tpu.dma_semaphore, #tpu.memory_space<semaphore_mem>>)
      %slice3A_160 = vector.extract_strided_slice %get3A_102 {offsets = [7], sizes = [1], strides = [1]} : vector<16xi32> to vector<1xi32>
      %squeeze3A_161 = vector.extract %slice3A_160[0] : i32 from vector<1xi32>
      %slice3A_162 = vector.extract_strided_slice %get3A_106 {offsets = [7], sizes = [1], strides = [1]} : vector<16xi32> to vector<1xi32>
      %squeeze3A_163 = vector.extract %slice3A_162[0] : i32 from vector<1xi32>
      %dma_start3A_164 = arith.constant 0 : i32
      %dma_start3A_165 = tpu.memref_slice %arg6[%squeeze3A_163, %dma_start3A_164] : memref<8192x6xf32, #tpu.memory_space<hbm>> -> memref<1x6xf32, #tpu.memory_space<hbm>>
      %dma_start3A_166 = arith.constant 0 : i32
      %dma_start3A_167 = tpu.memref_slice %arg5[%squeeze3A_161, %dma_start3A_166] : memref<4096x6xf32, #tpu.memory_space<hbm>> -> memref<1x6xf32, #tpu.memory_space<hbm>>
      tpu.enqueue_dma source(%dma_start3A_167 : memref<1x6xf32, #tpu.memory_space<hbm>>) target(%dma_start3A_165 : memref<1x6xf32, #tpu.memory_space<hbm>>) target_semaphore(%arg14 : memref<!tpu.dma_semaphore, #tpu.memory_space<semaphore_mem>>)
      %slice3A_168 = vector.extract_strided_slice %get3A_102 {offsets = [8], sizes = [1], strides = [1]} : vector<16xi32> to vector<1xi32>
      %squeeze3A_169 = vector.extract %slice3A_168[0] : i32 from vector<1xi32>
      %slice3A_170 = vector.extract_strided_slice %get3A_106 {offsets = [8], sizes = [1], strides = [1]} : vector<16xi32> to vector<1xi32>
      %squeeze3A_171 = vector.extract %slice3A_170[0] : i32 from vector<1xi32>
      %dma_start3A_172 = arith.constant 0 : i32
      %dma_start3A_173 = tpu.memref_slice %arg6[%squeeze3A_171, %dma_start3A_172] : memref<8192x6xf32, #tpu.memory_space<hbm>> -> memref<1x6xf32, #tpu.memory_space<hbm>>
      %dma_start3A_174 = arith.constant 0 : i32
      %dma_start3A_175 = tpu.memref_slice %arg5[%squeeze3A_169, %dma_start3A_174] : memref<4096x6xf32, #tpu.memory_space<hbm>> -> memref<1x6xf32, #tpu.memory_space<hbm>>
      tpu.enqueue_dma source(%dma_start3A_175 : memref<1x6xf32, #tpu.memory_space<hbm>>) target(%dma_start3A_173 : memref<1x6xf32, #tpu.memory_space<hbm>>) target_semaphore(%arg14 : memref<!tpu.dma_semaphore, #tpu.memory_space<semaphore_mem>>)
      %slice3A_176 = vector.extract_strided_slice %get3A_102 {offsets = [9], sizes = [1], strides = [1]} : vector<16xi32> to vector<1xi32>
      %squeeze3A_177 = vector.extract %slice3A_176[0] : i32 from vector<1xi32>
      %slice3A_178 = vector.extract_strided_slice %get3A_106 {offsets = [9], sizes = [1], strides = [1]} : vector<16xi32> to vector<1xi32>
      %squeeze3A_179 = vector.extract %slice3A_178[0] : i32 from vector<1xi32>
      %dma_start3A_180 = arith.constant 0 : i32
      %dma_start3A_181 = tpu.memref_slice %arg6[%squeeze3A_179, %dma_start3A_180] : memref<8192x6xf32, #tpu.memory_space<hbm>> -> memref<1x6xf32, #tpu.memory_space<hbm>>
      %dma_start3A_182 = arith.constant 0 : i32
      %dma_start3A_183 = tpu.memref_slice %arg5[%squeeze3A_177, %dma_start3A_182] : memref<4096x6xf32, #tpu.memory_space<hbm>> -> memref<1x6xf32, #tpu.memory_space<hbm>>
      tpu.enqueue_dma source(%dma_start3A_183 : memref<1x6xf32, #tpu.memory_space<hbm>>) target(%dma_start3A_181 : memref<1x6xf32, #tpu.memory_space<hbm>>) target_semaphore(%arg14 : memref<!tpu.dma_semaphore, #tpu.memory_space<semaphore_mem>>)
      %slice3A_184 = vector.extract_strided_slice %get3A_102 {offsets = [10], sizes = [1], strides = [1]} : vector<16xi32> to vector<1xi32>
      %squeeze3A_185 = vector.extract %slice3A_184[0] : i32 from vector<1xi32>
      %slice3A_186 = vector.extract_strided_slice %get3A_106 {offsets = [10], sizes = [1], strides = [1]} : vector<16xi32> to vector<1xi32>
      %squeeze3A_187 = vector.extract %slice3A_186[0] : i32 from vector<1xi32>
      %dma_start3A_188 = arith.constant 0 : i32
      %dma_start3A_189 = tpu.memref_slice %arg6[%squeeze3A_187, %dma_start3A_188] : memref<8192x6xf32, #tpu.memory_space<hbm>> -> memref<1x6xf32, #tpu.memory_space<hbm>>
      %dma_start3A_190 = arith.constant 0 : i32
      %dma_start3A_191 = tpu.memref_slice %arg5[%squeeze3A_185, %dma_start3A_190] : memref<4096x6xf32, #tpu.memory_space<hbm>> -> memref<1x6xf32, #tpu.memory_space<hbm>>
      tpu.enqueue_dma source(%dma_start3A_191 : memref<1x6xf32, #tpu.memory_space<hbm>>) target(%dma_start3A_189 : memref<1x6xf32, #tpu.memory_space<hbm>>) target_semaphore(%arg14 : memref<!tpu.dma_semaphore, #tpu.memory_space<semaphore_mem>>)
      %slice3A_192 = vector.extract_strided_slice %get3A_102 {offsets = [11], sizes = [1], strides = [1]} : vector<16xi32> to vector<1xi32>
      %squeeze3A_193 = vector.extract %slice3A_192[0] : i32 from vector<1xi32>
      %slice3A_194 = vector.extract_strided_slice %get3A_106 {offsets = [11], sizes = [1], strides = [1]} : vector<16xi32> to vector<1xi32>
      %squeeze3A_195 = vector.extract %slice3A_194[0] : i32 from vector<1xi32>
      %dma_start3A_196 = arith.constant 0 : i32
      %dma_start3A_197 = tpu.memref_slice %arg6[%squeeze3A_195, %dma_start3A_196] : memref<8192x6xf32, #tpu.memory_space<hbm>> -> memref<1x6xf32, #tpu.memory_space<hbm>>
      %dma_start3A_198 = arith.constant 0 : i32
      %dma_start3A_199 = tpu.memref_slice %arg5[%squeeze3A_193, %dma_start3A_198] : memref<4096x6xf32, #tpu.memory_space<hbm>> -> memref<1x6xf32, #tpu.memory_space<hbm>>
      tpu.enqueue_dma source(%dma_start3A_199 : memref<1x6xf32, #tpu.memory_space<hbm>>) target(%dma_start3A_197 : memref<1x6xf32, #tpu.memory_space<hbm>>) target_semaphore(%arg14 : memref<!tpu.dma_semaphore, #tpu.memory_space<semaphore_mem>>)
      %slice3A_200 = vector.extract_strided_slice %get3A_102 {offsets = [12], sizes = [1], strides = [1]} : vector<16xi32> to vector<1xi32>
      %squeeze3A_201 = vector.extract %slice3A_200[0] : i32 from vector<1xi32>
      %slice3A_202 = vector.extract_strided_slice %get3A_106 {offsets = [12], sizes = [1], strides = [1]} : vector<16xi32> to vector<1xi32>
      %squeeze3A_203 = vector.extract %slice3A_202[0] : i32 from vector<1xi32>
      %dma_start3A_204 = arith.constant 0 : i32
      %dma_start3A_205 = tpu.memref_slice %arg6[%squeeze3A_203, %dma_start3A_204] : memref<8192x6xf32, #tpu.memory_space<hbm>> -> memref<1x6xf32, #tpu.memory_space<hbm>>
      %dma_start3A_206 = arith.constant 0 : i32
      %dma_start3A_207 = tpu.memref_slice %arg5[%squeeze3A_201, %dma_start3A_206] : memref<4096x6xf32, #tpu.memory_space<hbm>> -> memref<1x6xf32, #tpu.memory_space<hbm>>
      tpu.enqueue_dma source(%dma_start3A_207 : memref<1x6xf32, #tpu.memory_space<hbm>>) target(%dma_start3A_205 : memref<1x6xf32, #tpu.memory_space<hbm>>) target_semaphore(%arg14 : memref<!tpu.dma_semaphore, #tpu.memory_space<semaphore_mem>>)
      %slice3A_208 = vector.extract_strided_slice %get3A_102 {offsets = [13], sizes = [1], strides = [1]} : vector<16xi32> to vector<1xi32>
      %squeeze3A_209 = vector.extract %slice3A_208[0] : i32 from vector<1xi32>
      %slice3A_210 = vector.extract_strided_slice %get3A_106 {offsets = [13], sizes = [1], strides = [1]} : vector<16xi32> to vector<1xi32>
      %squeeze3A_211 = vector.extract %slice3A_210[0] : i32 from vector<1xi32>
      %dma_start3A_212 = arith.constant 0 : i32
      %dma_start3A_213 = tpu.memref_slice %arg6[%squeeze3A_211, %dma_start3A_212] : memref<8192x6xf32, #tpu.memory_space<hbm>> -> memref<1x6xf32, #tpu.memory_space<hbm>>
      %dma_start3A_214 = arith.constant 0 : i32
      %dma_start3A_215 = tpu.memref_slice %arg5[%squeeze3A_209, %dma_start3A_214] : memref<4096x6xf32, #tpu.memory_space<hbm>> -> memref<1x6xf32, #tpu.memory_space<hbm>>
      tpu.enqueue_dma source(%dma_start3A_215 : memref<1x6xf32, #tpu.memory_space<hbm>>) target(%dma_start3A_213 : memref<1x6xf32, #tpu.memory_space<hbm>>) target_semaphore(%arg14 : memref<!tpu.dma_semaphore, #tpu.memory_space<semaphore_mem>>)
      %slice3A_216 = vector.extract_strided_slice %get3A_102 {offsets = [14], sizes = [1], strides = [1]} : vector<16xi32> to vector<1xi32>
      %squeeze3A_217 = vector.extract %slice3A_216[0] : i32 from vector<1xi32>
      %slice3A_218 = vector.extract_strided_slice %get3A_106 {offsets = [14], sizes = [1], strides = [1]} : vector<16xi32> to vector<1xi32>
      %squeeze3A_219 = vector.extract %slice3A_218[0] : i32 from vector<1xi32>
      %dma_start3A_220 = arith.constant 0 : i32
      %dma_start3A_221 = tpu.memref_slice %arg6[%squeeze3A_219, %dma_start3A_220] : memref<8192x6xf32, #tpu.memory_space<hbm>> -> memref<1x6xf32, #tpu.memory_space<hbm>>
      %dma_start3A_222 = arith.constant 0 : i32
      %dma_start3A_223 = tpu.memref_slice %arg5[%squeeze3A_217, %dma_start3A_222] : memref<4096x6xf32, #tpu.memory_space<hbm>> -> memref<1x6xf32, #tpu.memory_space<hbm>>
      tpu.enqueue_dma source(%dma_start3A_223 : memref<1x6xf32, #tpu.memory_space<hbm>>) target(%dma_start3A_221 : memref<1x6xf32, #tpu.memory_space<hbm>>) target_semaphore(%arg14 : memref<!tpu.dma_semaphore, #tpu.memory_space<semaphore_mem>>)
      %slice3A_224 = vector.extract_strided_slice %get3A_102 {offsets = [15], sizes = [1], strides = [1]} : vector<16xi32> to vector<1xi32>
      %squeeze3A_225 = vector.extract %slice3A_224[0] : i32 from vector<1xi32>
      %slice3A_226 = vector.extract_strided_slice %get3A_106 {offsets = [15], sizes = [1], strides = [1]} : vector<16xi32> to vector<1xi32>
      %squeeze3A_227 = vector.extract %slice3A_226[0] : i32 from vector<1xi32>
      %dma_start3A_228 = arith.constant 0 : i32
      %dma_start3A_229 = tpu.memref_slice %arg6[%squeeze3A_227, %dma_start3A_228] : memref<8192x6xf32, #tpu.memory_space<hbm>> -> memref<1x6xf32, #tpu.memory_space<hbm>>
      %dma_start3A_230 = arith.constant 0 : i32
      %dma_start3A_231 = tpu.memref_slice %arg5[%squeeze3A_225, %dma_start3A_230] : memref<4096x6xf32, #tpu.memory_space<hbm>> -> memref<1x6xf32, #tpu.memory_space<hbm>>
      tpu.enqueue_dma source(%dma_start3A_231 : memref<1x6xf32, #tpu.memory_space<hbm>>) target(%dma_start3A_229 : memref<1x6xf32, #tpu.memory_space<hbm>>) target_semaphore(%arg14 : memref<!tpu.dma_semaphore, #tpu.memory_space<semaphore_mem>>)
    }
    %while3A_85 = arith.constant 1 : i32
    scf.for %while3A_99 = %while3A_83 to %while3A_79 step %while3A_85  : i32 {
      %mul3A_100 = arith.constant 16 : i32
      %mul3A_101 = arith.muli %while3A_99, %mul3A_100 : i32
      %get3A = arith.index_cast %mul3A_101 : i32 to index
      %get3A_102 = tpu.vector_load %arg11[%get3A] {strides = array<i32>} : memref<4224xi32, #tpu.memory_space<vmem>>, vector<16xi32>,
      %mul3A_103 = arith.constant 16 : i32
      %mul3A_104 = arith.muli %while3A_99, %mul3A_103 : i32
      %get3A_105 = arith.index_cast %mul3A_104 : i32 to index
      %get3A_106 = tpu.vector_load %arg10[%get3A_105] {strides = array<i32>} : memref<4224xi32, #tpu.memory_space<vmem>>, vector<16xi32>,
      %slice3A = vector.extract_strided_slice %get3A_102 {offsets = [0], sizes = [1], strides = [1]} : vector<16xi32> to vector<1xi32>
      %squeeze3A = vector.extract %slice3A[0] : i32 from vector<1xi32>
      %slice3A_107 = vector.extract_strided_slice %get3A_106 {offsets = [0], sizes = [1], strides = [1]} : vector<16xi32> to vector<1xi32>
      %squeeze3A_108 = vector.extract %slice3A_107[0] : i32 from vector<1xi32>
      %dma_start3A = arith.constant 0 : i32
      %dma_start3A_109 = tpu.memref_slice %arg6[%squeeze3A_108, %dma_start3A] : memref<8192x6xf32, #tpu.memory_space<hbm>> -> memref<1x6xf32, #tpu.memory_space<hbm>>
      %dma_start3A_110 = arith.constant 0 : i32
      %dma_start3A_111 = tpu.memref_slice %arg5[%squeeze3A, %dma_start3A_110] : memref<4096x6xf32, #tpu.memory_space<hbm>> -> memref<1x6xf32, #tpu.memory_space<hbm>>
      tpu.enqueue_dma source(%dma_start3A_111 : memref<1x6xf32, #tpu.memory_space<hbm>>) target(%dma_start3A_109 : memref<1x6xf32, #tpu.memory_space<hbm>>) target_semaphore(%arg14 : memref<!tpu.dma_semaphore, #tpu.memory_space<semaphore_mem>>)
      %slice3A_112 = vector.extract_strided_slice %get3A_102 {offsets = [1], sizes = [1], strides = [1]} : vector<16xi32> to vector<1xi32>
      %squeeze3A_113 = vector.extract %slice3A_112[0] : i32 from vector<1xi32>
      %slice3A_114 = vector.extract_strided_slice %get3A_106 {offsets = [1], sizes = [1], strides = [1]} : vector<16xi32> to vector<1xi32>
      %squeeze3A_115 = vector.extract %slice3A_114[0] : i32 from vector<1xi32>
      %dma_start3A_116 = arith.constant 0 : i32
      %dma_start3A_117 = tpu.memref_slice %arg6[%squeeze3A_115, %dma_start3A_116] : memref<8192x6xf32, #tpu.memory_space<hbm>> -> memref<1x6xf32, #tpu.memory_space<hbm>>
      %dma_start3A_118 = arith.constant 0 : i32
      %dma_start3A_119 = tpu.memref_slice %arg5[%squeeze3A_113, %dma_start3A_118] : memref<4096x6xf32, #tpu.memory_space<hbm>> -> memref<1x6xf32, #tpu.memory_space<hbm>>
      tpu.enqueue_dma source(%dma_start3A_119 : memref<1x6xf32, #tpu.memory_space<hbm>>) target(%dma_start3A_117 : memref<1x6xf32, #tpu.memory_space<hbm>>) target_semaphore(%arg14 : memref<!tpu.dma_semaphore, #tpu.memory_space<semaphore_mem>>)
      %slice3A_120 = vector.extract_strided_slice %get3A_102 {offsets = [2], sizes = [1], strides = [1]} : vector<16xi32> to vector<1xi32>
      %squeeze3A_121 = vector.extract %slice3A_120[0] : i32 from vector<1xi32>
      %slice3A_122 = vector.extract_strided_slice %get3A_106 {offsets = [2], sizes = [1], strides = [1]} : vector<16xi32> to vector<1xi32>
      %squeeze3A_123 = vector.extract %slice3A_122[0] : i32 from vector<1xi32>
      %dma_start3A_124 = arith.constant 0 : i32
      %dma_start3A_125 = tpu.memref_slice %arg6[%squeeze3A_123, %dma_start3A_124] : memref<8192x6xf32, #tpu.memory_space<hbm>> -> memref<1x6xf32, #tpu.memory_space<hbm>>
      %dma_start3A_126 = arith.constant 0 : i32
      %dma_start3A_127 = tpu.memref_slice %arg5[%squeeze3A_121, %dma_start3A_126] : memref<4096x6xf32, #tpu.memory_space<hbm>> -> memref<1x6xf32, #tpu.memory_space<hbm>>
      tpu.enqueue_dma source(%dma_start3A_127 : memref<1x6xf32, #tpu.memory_space<hbm>>) target(%dma_start3A_125 : memref<1x6xf32, #tpu.memory_space<hbm>>) target_semaphore(%arg14 : memref<!tpu.dma_semaphore, #tpu.memory_space<semaphore_mem>>)
      %slice3A_128 = vector.extract_strided_slice %get3A_102 {offsets = [3], sizes = [1], strides = [1]} : vector<16xi32> to vector<1xi32>
      %squeeze3A_129 = vector.extract %slice3A_128[0] : i32 from vector<1xi32>
      %slice3A_130 = vector.extract_strided_slice %get3A_106 {offsets = [3], sizes = [1], strides = [1]} : vector<16xi32> to vector<1xi32>
      %squeeze3A_131 = vector.extract %slice3A_130[0] : i32 from vector<1xi32>
      %dma_start3A_132 = arith.constant 0 : i32
      %dma_start3A_133 = tpu.memref_slice %arg6[%squeeze3A_131, %dma_start3A_132] : memref<8192x6xf32, #tpu.memory_space<hbm>> -> memref<1x6xf32, #tpu.memory_space<hbm>>
      %dma_start3A_134 = arith.constant 0 : i32
      %dma_start3A_135 = tpu.memref_slice %arg5[%squeeze3A_129, %dma_start3A_134] : memref<4096x6xf32, #tpu.memory_space<hbm>> -> memref<1x6xf32, #tpu.memory_space<hbm>>
      tpu.enqueue_dma source(%dma_start3A_135 : memref<1x6xf32, #tpu.memory_space<hbm>>) target(%dma_start3A_133 : memref<1x6xf32, #tpu.memory_space<hbm>>) target_semaphore(%arg14 : memref<!tpu.dma_semaphore, #tpu.memory_space<semaphore_mem>>)
      %slice3A_136 = vector.extract_strided_slice %get3A_102 {offsets = [4], sizes = [1], strides = [1]} : vector<16xi32> to vector<1xi32>
      %squeeze3A_137 = vector.extract %slice3A_136[0] : i32 from vector<1xi32>
      %slice3A_138 = vector.extract_strided_slice %get3A_106 {offsets = [4], sizes = [1], strides = [1]} : vector<16xi32> to vector<1xi32>
      %squeeze3A_139 = vector.extract %slice3A_138[0] : i32 from vector<1xi32>
      %dma_start3A_140 = arith.constant 0 : i32
      %dma_start3A_141 = tpu.memref_slice %arg6[%squeeze3A_139, %dma_start3A_140] : memref<8192x6xf32, #tpu.memory_space<hbm>> -> memref<1x6xf32, #tpu.memory_space<hbm>>
      %dma_start3A_142 = arith.constant 0 : i32
      %dma_start3A_143 = tpu.memref_slice %arg5[%squeeze3A_137, %dma_start3A_142] : memref<4096x6xf32, #tpu.memory_space<hbm>> -> memref<1x6xf32, #tpu.memory_space<hbm>>
      tpu.enqueue_dma source(%dma_start3A_143 : memref<1x6xf32, #tpu.memory_space<hbm>>) target(%dma_start3A_141 : memref<1x6xf32, #tpu.memory_space<hbm>>) target_semaphore(%arg14 : memref<!tpu.dma_semaphore, #tpu.memory_space<semaphore_mem>>)
      %slice3A_144 = vector.extract_strided_slice %get3A_102 {offsets = [5], sizes = [1], strides = [1]} : vector<16xi32> to vector<1xi32>
      %squeeze3A_145 = vector.extract %slice3A_144[0] : i32 from vector<1xi32>
      %slice3A_146 = vector.extract_strided_slice %get3A_106 {offsets = [5], sizes = [1], strides = [1]} : vector<16xi32> to vector<1xi32>
      %squeeze3A_147 = vector.extract %slice3A_146[0] : i32 from vector<1xi32>
      %dma_start3A_148 = arith.constant 0 : i32
      %dma_start3A_149 = tpu.memref_slice %arg6[%squeeze3A_147, %dma_start3A_148] : memref<8192x6xf32, #tpu.memory_space<hbm>> -> memref<1x6xf32, #tpu.memory_space<hbm>>
      %dma_start3A_150 = arith.constant 0 : i32
      %dma_start3A_151 = tpu.memref_slice %arg5[%squeeze3A_145, %dma_start3A_150] : memref<4096x6xf32, #tpu.memory_space<hbm>> -> memref<1x6xf32, #tpu.memory_space<hbm>>
      tpu.enqueue_dma source(%dma_start3A_151 : memref<1x6xf32, #tpu.memory_space<hbm>>) target(%dma_start3A_149 : memref<1x6xf32, #tpu.memory_space<hbm>>) target_semaphore(%arg14 : memref<!tpu.dma_semaphore, #tpu.memory_space<semaphore_mem>>)
      %slice3A_152 = vector.extract_strided_slice %get3A_102 {offsets = [6], sizes = [1], strides = [1]} : vector<16xi32> to vector<1xi32>
      %squeeze3A_153 = vector.extract %slice3A_152[0] : i32 from vector<1xi32>
      %slice3A_154 = vector.extract_strided_slice %get3A_106 {offsets = [6], sizes = [1], strides = [1]} : vector<16xi32> to vector<1xi32>
      %squeeze3A_155 = vector.extract %slice3A_154[0] : i32 from vector<1xi32>
      %dma_start3A_156 = arith.constant 0 : i32
      %dma_start3A_157 = tpu.memref_slice %arg6[%squeeze3A_155, %dma_start3A_156] : memref<8192x6xf32, #tpu.memory_space<hbm>> -> memref<1x6xf32, #tpu.memory_space<hbm>>
      %dma_start3A_158 = arith.constant 0 : i32
      %dma_start3A_159 = tpu.memref_slice %arg5[%squeeze3A_153, %dma_start3A_158] : memref<4096x6xf32, #tpu.memory_space<hbm>> -> memref<1x6xf32, #tpu.memory_space<hbm>>
      tpu.enqueue_dma source(%dma_start3A_159 : memref<1x6xf32, #tpu.memory_space<hbm>>) target(%dma_start3A_157 : memref<1x6xf32, #tpu.memory_space<hbm>>) target_semaphore(%arg14 : memref<!tpu.dma_semaphore, #tpu.memory_space<semaphore_mem>>)
      %slice3A_160 = vector.extract_strided_slice %get3A_102 {offsets = [7], sizes = [1], strides = [1]} : vector<16xi32> to vector<1xi32>
      %squeeze3A_161 = vector.extract %slice3A_160[0] : i32 from vector<1xi32>
      %slice3A_162 = vector.extract_strided_slice %get3A_106 {offsets = [7], sizes = [1], strides = [1]} : vector<16xi32> to vector<1xi32>
      %squeeze3A_163 = vector.extract %slice3A_162[0] : i32 from vector<1xi32>
      %dma_start3A_164 = arith.constant 0 : i32
      %dma_start3A_165 = tpu.memref_slice %arg6[%squeeze3A_163, %dma_start3A_164] : memref<8192x6xf32, #tpu.memory_space<hbm>> -> memref<1x6xf32, #tpu.memory_space<hbm>>
      %dma_start3A_166 = arith.constant 0 : i32
      %dma_start3A_167 = tpu.memref_slice %arg5[%squeeze3A_161, %dma_start3A_166] : memref<4096x6xf32, #tpu.memory_space<hbm>> -> memref<1x6xf32, #tpu.memory_space<hbm>>
      tpu.enqueue_dma source(%dma_start3A_167 : memref<1x6xf32, #tpu.memory_space<hbm>>) target(%dma_start3A_165 : memref<1x6xf32, #tpu.memory_space<hbm>>) target_semaphore(%arg14 : memref<!tpu.dma_semaphore, #tpu.memory_space<semaphore_mem>>)
      %slice3A_168 = vector.extract_strided_slice %get3A_102 {offsets = [8], sizes = [1], strides = [1]} : vector<16xi32> to vector<1xi32>
      %squeeze3A_169 = vector.extract %slice3A_168[0] : i32 from vector<1xi32>
      %slice3A_170 = vector.extract_strided_slice %get3A_106 {offsets = [8], sizes = [1], strides = [1]} : vector<16xi32> to vector<1xi32>
      %squeeze3A_171 = vector.extract %slice3A_170[0] : i32 from vector<1xi32>
      %dma_start3A_172 = arith.constant 0 : i32
      %dma_start3A_173 = tpu.memref_slice %arg6[%squeeze3A_171, %dma_start3A_172] : memref<8192x6xf32, #tpu.memory_space<hbm>> -> memref<1x6xf32, #tpu.memory_space<hbm>>
      %dma_start3A_174 = arith.constant 0 : i32
      %dma_start3A_175 = tpu.memref_slice %arg5[%squeeze3A_169, %dma_start3A_174] : memref<4096x6xf32, #tpu.memory_space<hbm>> -> memref<1x6xf32, #tpu.memory_space<hbm>>
      tpu.enqueue_dma source(%dma_start3A_175 : memref<1x6xf32, #tpu.memory_space<hbm>>) target(%dma_start3A_173 : memref<1x6xf32, #tpu.memory_space<hbm>>) target_semaphore(%arg14 : memref<!tpu.dma_semaphore, #tpu.memory_space<semaphore_mem>>)
      %slice3A_176 = vector.extract_strided_slice %get3A_102 {offsets = [9], sizes = [1], strides = [1]} : vector<16xi32> to vector<1xi32>
      %squeeze3A_177 = vector.extract %slice3A_176[0] : i32 from vector<1xi32>
      %slice3A_178 = vector.extract_strided_slice %get3A_106 {offsets = [9], sizes = [1], strides = [1]} : vector<16xi32> to vector<1xi32>
      %squeeze3A_179 = vector.extract %slice3A_178[0] : i32 from vector<1xi32>
      %dma_start3A_180 = arith.constant 0 : i32
      %dma_start3A_181 = tpu.memref_slice %arg6[%squeeze3A_179, %dma_start3A_180] : memref<8192x6xf32, #tpu.memory_space<hbm>> -> memref<1x6xf32, #tpu.memory_space<hbm>>
      %dma_start3A_182 = arith.constant 0 : i32
      %dma_start3A_183 = tpu.memref_slice %arg5[%squeeze3A_177, %dma_start3A_182] : memref<4096x6xf32, #tpu.memory_space<hbm>> -> memref<1x6xf32, #tpu.memory_space<hbm>>
      tpu.enqueue_dma source(%dma_start3A_183 : memref<1x6xf32, #tpu.memory_space<hbm>>) target(%dma_start3A_181 : memref<1x6xf32, #tpu.memory_space<hbm>>) target_semaphore(%arg14 : memref<!tpu.dma_semaphore, #tpu.memory_space<semaphore_mem>>)
      %slice3A_184 = vector.extract_strided_slice %get3A_102 {offsets = [10], sizes = [1], strides = [1]} : vector<16xi32> to vector<1xi32>
      %squeeze3A_185 = vector.extract %slice3A_184[0] : i32 from vector<1xi32>
      %slice3A_186 = vector.extract_strided_slice %get3A_106 {offsets = [10], sizes = [1], strides = [1]} : vector<16xi32> to vector<1xi32>
      %squeeze3A_187 = vector.extract %slice3A_186[0] : i32 from vector<1xi32>
      %dma_start3A_188 = arith.constant 0 : i32
      %dma_start3A_189 = tpu.memref_slice %arg6[%squeeze3A_187, %dma_start3A_188] : memref<8192x6xf32, #tpu.memory_space<hbm>> -> memref<1x6xf32, #tpu.memory_space<hbm>>
      %dma_start3A_190 = arith.constant 0 : i32
      %dma_start3A_191 = tpu.memref_slice %arg5[%squeeze3A_185, %dma_start3A_190] : memref<4096x6xf32, #tpu.memory_space<hbm>> -> memref<1x6xf32, #tpu.memory_space<hbm>>
      tpu.enqueue_dma source(%dma_start3A_191 : memref<1x6xf32, #tpu.memory_space<hbm>>) target(%dma_start3A_189 : memref<1x6xf32, #tpu.memory_space<hbm>>) target_semaphore(%arg14 : memref<!tpu.dma_semaphore, #tpu.memory_space<semaphore_mem>>)
      %slice3A_192 = vector.extract_strided_slice %get3A_102 {offsets = [11], sizes = [1], strides = [1]} : vector<16xi32> to vector<1xi32>
      %squeeze3A_193 = vector.extract %slice3A_192[0] : i32 from vector<1xi32>
      %slice3A_194 = vector.extract_strided_slice %get3A_106 {offsets = [11], sizes = [1], strides = [1]} : vector<16xi32> to vector<1xi32>
      %squeeze3A_195 = vector.extract %slice3A_194[0] : i32 from vector<1xi32>
      %dma_start3A_196 = arith.constant 0 : i32
      %dma_start3A_197 = tpu.memref_slice %arg6[%squeeze3A_195, %dma_start3A_196] : memref<8192x6xf32, #tpu.memory_space<hbm>> -> memref<1x6xf32, #tpu.memory_space<hbm>>
      %dma_start3A_198 = arith.constant 0 : i32
      %dma_start3A_199 = tpu.memref_slice %arg5[%squeeze3A_193, %dma_start3A_198] : memref<4096x6xf32, #tpu.memory_space<hbm>> -> memref<1x6xf32, #tpu.memory_space<hbm>>
      tpu.enqueue_dma source(%dma_start3A_199 : memref<1x6xf32, #tpu.memory_space<hbm>>) target(%dma_start3A_197 : memref<1x6xf32, #tpu.memory_space<hbm>>) target_semaphore(%arg14 : memref<!tpu.dma_semaphore, #tpu.memory_space<semaphore_mem>>)
      %slice3A_200 = vector.extract_strided_slice %get3A_102 {offsets = [12], sizes = [1], strides = [1]} : vector<16xi32> to vector<1xi32>
      %squeeze3A_201 = vector.extract %slice3A_200[0] : i32 from vector<1xi32>
      %slice3A_202 = vector.extract_strided_slice %get3A_106 {offsets = [12], sizes = [1], strides = [1]} : vector<16xi32> to vector<1xi32>
      %squeeze3A_203 = vector.extract %slice3A_202[0] : i32 from vector<1xi32>
      %dma_start3A_204 = arith.constant 0 : i32
      %dma_start3A_205 = tpu.memref_slice %arg6[%squeeze3A_203, %dma_start3A_204] : memref<8192x6xf32, #tpu.memory_space<hbm>> -> memref<1x6xf32, #tpu.memory_space<hbm>>
      %dma_start3A_206 = arith.constant 0 : i32
      %dma_start3A_207 = tpu.memref_slice %arg5[%squeeze3A_201, %dma_start3A_206] : memref<4096x6xf32, #tpu.memory_space<hbm>> -> memref<1x6xf32, #tpu.memory_space<hbm>>
      tpu.enqueue_dma source(%dma_start3A_207 : memref<1x6xf32, #tpu.memory_space<hbm>>) target(%dma_start3A_205 : memref<1x6xf32, #tpu.memory_space<hbm>>) target_semaphore(%arg14 : memref<!tpu.dma_semaphore, #tpu.memory_space<semaphore_mem>>)
      %slice3A_208 = vector.extract_strided_slice %get3A_102 {offsets = [13], sizes = [1], strides = [1]} : vector<16xi32> to vector<1xi32>
      %squeeze3A_209 = vector.extract %slice3A_208[0] : i32 from vector<1xi32>
      %slice3A_210 = vector.extract_strided_slice %get3A_106 {offsets = [13], sizes = [1], strides = [1]} : vector<16xi32> to vector<1xi32>
      %squeeze3A_211 = vector.extract %slice3A_210[0] : i32 from vector<1xi32>
      %dma_start3A_212 = arith.constant 0 : i32
      %dma_start3A_213 = tpu.memref_slice %arg6[%squeeze3A_211, %dma_start3A_212] : memref<8192x6xf32, #tpu.memory_space<hbm>> -> memref<1x6xf32, #tpu.memory_space<hbm>>
      %dma_start3A_214 = arith.constant 0 : i32
      %dma_start3A_215 = tpu.memref_slice %arg5[%squeeze3A_209, %dma_start3A_214] : memref<4096x6xf32, #tpu.memory_space<hbm>> -> memref<1x6xf32, #tpu.memory_space<hbm>>
      tpu.enqueue_dma source(%dma_start3A_215 : memref<1x6xf32, #tpu.memory_space<hbm>>) target(%dma_start3A_213 : memref<1x6xf32, #tpu.memory_space<hbm>>) target_semaphore(%arg14 : memref<!tpu.dma_semaphore, #tpu.memory_space<semaphore_mem>>)
      %slice3A_216 = vector.extract_strided_slice %get3A_102 {offsets = [14], sizes = [1], strides = [1]} : vector<16xi32> to vector<1xi32>
      %squeeze3A_217 = vector.extract %slice3A_216[0] : i32 from vector<1xi32>
      %slice3A_218 = vector.extract_strided_slice %get3A_106 {offsets = [14], sizes = [1], strides = [1]} : vector<16xi32> to vector<1xi32>
      %squeeze3A_219 = vector.extract %slice3A_218[0] : i32 from vector<1xi32>
      %dma_start3A_220 = arith.constant 0 : i32
      %dma_start3A_221 = tpu.memref_slice %arg6[%squeeze3A_219, %dma_start3A_220] : memref<8192x6xf32, #tpu.memory_space<hbm>> -> memref<1x6xf32, #tpu.memory_space<hbm>>
      %dma_start3A_222 = arith.constant 0 : i32
      %dma_start3A_223 = tpu.memref_slice %arg5[%squeeze3A_217, %dma_start3A_222] : memref<4096x6xf32, #tpu.memory_space<hbm>> -> memref<1x6xf32, #tpu.memory_space<hbm>>
      tpu.enqueue_dma source(%dma_start3A_223 : memref<1x6xf32, #tpu.memory_space<hbm>>) target(%dma_start3A_221 : memref<1x6xf32, #tpu.memory_space<hbm>>) target_semaphore(%arg14 : memref<!tpu.dma_semaphore, #tpu.memory_space<semaphore_mem>>)
      %slice3A_224 = vector.extract_strided_slice %get3A_102 {offsets = [15], sizes = [1], strides = [1]} : vector<16xi32> to vector<1xi32>
      %squeeze3A_225 = vector.extract %slice3A_224[0] : i32 from vector<1xi32>
      %slice3A_226 = vector.extract_strided_slice %get3A_106 {offsets = [15], sizes = [1], strides = [1]} : vector<16xi32> to vector<1xi32>
      %squeeze3A_227 = vector.extract %slice3A_226[0] : i32 from vector<1xi32>
      %dma_start3A_228 = arith.constant 0 : i32
      %dma_start3A_229 = tpu.memref_slice %arg6[%squeeze3A_227, %dma_start3A_228] : memref<8192x6xf32, #tpu.memory_space<hbm>> -> memref<1x6xf32, #tpu.memory_space<hbm>>
      %dma_start3A_230 = arith.constant 0 : i32
      %dma_start3A_231 = tpu.memref_slice %arg5[%squeeze3A_225, %dma_start3A_230] : memref<4096x6xf32, #tpu.memory_space<hbm>> -> memref<1x6xf32, #tpu.memory_space<hbm>>
      tpu.enqueue_dma source(%dma_start3A_231 : memref<1x6xf32, #tpu.memory_space<hbm>>) target(%dma_start3A_229 : memref<1x6xf32, #tpu.memory_space<hbm>>) target_semaphore(%arg14 : memref<!tpu.dma_semaphore, #tpu.memory_space<semaphore_mem>>)
    }
    %add3A_86 = arith.addi %shift_right_arithmetic3A_61, %shift_right_arithmetic3A_65 : i32
    %mul3A_87 = arith.constant 16 : i32
    %mul3A_88 = arith.muli %add3A_86, %mul3A_87 : i32
    %while3A_89 = arith.constant 0 : i32
    %while3A_90 = arith.constant 0 : i32
    %while3A_91 = arith.subi %mul3A_88, %while3A_90 : i32
    %while3A_92 = arith.addi %while3A_90, %while3A_91 : i32
    %while3A_93 = arith.constant 1 : i32
    %while3A_94 = arith.divsi %while3A_91, %while3A_93 : i32
    %while3A_95 = arith.muli %while3A_94, %while3A_93 : i32
    %while3A_96 = arith.addi %while3A_90, %while3A_95 : i32
    %while3A_97 = arith.constant 1 : i32
    scf.for %while3A_99 = %while3A_90 to %while3A_96 step %while3A_97  : i32 {
      %dma_wait3A = arith.constant 0 : i32
      %dma_wait3A_100 = arith.constant 0 : i32
      %dma_wait3A_101 = tpu.memref_slice %arg6[%dma_wait3A, %dma_wait3A_100] : memref<8192x6xf32, #tpu.memory_space<hbm>> -> memref<1x6xf32, #tpu.memory_space<hbm>>
      %dma_wait3A_102 = arith.constant 0 : i32
      %dma_wait3A_103 = arith.constant 0 : i32
      %dma_wait3A_104 = tpu.memref_slice %arg2[%dma_wait3A_102, %dma_wait3A_103] : memref<1000000x6xf32, #tpu.memory_space<hbm>> -> memref<1x6xf32, #tpu.memory_space<hbm>>
      tpu.wait_dma2 semaphore(%arg14 : memref<!tpu.dma_semaphore, #tpu.memory_space<semaphore_mem>>) src(%dma_wait3A_104 : memref<1x6xf32, #tpu.memory_space<hbm>>) dst(%dma_wait3A_101 : memref<1x6xf32, #tpu.memory_space<hbm>>)
    }
    %while3A_98 = arith.constant 1 : i32
    scf.for %while3A_99 = %while3A_96 to %while3A_92 step %while3A_98  : i32 {
      %dma_wait3A = arith.constant 0 : i32
      %dma_wait3A_100 = arith.constant 0 : i32
      %dma_wait3A_101 = tpu.memref_slice %arg6[%dma_wait3A, %dma_wait3A_100] : memref<8192x6xf32, #tpu.memory_space<hbm>> -> memref<1x6xf32, #tpu.memory_space<hbm>>
      %dma_wait3A_102 = arith.constant 0 : i32
      %dma_wait3A_103 = arith.constant 0 : i32
      %dma_wait3A_104 = tpu.memref_slice %arg2[%dma_wait3A_102, %dma_wait3A_103] : memref<1000000x6xf32, #tpu.memory_space<hbm>> -> memref<1x6xf32, #tpu.memory_space<hbm>>
      tpu.wait_dma2 semaphore(%arg14 : memref<!tpu.dma_semaphore, #tpu.memory_space<semaphore_mem>>) src(%dma_wait3A_104 : memref<1x6xf32, #tpu.memory_space<hbm>>) dst(%dma_wait3A_101 : memref<1x6xf32, #tpu.memory_space<hbm>>)
    }
    return
  }
}

</mosaic_0001>

<sc_bundles>
// kernel: kernel.3.cloned.1.call-start
scs
__scs_entry_jumppad:
0x0: {  	(pc) =	sbr.rel $0x88, $3  }
0x1: {  	(tag) =	ssettag $0x0;
	lr =	simm.s32 $0x1  }
0x2: {  	[smem:$0x3F9C] =	sst lr;
	_ =	strace $0xD0000000  }
0x3: {  	_ = 	snop  }
0x4: {  	_ = 	snop  }
0x5: {  	_ = 	snop  }
0x6: {  	_ = 	snop  }
0x7: {  	_ = 	snop  }
__scs_overlays_trampoline_lowered:
0x8: {  	[smem:$0x3FAB] =	sst s0  }
0x9: {  	[smem:$0x3FAC] =	sst s1  }
0xa: {  	[smem:$0x3FAD] =	sst s2  }
0xb: {  	[smem:$0x3FAE] =	sst s3  }
0xc: {  	[smem:$0x3FAF] =	sst s4  }
0xd: {  	[smem:$0x3FB0] =	sst s5  }
0xe: {  	[smem:$0x3FB1] =	sst s6  }
0xf: {  	[smem:$0x3FB2] =	sst s7  }
0x10: {  	[smem:$0x3FB3] =	sst s8  }
0x11: {  	[smem:$0x3FB4] =	sst s9;
	s0 =	simm.s32 @!p0 $0x0  }
0x12: {  	s1 =	sld [smem:$0x3F9A];
	s0 =	simm.s32 @p0 $0x1  }
0x13: {  	[smem:$0x3FB5] =	sst s0;
	s0 =	simm.s32 @!p1 $0x0  }
0x14: {  	s2 =	sld [smem:$0x3F99];
	s0 =	simm.s32 @p1 $0x1  }
0x15: {  	[smem:$0x3FB6] =	sst s0;
	s0 =	simm.s32 @!p2 $0x0  }
0x16: {  	s3 =	sld [smem:$0x3FDB];
	s0 =	simm.s32 @p2 $0x1  }
0x17: {  	s4 =	simm.s32 $0x1BF5;
	[smem:$0x3FB8] =	sst s0  }
0x18: {  	s0 =	sld [smem:$0x3F9B];
	_ =	swait.ge [sflag:s4], $0x0  }
0x19: {  	s7 =	sld [smem:$0x3F9C]  }
0x1a: {  	s8 =	sadd.s32 $0xFFFFE003, lr  }
0x1b: {  	s9 =	sadd.s32 $0xFFFFFEF7, lr;
	s5 =	simm.s32 $0xFFFFFFFF;
	p2 =	slt.u32 s8, $0xFFFFF086  }
0x1c: {  	p1 =	slt.u32 s9, $0xF7A;
	s5 =	simm.s32 @!p2 $0x0  }
0x1d: {  	s5 =	simm.s32 @p1 $0x1;
	p0 =	seq.s32 s7, s2  }
0x1e: {  	s7 =	smul.u32 @!p0 $0xF7A, s2;
	p2 =	seq.s32 @!p0 s5, $0x0  }
0x1f: {  	s9 =	smul.u32 $0xF7A, s1;
	s8 =	simm.s32 @!p0 $0x1BF5;
	p2 =	por !p2, p0  }
0x20: {  	[sflag:s8] =	ssyncset.s32 @!p0 $0xFFFFF086;
	s6 =	sadd.s32 @!p0 s3, s7;
	s7 =	simm.s32 @!p0 $0x108  }
0x21: {  	s3 =	sadd.s32 s3, s9;
	s6 =	sadd.s32 @!p0 $0x88, s6;
	s7 =	simm.s32 @p2 $0x1082  }
0x22: {  	[simem:s7], [sflag:s8] =	dma.local @!p0 [hbm:s6], $0xF7A  }
0x23: {  	s9 =	sor.u32 $0xD0000000, s2;
	s6 =	simm.s32 $0x108;
	_ =	swait.ge @!p0 [sflag:s8], $0x0  }
0x24: {  	s3 =	sadd.s32 $0x88, s3;
	s6 =	simm.s32 @!p1 $0x1082;
	[sflag:s4] =	ssyncset.s32 $0xFFFFF086  }
0x25: {  	[simem:s6], [sflag:s4] =	dma.local [hbm:s3], $0xF7A  }
0x26: {  	[smem:$0x3F9C] =	sst s1;
	(tag) =	ssettag s2;
	_ =	strace s9  }
0x27: {  	s1 =	sld [smem:$0x3FAC]  }
0x28: {  	s2 =	sld [smem:$0x3FAD]  }
0x29: {  	s4 =	sld [smem:$0x3FAF]  }
0x2a: {  	p0 =	seq.s32 s5, $0x0;
	s5 =	sld [smem:$0x3FB0]  }
0x2b: {  	s6 =	sld [smem:$0x3FB1]  }
0x2c: {  	s7 =	sld [smem:$0x3FB2]  }
0x2d: {  	s3 =	simm.s32 $0x108;
	s8 =	sld [smem:$0x3FB3]  }
0x2e: {  	s3 =	simm.s32 @!p0 $0x1082;
	s9 =	sld [smem:$0x3FB4]  }
0x2f: {  	lr =	sadd.s32 s0, s3;
	s0 =	sld [smem:$0x3FAB]  }
0x30: {  	s3 =	sld [smem:$0x3FAE]  }
0x31: {  	[smem:$0x3FB7] =	sst s10  }
0x32: {  	s10 =	sld [smem:$0x3FB5];
	_ =	sdelay $0x3  }
0x33: {  	p0 =	seq.s32 s10, $0x1;
	s10 =	sld [smem:$0x3FB7];
	_ =	sdelay $0x3  }
0x34: {  	[smem:$0x3FB7] =	sst s10  }
0x35: {  	s10 =	sld [smem:$0x3FB6];
	_ =	sdelay $0x3  }
0x36: {  	p1 =	seq.s32 s10, $0x1;
	s10 =	sld [smem:$0x3FB7];
	_ =	sdelay $0x3  }
0x37: {  	[smem:$0x3FB7] =	sst s10  }
0x38: {  	s10 =	sld [smem:$0x3FB8]  }
0x39: {  	_ = 	snop;
	(pc) =	sbr.ind lr, $3  }
0x3a: {  	_ = 	snop  }
0x3b: {  	_ = 	snop  }
0x3c: {  	p2 =	seq.s32 s10, $0x1;
	s10 =	sld [smem:$0x3FB7]  }
0x3d: {  	_ =	shalt  }
0x3e: {  	_ =	shalt  }
0x3f: {  	_ =	shalt  }
0x40: {  	_ =	shalt  }
0x41: {  	_ =	shalt  }
0x42: {  	_ =	shalt  }
0x43: {  	_ =	shalt  }
0x44: {  	_ =	shalt  }
0x45: {  	_ =	shalt  }
0x46: {  	_ =	shalt  }
0x47: {  	_ =	shalt  }
0x48: {  	_ =	shalt  }
0x49: {  	_ =	shalt  }
0x4a: {  	_ =	shalt  }
0x4b: {  	_ =	shalt  }
0x4c: {  	_ =	shalt  }
0x4d: {  	_ =	shalt  }
0x4e: {  	_ =	shalt  }
0x4f: {  	_ =	shalt  }
0x50: {  	_ =	shalt  }
0x51: {  	_ =	shalt  }
0x52: {  	_ =	shalt  }
0x53: {  	_ =	shalt  }
0x54: {  	_ =	shalt  }
0x55: {  	_ =	shalt  }
0x56: {  	_ =	shalt  }
0x57: {  	_ =	shalt  }
0x58: {  	_ =	shalt  }
0x59: {  	_ =	shalt  }
0x5a: {  	_ =	shalt  }
0x5b: {  	_ =	shalt  }
0x5c: {  	_ =	shalt  }
0x5d: {  	_ =	shalt  }
0x5e: {  	_ =	shalt  }
0x5f: {  	_ =	shalt  }
0x60: {  	_ =	shalt  }
0x61: {  	_ =	shalt  }
0x62: {  	_ =	shalt  }
0x63: {  	_ =	shalt  }
0x64: {  	_ =	shalt  }
0x65: {  	_ =	shalt  }
0x66: {  	_ =	shalt  }
0x67: {  	_ =	shalt  }
0x68: {  	_ =	shalt  }
0x69: {  	_ =	shalt  }
0x6a: {  	_ =	shalt  }
0x6b: {  	_ =	shalt  }
0x6c: {  	_ =	shalt  }
0x6d: {  	_ =	shalt  }
0x6e: {  	_ =	shalt  }
0x6f: {  	_ =	shalt  }
0x70: {  	_ =	shalt  }
0x71: {  	_ =	shalt  }
0x72: {  	_ =	shalt  }
0x73: {  	_ =	shalt  }
0x74: {  	_ =	shalt  }
0x75: {  	_ =	shalt  }
0x76: {  	_ =	shalt  }
0x77: {  	_ =	shalt  }
0x78: {  	_ =	shalt  }
0x79: {  	_ =	shalt  }
0x7a: {  	_ =	shalt  }
0x7b: {  	_ =	shalt  }
0x7c: {  	_ =	shalt  }
0x7d: {  	_ =	shalt  }
0x7e: {  	_ =	shalt  }
0x7f: {  	_ =	shalt  }
0x80: {  	_ =	shalt  }
0x81: {  	_ =	shalt  }
0x82: {  	_ =	shalt  }
0x83: {  	_ =	shalt  }
0x84: {  	_ =	shalt  }
0x85: {  	_ =	shalt  }
0x86: {  	_ =	shalt  }
0x87: {  	_ =	shalt  }
.Lfunc_end0:
.L_simem_size_0:
called_computation_lowered:
.L_overlay_start_0:
0x88: {  	s2 =	sld [smem:$0x3FD9]  }
0x89: {  	s3 =	sld [smem:$0x3FFE];
	_ =	sdelay $0x1  }
0x8a: {  	s1 =	srdreg.scid  }
0x8b: {  	s0 =	sand.u32 $0x1, s1  }
0x8c: {  	s17 =	sshll.u32 s0, $0xA;
	s2 =	sadd.s32 s3, s2  }
0x8d: {  	s2 =	sadd.s32 s2, s17  }
0x8e: {  	[smem:$0x3FC3] =	sst s2  }
0x8f: {  	_ = 	snop  }
0x90: {  	s2 =	sld [smem:$0x3FC6]  }
0x91: {  	s18 =	sld [smem:$0x3FC5];
	(tm) =	ssettm $0x1  }
0x92: {  	s4 =	sld [smem:$0x3FFB];
	_ =	sdelay $0x3  }
0x93: {  	_ =	strace s4  }
0x94: {  	s4 =	sld [smem:$0x3FFC];
	_ =	sdelay $0x3  }
0x95: {  	_ =	strace s4  }
0x96: {  	s4 =	sld [smem:$0x3FFD];
	_ =	sdelay $0x3  }
0x97: {  	_ =	strace s4  }
0x98: {  	_ =	strace $0x8FFFFFFF  }
0x99: {  	s19 =	sld [smem:$0x3FDB];
	_ =	sdelay $0x1  }
0x9a: {  	s5 =	simm.s32 $_scs_section_size  }
0x9b: {  	s6 =	simm.s32 $_size__tile_overlayer_lowered;
	s7 =	simm.s32 $_tile_overlayer_lowered  }
0x9c: {  	s22 =	simm.s32 $0x1BFF;
	s21 =	sshll.u32 s7, $0x1;
	s4 =	sadd.s32 s5, s19  }
0x9d: {  	s8 =	simm.s32 $0x0;
	s20 =	sshll.u32 s6, $0x1;
	s6 =	sadd.s32 s21, s4  }
0x9e: {  	[timem:s8], [sflag:s22] =	dma.local [hbm:s6], s20  }
0x9f: {  	_ =	swait.ge [sflag:s22], s20  }
0xa0: {  	s5 =	ssub.s32 $0x0, s20;
	[sflag:s22] =	ssyncset.done $0x0  }
0xa1: {  	[sflag:s22] =	ssyncadd.s32 s5;
	_ =	sdelay $0x1  }
0xa2: {  	s23 =	simm.s32 $0x1B8B  }
0xa3: {  	_ =	swait.ge [sflag:s23], $0x1  }
0xa4: {  	[sflag:s23] =	ssyncset.done $0x0  }
0xa5: {  	s25 =	simm.s32 $0x1B8E;
	s24 =	sld [smem:$0x3FFE];
	[sflag:s23] =	ssyncadd.s32 $0xFFFFFFFF  }
0xa6: {  	s26 =	simm.s32 $execute0_lowered;
	[smem:$0x3FD2] =	sst s25  }
0xa7: {  	s6 =	sshll.u32 s26, $0x1;
	_ =	strace $0x80000046;
	[dreg:$0x1] =	wrdreg $0xFFFFFFFF  }
0xa8: {  	s28 =	simm.s32 $_size_execute0_lowered;
	s4 =	sadd.s32 s4, s6;
	[dreg:$0x0] =	wrdreg $0x0  }
0xa9: {  	s6 =	sshll.u32 s28, $0x1;
	[dreg:$0x2] =	wrdreg s4  }
0xaa: {  	[dreg:$0x3] =	wrdreg s6  }
0xab: {  	[dreg:$0x4] =	wrdreg $0xC0  }
0xac: {  	_ =	task [dreg:s8], $0x5FFFF  }
0xad: {  	[dreg:$0x1] =	wrdreg $0xFFFFFFFF  }
0xae: {  	[dreg:$0x0] =	wrdreg $0x60  }
0xaf: {  	[dreg:$0x2] =	wrdreg s24  }
0xb0: {  	[dreg:$0x3] =	wrdreg s2  }
0xb1: {  	[dreg:$0x4] =	wrdreg s18  }
0xb2: {  	[dreg:$0x5] =	wrdreg $0x9  }
0xb3: {  	_ =	task.clear_ibuf [dreg:s8], $0x6FFFF;
	_ =	strace $0x90000046  }
0xb4: {  	s29 =	simm.s32 $0x9;
	_ =	strace $0x80000048  }
0xb5: {  	_ =	swait.ge [sflag:s29], $0x1  }
0xb6: {  	[sflag:s29] =	ssyncadd.s32 $0xFFFFFFFF  }
0xb7: {  	_ =	strace $0x90000048  }
0xb8: {  	_ =	sfence  }
0xb9: {  	s30 =	sld [smem:$0x0];
	_ =	sdelay $0x2  }
0xba: {  	s31 =	sshll.u32 s1, $0xD;
	s1 =	sshrl.u32 s1, $0x2  }
0xbb: {  	s3 =	sand.u32 $0x4000, s31;
	s1 =	sadd.s32 s1, s30  }
0xbc: {  	s0 =	sor.u32 s3, s0;
	s1 =	sshll.u32 s1, $0x11  }
0xbd: {  	s0 =	sor.u32 s1, s0  }
0xbe: {  	s0 =	sadd.s32 $0x8F2B, s0  }
0xbf: {  	[sflag:s0] =	ssyncadd.remote.s32 $0x1  }
0xc0: {  	_ =	sfence.sel $0xFFFF  }
0xc1: {  	[dreg:$0x0] =	wrdreg $0xFFFFFFFF;
	(pc) =	sbr.abs _section_cstart, $3  }
0xc2: {  	[dreg:$0x1] =	wrdreg $0xFFFFFFFF  }
0xc3: {  	_ =	task.clear_ibuf [dreg:s8], $0x2FFFF;
	_ =	strace $0x9FFFFFFF  }
0xc4: {  	(tm) =	ssettm $0x7FFFFFFF  }
0xc5: {  	_ =	shalt  }
tec
execute0_lowered:
.L_overlay_start_1:
0x0: {  	(tag) =	ssettag $0x1  }
0x1: {  	s0 =	srdreg.scid;
	s1 =	stileid.u32  }
0x2: {  	s0 =	sand.u32 $0x1, s0;
	s1 =	sshll.u32 s1, $0x1  }
0x3: {  	s1 =	sor.u32 s0, s1  }
0x4: {  	s2 =	rddreg [dreg:$0x0];
	s4 =	simm.s32 $0x0;
	s3 =	sshll.u32 s1, $0x7  }
0x5: {  	s6 =	simm.s32 $0x1000;
	[smem:$0x7FF] =	sst s4;
	s3 =	sor.u32 $0x1000, s3  }
.Ltmp0:
0x6: {  	s5 =	sadd.s32 $0x10000, s2;
	s0 =	ssub.s32 $0x2, s0;
	v0 =	vmov s3;
	(pc) =	sbr.rel .LBB2_1-.Ltmp0, $4  }
0x7: {  	s22 =	sadd.s32 $0xF52400, s2;
	_ =	strace $0x80000047;
	s31 =	sshrl.u32 s0, $0x1;
	v0 =	vor.u32 $0x10, v0  }
0x8: {  	[dreg:$0x10] =	wrdreg s5;
	s1 =	smul.u32 $0x7A12, s1;
	s0 =	ssub.s32 s0, s31;
	v3 =	vbroadcast v0, $0x0  }
0x9: {  	v1 =	vlaneseq.u32;
	s7 =	simm.s32 $0x1;
	v4 =	vimm.s32 $0x0;
	[dreg:$0x4] =	wrdreg s22;
	s0 =	smax.u32 s0, $0x1  }
0xa: {  	s11 =	simm.s32 $0x2000;
	s9 =	simm.s32 $0x0;
	v2 =	vor.u32 s3, v1;
	[dreg:$0x11] =	wrdreg s0;
	v0 =	vmov s1;
	v3 =	vor.u32 v1, v3  }
.LBB2_38:
0xb: {  	[sflag:s7] =	ssyncadd.s32 $0xFFFFFFF0  }
.LBB2_39:
0xc: {  	s9 =	sadd.s32 $0x1, s9;
	s0 =	rddreg [dreg:$0x11]  }
0xd: {  	p0 =	sne.s32 s9, s0  }
.Ltmp1:
0xe: {  	_ = 	snop;
	(pc) =	sbr.rel @!p0 .LBB2_40-.Ltmp1, $1  }
0xf: {  	_ =	sdelay $0x3  }
.LBB2_1:
0x10: {  	s0 =	rddreg [dreg:$0x1];
	s2 =	simm.s32 $0x0  }
0x11: {  	[tilespmem:s2], [sflag:$0x1] =	stream.linear.gather [hbm4b:s0+s2], $0x1000, $0x38;
	[tilespmem:$0xDC80] =	vst v63  }
0x12: {  	s14 =	rddreg [dreg:$0x2]  }
0x13: {  	[tilespmem:s6], [sflag:$0x1] =	stream.linear.gather [hbm4b:s14+s2], $0x1000, $0x38;
	[tilespmem:$0xDC80] =	vst v63  }
0x14: {  	_ =	swait.ge [sflag:s7], $0x1000  }
0x15: {  	[sflag:s7] =	ssyncset.done $0x0  }
0x16: {  	[sflag:s7] =	ssyncadd.s32 $0xFFFFF000  }
0x17: {  	_ =	swait.ge [sflag:s7], $0x1000  }
0x18: {  	[sflag:s7] =	ssyncset.done $0x0  }
0x19: {  	s1 =	simm.s32 $0x40;
	[sflag:s7] =	ssyncadd.s32 $0xFFFFF000  }
0x1a: {  	v5 =	vld [tilespmem:s1+$0xFFFFFFC0];
	_ =	sdelay $0x4  }
0x1b: {  	s15 =	simm.s32 $0x0;
	v6 =	vsub.s32 v5, v0  }
0x1c: {  	vm0 =	vlt.u32 v6, $0x7A12;
	v6 =	vor.u32 s15, v1  }
0x1d: {  	[tilespmem:s2+$0x9A80] =	vst.msk vm0, v6;
	v6 =	vmpcnt.ones.xlane vm0  }
0x1e: {  	[tilespmem:s2+$0xAB00] =	vst.msk vm0, v5  }
0x1f: {  	v5 =	vxor.u32 $0x80000000, v6;
	v6 =	vld [tilespmem:s1+$0xFFFFFFD0]  }
0x20: {  	(xrf0) =	vmax.scan.msk.u32 $0xffff, v5;
	_ =	sdelay $0x3  }
0x21: {  	v5 =	vsub.s32 v6, v0  }
0x22: {  	vm9 =	vlt.u32 v5, $0x7A12  }
0x23: {  	v5 =	vmpcnt.ones.xlane vm9;
	v7, _, _ =	vpop (xrf0)  }
0x24: {  	(v2sf) =	vpush v7, $0xF  }
0x25: {  	v5 =	vxor.u32 $0x80000000, v5  }
0x26: {  	(xrf0) =	vmax.scan.msk.u32 $0xffff, v5;
	_ =	sdelay $0x5  }
0x27: {  	v5, _, _ =	vpop (xrf0)  }
0x28: {  	(v2sf) =	vpush v5, $0xF;
	_ =	sdelay $0x5  }
0x29: {  	s16 =	spop (v2sf)  }
0x2a: {  	s3 =	simm.s32 $0x10;
	s0 =	sadd.s32 $0x0, s16  }
0x2b: {  	v5 =	vor.u32 s3, v1;
	s0 =	sadd.s32 $0x80000000, s0  }
0x2c: {  	[tilespmem:s0+$0x9A80] =	vst.msk vm9, v5  }
0x2d: {  	[tilespmem:s0+$0xAB00] =	vst.msk vm9, v6  }
0x2e: {  	v5 =	vld [tilespmem:s1+$0xFFFFFFE0];
	_ =	sdelay $0x3  }
0x2f: {  	s17 =	spop (v2sf)  }
0x30: {  	s18 =	simm.s32 $0x20;
	s0 =	sadd.s32 s17, s0;
	v6 =	vsub.s32 v5, v0  }
0x31: {  	s0 =	sadd.s32 $0x80000000, s0;
	vm10 =	vlt.u32 v6, $0x7A12;
	v6 =	vor.u32 s18, v1  }
0x32: {  	[tilespmem:s0+$0x9A80] =	vst.msk vm10, v6;
	v6 =	vmpcnt.ones.xlane vm10  }
0x33: {  	[tilespmem:s0+$0xAB00] =	vst.msk vm10, v5  }
0x34: {  	v5 =	vxor.u32 $0x80000000, v6;
	v6 =	vld [tilespmem:s1+$0xFFFFFFF0]  }
0x35: {  	(xrf0) =	vmax.scan.msk.u32 $0xffff, v5;
	_ =	sdelay $0x3  }
0x36: {  	v5 =	vsub.s32 v6, v0  }
0x37: {  	vm11 =	vlt.u32 v5, $0x7A12  }
0x38: {  	v5 =	vmpcnt.ones.xlane vm11;
	v7, _, _ =	vpop (xrf0)  }
0x39: {  	(v2sf) =	vpush v7, $0xF  }
0x3a: {  	v5 =	vxor.u32 $0x80000000, v5  }
0x3b: {  	(xrf0) =	vmax.scan.msk.u32 $0xffff, v5;
	_ =	sdelay $0x5  }
0x3c: {  	v5, _, _ =	vpop (xrf0)  }
0x3d: {  	(v2sf) =	vpush v5, $0xF;
	_ =	sdelay $0x5  }
0x3e: {  	s19 =	spop (v2sf)  }
0x3f: {  	s20 =	simm.s32 $0x30;
	s0 =	sadd.s32 s19, s0  }
0x40: {  	v5 =	vor.u32 s20, v1;
	s0 =	sadd.s32 $0x80000000, s0  }
0x41: {  	[tilespmem:s0+$0x9A80] =	vst.msk vm11, v5  }
0x42: {  	[tilespmem:s0+$0xAB00] =	vst.msk vm11, v6  }
0x43: {  	v5 =	vld [tilespmem:s1+$0x0];
	_ =	sdelay $0x3  }
0x44: {  	s21 =	spop (v2sf)  }
0x45: {  	s23 =	simm.s32 $0x40;
	s0 =	sadd.s32 s21, s0;
	v6 =	vsub.s32 v5, v0  }
0x46: {  	s0 =	sadd.s32 $0x80000000, s0;
	vm12 =	vlt.u32 v6, $0x7A12;
	v6 =	vor.u32 s23, v1  }
0x47: {  	[tilespmem:s0+$0x9A80] =	vst.msk vm12, v6;
	v6 =	vmpcnt.ones.xlane vm12  }
0x48: {  	[tilespmem:s0+$0xAB00] =	vst.msk vm12, v5  }
0x49: {  	v5 =	vxor.u32 $0x80000000, v6;
	v6 =	vld [tilespmem:s1+$0x10]  }
0x4a: {  	(xrf0) =	vmax.scan.msk.u32 $0xffff, v5;
	_ =	sdelay $0x3  }
0x4b: {  	v5 =	vsub.s32 v6, v0  }
0x4c: {  	vm13 =	vlt.u32 v5, $0x7A12  }
0x4d: {  	v5 =	vmpcnt.ones.xlane vm13;
	v7, _, _ =	vpop (xrf0)  }
0x4e: {  	(v2sf) =	vpush v7, $0xF  }
0x4f: {  	v5 =	vxor.u32 $0x80000000, v5  }
0x50: {  	(xrf0) =	vmax.scan.msk.u32 $0xffff, v5;
	_ =	sdelay $0x5  }
0x51: {  	v5, _, _ =	vpop (xrf0)  }
0x52: {  	(v2sf) =	vpush v5, $0xF;
	_ =	sdelay $0x5  }
0x53: {  	s24 =	spop (v2sf)  }
0x54: {  	s25 =	simm.s32 $0x50;
	s0 =	sadd.s32 s24, s0  }
0x55: {  	v5 =	vor.u32 s25, v1;
	s0 =	sadd.s32 $0x80000000, s0  }
0x56: {  	[tilespmem:s0+$0x9A80] =	vst.msk vm13, v5  }
0x57: {  	[tilespmem:s0+$0xAB00] =	vst.msk vm13, v6  }
0x58: {  	v5 =	vld [tilespmem:s1+$0x20];
	_ =	sdelay $0x3  }
0x59: {  	s26 =	spop (v2sf)  }
0x5a: {  	s28 =	simm.s32 $0x60;
	s0 =	sadd.s32 s26, s0;
	v6 =	vsub.s32 v5, v0  }
0x5b: {  	s0 =	sadd.s32 $0x80000000, s0;
	vm14 =	vlt.u32 v6, $0x7A12;
	v6 =	vor.u32 s28, v1  }
0x5c: {  	[tilespmem:s0+$0x9A80] =	vst.msk vm14, v6;
	v6 =	vmpcnt.ones.xlane vm14  }
0x5d: {  	[tilespmem:s0+$0xAB00] =	vst.msk vm14, v5  }
0x5e: {  	v5 =	vxor.u32 $0x80000000, v6;
	v6 =	vld [tilespmem:s1+$0x30]  }
0x5f: {  	(xrf0) =	vmax.scan.msk.u32 $0xffff, v5;
	_ =	sdelay $0x3  }
0x60: {  	v5 =	vsub.s32 v6, v0  }
0x61: {  	vm15 =	vlt.u32 v5, $0x7A12  }
0x62: {  	v5 =	vmpcnt.ones.xlane vm15;
	v7, _, _ =	vpop (xrf0)  }
0x63: {  	(v2sf) =	vpush v7, $0xF  }
0x64: {  	v5 =	vxor.u32 $0x80000000, v5  }
0x65: {  	(xrf0) =	vmax.scan.msk.u32 $0xffff, v5;
	_ =	sdelay $0x5  }
0x66: {  	v5, _, _ =	vpop (xrf0)  }
0x67: {  	(v2sf) =	vpush v5, $0xF;
	_ =	sdelay $0x5  }
0x68: {  	s29 =	spop (v2sf)  }
0x69: {  	s30 =	simm.s32 $0x70;
	s0 =	sadd.s32 s29, s0  }
0x6a: {  	v5 =	vor.u32 s30, v1;
	s1 =	sadd.s32 $0x80000000, s0  }
0x6b: {  	[tilespmem:s1+$0x9A80] =	vst.msk vm15, v5  }
0x6c: {  	s14 =	simm.s32 $0xC0;
	[tilespmem:s1+$0xAB00] =	vst.msk vm15, v6  }
0x6d: {  	v5 =	vld [tilespmem:s14+$0xFFFFFFC0];
	_ =	sdelay $0x3  }
0x6e: {  	s13 =	simm.s32 $0xF0;
	s31 =	spop (v2sf)  }
0x6f: {  	s15 =	simm.s32 $0x170;
	s0 =	simm.s32 $0x80;
	v6 =	vsub.s32 v5, v0;
	s1 =	sadd.s32 s31, s1  }
.LBB2_2:
0x70: {  	p0 =	sne.s32 s15, $0xFF0  }
0x71: {  	vm0 =	vlt.u32 v6, $0x7A12;
	v6 =	vor.u32 s0, v1;
	s0 =	sadd.s32 $0x80000000, s1;
	s16 =	smov.u32 s15;
	s15 =	sadd.s32 $0x80, s15  }
0x72: {  	[tilespmem:s0+$0x9A80] =	vst.msk vm0, v6;
	v6 =	vmpcnt.ones.xlane vm0  }
0x73: {  	[tilespmem:s0+$0xAB00] =	vst.msk vm0, v5  }
0x74: {  	v5 =	vxor.u32 $0x80000000, v6;
	v6 =	vld [tilespmem:s14+$0xFFFFFFD0]  }
0x75: {  	(xrf0) =	vmax.scan.msk.u32 $0xffff, v5;
	_ =	sdelay $0x3  }
0x76: {  	v5 =	vsub.s32 v6, v0  }
0x77: {  	vm0 =	vlt.u32 v5, $0x7A12  }
0x78: {  	v5 =	vmpcnt.ones.xlane vm0;
	v7, _, _ =	vpop (xrf0)  }
0x79: {  	(v2sf) =	vpush v7, $0xF  }
0x7a: {  	v5 =	vxor.u32 $0x80000000, v5  }
0x7b: {  	(xrf0) =	vmax.scan.msk.u32 $0xffff, v5;
	_ =	sdelay $0x5  }
0x7c: {  	v5, _, _ =	vpop (xrf0)  }
0x7d: {  	(v2sf) =	vpush v5, $0xF;
	_ =	sdelay $0x5  }
0x7e: {  	s1 =	spop (v2sf)  }
0x7f: {  	s0 =	sadd.s32 s1, s0;
	s1 =	sadd.s32 $0xFFFFFFA0, s13  }
0x80: {  	s0 =	sadd.s32 $0x80000000, s0;
	v5 =	vor.u32 s1, v1  }
0x81: {  	[tilespmem:s0+$0x9A80] =	vst.msk vm0, v5  }
0x82: {  	[tilespmem:s0+$0xAB00] =	vst.msk vm0, v6  }
0x83: {  	v5 =	vld [tilespmem:s14+$0xFFFFFFE0];
	_ =	sdelay $0x3  }
0x84: {  	s1 =	spop (v2sf)  }
0x85: {  	s0 =	sadd.s32 s1, s0;
	s1 =	sadd.s32 $0xFFFFFFB0, s13;
	v6 =	vsub.s32 v5, v0  }
0x86: {  	s0 =	sadd.s32 $0x80000000, s0;
	vm0 =	vlt.u32 v6, $0x7A12;
	v6 =	vor.u32 s1, v1  }
0x87: {  	[tilespmem:s0+$0x9A80] =	vst.msk vm0, v6;
	v6 =	vmpcnt.ones.xlane vm0  }
0x88: {  	[tilespmem:s0+$0xAB00] =	vst.msk vm0, v5  }
0x89: {  	v5 =	vxor.u32 $0x80000000, v6;
	v6 =	vld [tilespmem:s14+$0xFFFFFFF0]  }
0x8a: {  	(xrf0) =	vmax.scan.msk.u32 $0xffff, v5;
	_ =	sdelay $0x3  }
0x8b: {  	v5 =	vsub.s32 v6, v0  }
0x8c: {  	vm0 =	vlt.u32 v5, $0x7A12  }
0x8d: {  	v5 =	vmpcnt.ones.xlane vm0;
	v7, _, _ =	vpop (xrf0)  }
0x8e: {  	(v2sf) =	vpush v7, $0xF  }
0x8f: {  	v5 =	vxor.u32 $0x80000000, v5  }
0x90: {  	(xrf0) =	vmax.scan.msk.u32 $0xffff, v5;
	_ =	sdelay $0x5  }
0x91: {  	v5, _, _ =	vpop (xrf0)  }
0x92: {  	(v2sf) =	vpush v5, $0xF;
	_ =	sdelay $0x5  }
0x93: {  	s1 =	spop (v2sf)  }
0x94: {  	s0 =	sadd.s32 s1, s0;
	s1 =	sadd.s32 $0xFFFFFFC0, s13  }
0x95: {  	s0 =	sadd.s32 $0x80000000, s0;
	v5 =	vor.u32 s1, v1  }
0x96: {  	[tilespmem:s0+$0x9A80] =	vst.msk vm0, v5  }
0x97: {  	[tilespmem:s0+$0xAB00] =	vst.msk vm0, v6  }
0x98: {  	v5 =	vld [tilespmem:s14+$0x0];
	_ =	sdelay $0x3  }
0x99: {  	s1 =	spop (v2sf)  }
0x9a: {  	s0 =	sadd.s32 s1, s0;
	s1 =	sadd.s32 $0xFFFFFFD0, s13;
	v6 =	vsub.s32 v5, v0  }
0x9b: {  	s0 =	sadd.s32 $0x80000000, s0;
	vm0 =	vlt.u32 v6, $0x7A12;
	v6 =	vor.u32 s1, v1  }
0x9c: {  	[tilespmem:s0+$0x9A80] =	vst.msk vm0, v6;
	v6 =	vmpcnt.ones.xlane vm0  }
0x9d: {  	[tilespmem:s0+$0xAB00] =	vst.msk vm0, v5  }
0x9e: {  	v5 =	vxor.u32 $0x80000000, v6;
	v6 =	vld [tilespmem:s14+$0x10]  }
0x9f: {  	(xrf0) =	vmax.scan.msk.u32 $0xffff, v5;
	_ =	sdelay $0x3  }
0xa0: {  	v5 =	vsub.s32 v6, v0  }
0xa1: {  	vm0 =	vlt.u32 v5, $0x7A12  }
0xa2: {  	v5 =	vmpcnt.ones.xlane vm0;
	v7, _, _ =	vpop (xrf0)  }
0xa3: {  	(v2sf) =	vpush v7, $0xF  }
0xa4: {  	v5 =	vxor.u32 $0x80000000, v5  }
0xa5: {  	(xrf0) =	vmax.scan.msk.u32 $0xffff, v5;
	_ =	sdelay $0x5  }
0xa6: {  	v5, _, _ =	vpop (xrf0)  }
0xa7: {  	(v2sf) =	vpush v5, $0xF;
	_ =	sdelay $0x5  }
0xa8: {  	s1 =	spop (v2sf)  }
0xa9: {  	s0 =	sadd.s32 s1, s0;
	s1 =	sadd.s32 $0xFFFFFFE0, s13  }
0xaa: {  	s0 =	sadd.s32 $0x80000000, s0;
	v5 =	vor.u32 s1, v1  }
0xab: {  	[tilespmem:s0+$0x9A80] =	vst.msk vm0, v5  }
0xac: {  	[tilespmem:s0+$0xAB00] =	vst.msk vm0, v6  }
0xad: {  	v5 =	vld [tilespmem:s14+$0x20];
	_ =	sdelay $0x3  }
0xae: {  	s1 =	spop (v2sf)  }
0xaf: {  	s0 =	sadd.s32 s1, s0;
	s1 =	sadd.s32 $0xFFFFFFF0, s13;
	v6 =	vsub.s32 v5, v0  }
0xb0: {  	s0 =	sadd.s32 $0x80000000, s0;
	vm0 =	vlt.u32 v6, $0x7A12;
	v6 =	vor.u32 s1, v1  }
0xb1: {  	[tilespmem:s0+$0x9A80] =	vst.msk vm0, v6;
	v6 =	vmpcnt.ones.xlane vm0  }
0xb2: {  	[tilespmem:s0+$0xAB00] =	vst.msk vm0, v5  }
0xb3: {  	v5 =	vxor.u32 $0x80000000, v6;
	v6 =	vld [tilespmem:s14+$0x30]  }
0xb4: {  	(xrf0) =	vmax.scan.msk.u32 $0xffff, v5;
	_ =	sdelay $0x3  }
0xb5: {  	v5 =	vsub.s32 v6, v0  }
0xb6: {  	vm0 =	vlt.u32 v5, $0x7A12  }
0xb7: {  	v5 =	vmpcnt.ones.xlane vm0;
	v7, _, _ =	vpop (xrf0)  }
0xb8: {  	(v2sf) =	vpush v7, $0xF  }
0xb9: {  	v5 =	vxor.u32 $0x80000000, v5  }
0xba: {  	(xrf0) =	vmax.scan.msk.u32 $0xffff, v5;
	_ =	sdelay $0x5  }
0xbb: {  	v5, _, _ =	vpop (xrf0)  }
0xbc: {  	(v2sf) =	vpush v5, $0xF;
	_ =	sdelay $0x5  }
0xbd: {  	s1 =	spop (v2sf)  }
0xbe: {  	s0 =	sadd.s32 s1, s0  }
0xbf: {  	v5 =	vor.u32 s13, v1;
	s13 =	smov.u32 s16;
	s1 =	sadd.s32 $0x80000000, s0  }
0xc0: {  	[tilespmem:s1+$0x9A80] =	vst.msk vm0, v5  }
0xc1: {  	s14 =	sadd.s32 $0x80, s14;
	[tilespmem:s1+$0xAB00] =	vst.msk vm0, v6  }
0xc2: {  	v5 =	vld [tilespmem:s14+$0xFFFFFFC0]  }
.Ltmp2:
0xc3: {  	(pc) =	sbr.rel @p0 .LBB2_2-.Ltmp2, $3  }
0xc4: {  	_ =	sdelay $0x1  }
0xc5: {  	s3 =	spop (v2sf)  }
0xc6: {  	s0 =	sadd.s32 $0xFFFFFF90, s13;
	v6 =	vsub.s32 v5, v0;
	s1 =	sadd.s32 s3, s1  }
0xc7: {  	vm0 =	vlt.u32 v6, $0x7A12;
	v6 =	vor.u32 s0, v1;
	s15 =	sadd.s32 $0x80000000, s1  }
0xc8: {  	[tilespmem:s15+$0x9A80] =	vst.msk vm0, v6;
	v6 =	vmpcnt.ones.xlane vm0  }
0xc9: {  	[tilespmem:s15+$0xAB00] =	vst.msk vm0, v5  }
0xca: {  	v5 =	vxor.u32 $0x80000000, v6;
	v6 =	vld [tilespmem:s14+$0xFFFFFFD0]  }
0xcb: {  	(xrf0) =	vmax.scan.msk.u32 $0xffff, v5;
	_ =	sdelay $0x3  }
0xcc: {  	v5 =	vsub.s32 v6, v0  }
0xcd: {  	vm9 =	vlt.u32 v5, $0x7A12  }
0xce: {  	v5 =	vmpcnt.ones.xlane vm9;
	v7, _, _ =	vpop (xrf0)  }
0xcf: {  	(v2sf) =	vpush v7, $0xF  }
0xd0: {  	v5 =	vxor.u32 $0x80000000, v5  }
0xd1: {  	(xrf0) =	vmax.scan.msk.u32 $0xffff, v5;
	_ =	sdelay $0x5  }
0xd2: {  	v5, _, _ =	vpop (xrf0)  }
0xd3: {  	(v2sf) =	vpush v5, $0xF;
	_ =	sdelay $0x5  }
0xd4: {  	s16 =	spop (v2sf)  }
0xd5: {  	s17 =	sadd.s32 $0xFFFFFFA0, s13;
	s0 =	sadd.s32 s16, s15  }
0xd6: {  	v5 =	vor.u32 s17, v1;
	s0 =	sadd.s32 $0x80000000, s0  }
0xd7: {  	[tilespmem:s0+$0x9A80] =	vst.msk vm9, v5  }
0xd8: {  	[tilespmem:s0+$0xAB00] =	vst.msk vm9, v6  }
0xd9: {  	v5 =	vld [tilespmem:s14+$0xFFFFFFE0];
	_ =	sdelay $0x3  }
0xda: {  	s18 =	spop (v2sf)  }
0xdb: {  	s19 =	sadd.s32 $0xFFFFFFB0, s13;
	s0 =	sadd.s32 s18, s0;
	v6 =	vsub.s32 v5, v0  }
0xdc: {  	s0 =	sadd.s32 $0x80000000, s0;
	vm10 =	vlt.u32 v6, $0x7A12;
	v6 =	vor.u32 s19, v1  }
0xdd: {  	[tilespmem:s0+$0x9A80] =	vst.msk vm10, v6;
	v6 =	vmpcnt.ones.xlane vm10  }
0xde: {  	[tilespmem:s0+$0xAB00] =	vst.msk vm10, v5  }
0xdf: {  	v5 =	vxor.u32 $0x80000000, v6;
	v6 =	vld [tilespmem:s14+$0xFFFFFFF0]  }
0xe0: {  	(xrf0) =	vmax.scan.msk.u32 $0xffff, v5;
	_ =	sdelay $0x3  }
0xe1: {  	v5 =	vsub.s32 v6, v0  }
0xe2: {  	vm11 =	vlt.u32 v5, $0x7A12  }
0xe3: {  	v5 =	vmpcnt.ones.xlane vm11;
	v7, _, _ =	vpop (xrf0)  }
0xe4: {  	(v2sf) =	vpush v7, $0xF  }
0xe5: {  	v5 =	vxor.u32 $0x80000000, v5  }
0xe6: {  	(xrf0) =	vmax.scan.msk.u32 $0xffff, v5;
	_ =	sdelay $0x5  }
0xe7: {  	v5, _, _ =	vpop (xrf0)  }
0xe8: {  	(v2sf) =	vpush v5, $0xF;
	_ =	sdelay $0x5  }
0xe9: {  	s20 =	spop (v2sf)  }
0xea: {  	s21 =	sadd.s32 $0xFFFFFFC0, s13;
	s0 =	sadd.s32 s20, s0  }
0xeb: {  	v5 =	vor.u32 s21, v1;
	s0 =	sadd.s32 $0x80000000, s0  }
0xec: {  	[tilespmem:s0+$0x9A80] =	vst.msk vm11, v5  }
0xed: {  	[tilespmem:s0+$0xAB00] =	vst.msk vm11, v6  }
0xee: {  	v5 =	vld [tilespmem:s14+$0x0];
	_ =	sdelay $0x3  }
0xef: {  	s23 =	spop (v2sf)  }
0xf0: {  	s24 =	sadd.s32 $0xFFFFFFD0, s13;
	s0 =	sadd.s32 s23, s0;
	v6 =	vsub.s32 v5, v0  }
0xf1: {  	s0 =	sadd.s32 $0x80000000, s0;
	vm12 =	vlt.u32 v6, $0x7A12;
	v6 =	vor.u32 s24, v1  }
0xf2: {  	[tilespmem:s0+$0x9A80] =	vst.msk vm12, v6;
	v6 =	vmpcnt.ones.xlane vm12  }
0xf3: {  	[tilespmem:s0+$0xAB00] =	vst.msk vm12, v5  }
0xf4: {  	v5 =	vxor.u32 $0x80000000, v6;
	v6 =	vld [tilespmem:s14+$0x10]  }
0xf5: {  	(xrf0) =	vmax.scan.msk.u32 $0xffff, v5;
	_ =	sdelay $0x3  }
0xf6: {  	v5 =	vsub.s32 v6, v0  }
0xf7: {  	vm13 =	vlt.u32 v5, $0x7A12  }
0xf8: {  	v5 =	vmpcnt.ones.xlane vm13;
	v7, _, _ =	vpop (xrf0)  }
0xf9: {  	(v2sf) =	vpush v7, $0xF  }
0xfa: {  	v5 =	vxor.u32 $0x80000000, v5  }
0xfb: {  	(xrf0) =	vmax.scan.msk.u32 $0xffff, v5;
	_ =	sdelay $0x5  }
0xfc: {  	v5, _, _ =	vpop (xrf0)  }
0xfd: {  	(v2sf) =	vpush v5, $0xF;
	_ =	sdelay $0x5  }
0xfe: {  	s25 =	spop (v2sf)  }
0xff: {  	s26 =	sadd.s32 $0xFFFFFFE0, s13;
	s0 =	sadd.s32 s25, s0  }
0x100: {  	v5 =	vor.u32 s26, v1;
	s0 =	sadd.s32 $0x80000000, s0  }
0x101: {  	[tilespmem:s0+$0x9A80] =	vst.msk vm13, v5  }
0x102: {  	[tilespmem:s0+$0xAB00] =	vst.msk vm13, v6  }
0x103: {  	v5 =	vld [tilespmem:s14+$0x20];
	_ =	sdelay $0x3  }
0x104: {  	s28 =	spop (v2sf)  }
0x105: {  	s29 =	sadd.s32 $0xFFFFFFF0, s13;
	s0 =	sadd.s32 s28, s0;
	v6 =	vsub.s32 v5, v0  }
0x106: {  	s0 =	sadd.s32 $0x80000000, s0;
	vm14 =	vlt.u32 v6, $0x7A12;
	v6 =	vor.u32 s29, v1  }
0x107: {  	[tilespmem:s0+$0x9A80] =	vst.msk vm14, v6  }
0x108: {  	[tilespmem:s0+$0xAB00] =	vst.msk vm14, v5  }
0x109: {  	v5 =	vld [tilespmem:s14+$0x30];
	_ =	sdelay $0x4  }
0x10a: {  	v6 =	vmpcnt.ones.xlane vm14;
	v7 =	vsub.s32 v5, v0  }
0x10b: {  	vm15 =	vlt.u32 v7, $0x7A12  }
0x10c: {  	v6 =	vxor.u32 $0x80000000, v6;
	v7 =	vmpcnt.ones.xlane vm15  }
0x10d: {  	(xrf0) =	vmax.scan.msk.u32 $0xffff, v6  }
0x10e: {  	v6 =	vxor.u32 $0x80000000, v7  }
0x10f: {  	(xrf0) =	vmax.scan.msk.u32 $0xffff, v6;
	_ =	sdelay $0x3  }
0x110: {  	v6, _, _ =	vpop (xrf0)  }
0x111: {  	(v2sf) =	vpush v6, $0xF  }
0x112: {  	v6, _, _ =	vpop (xrf0)  }
0x113: {  	(v2sf) =	vpush v6, $0xF;
	_ =	sdelay $0xc  }
0x114: {  	s30 =	spop (v2sf)  }
0x115: {  	s0 =	sadd.s32 s30, s0  }
0x116: {  	s0 =	sadd.s32 $0x80000000, s0;
	s31 =	spop (v2sf)  }
0x117: {  	s1 =	sadd.s32 s31, s0  }
0x118: {  	s1 =	sadd.s32 $0x80000000, s1  }
0x119: {  	s3 =	sadd.s32 $0xF, s1  }
0x11a: {  	v6 =	vor.u32 s13, v1;
	s13 =	sshra.s32 s3, $0x4  }
0x11b: {  	p0 =	slt.s32 s13, $0x1  }
.Ltmp3:
0x11c: {  	_ = 	snop;
	(pc) =	sbr.rel @p0 .LBB2_4-.Ltmp3, $4  }
0x11d: {  	[tilespmem:s0+$0x9A80] =	vst.msk vm15, v6  }
0x11e: {  	[tilespmem:s0+$0xAB00] =	vst.msk vm15, v5  }
0x11f: {  	[tilespmem:s1+$0x9A80] =	vst v2  }
0x120: {  	[tilespmem:s1+$0xAB00] =	vst v0  }
0x121: {  	p0 =	seq.s32 s13, $0x1  }
.Ltmp4:
0x122: {  	_ = 	snop;
	(pc) =	sbr.rel @p0 .LBB2_7-.Ltmp4, $3  }
0x123: {  	_ =	sdelay $0x1  }
0x124: {  	s0 =	simm.s32 $0x9A80  }
0x125: {  	s1 =	simm.s32 $0xAB00;
	s3 =	sadd.s32 $0xFFFFFFFF, s13;
	v5 =	vld [tilespmem:s0+$0x0]  }
.LBB2_6:
0x126: {  	p1 =	seq.s32 s3, $0x1;
	v6 =	vld [tilespmem:s1+$0x0];
	_ =	sdelay $0x3  }
0x127: {  	vm0 =	vlt.s32 v5, $0x1000  }
0x128: {  	v6 =	vsub.s32 v6, v0;
	_ =	sdelay $0x1  }
.Ltmp5:
0x129: {  	(pc) =	sbr.rel @!p1 .LBB2_6-.Ltmp5, $3  }
0x12a: {  	_ =	sdelay $0x1  }
0x12b: {  	s0 =	sadd.s32 $0x10, s0;
	[tilespmem:v6+s11+$0x0] =	vst.idx.msk vm0, v5  }
0x12c: {  	s3 =	sadd.s32 $0xFFFFFFFF, s3;
	s1 =	sadd.s32 $0x10, s1;
	v5 =	vld [tilespmem:s0+$0x0]  }
.LBB2_7:
0x12d: {  	v6 =	vld [tilespmem:s1+$0x0];
	_ =	sdelay $0x3  }
0x12e: {  	vm0 =	vlt.s32 v5, $0x1000  }
0x12f: {  	v6 =	vsub.s32 v6, v0;
	_ =	sdelay $0x4  }
0x130: {  	[tilespmem:v6+s11+$0x0] =	vst.idx.msk vm0, v5  }
.LBB2_9:
.Ltmp6:
0x131: {  	(pc) =	sbr.rel @p0 .LBB2_10-.Ltmp6, $3  }
0x132: {  	_ =	sdelay $0x1  }
0x133: {  	s1 =	simm.s32 $0x0;
	s4 =	simm.s32 $0x9A80;
	s3 =	simm.s32 $0xAB00  }
0x134: {  	s0 =	sadd.s32 $0xFFFFFFFF, s13;
	p1 =	por $0x0, $0x0;
	p2 =	por $0x0, $0x0  }
0x135: {  	p3 =	seq.s32 s0, $0x1  }
.Ltmp7:
0x136: {  	_ = 	snop;
	(pc) =	sbr.rel @p3 .LBB2_12-.Ltmp7, $3  }
0x137: {  	_ =	sdelay $0x1  }
0x138: {  	v5 =	vld [tilespmem:s4+$0x0]  }
0x139: {  	v7 =	vld [tilespmem:s3+$0x0];
	s0 =	sadd.s32 $0xFFFFFFFF, s0;
	p1 =	por $0x1, $0x1  }
0x13a: {  	_ =	sdelay $0x2  }
0x13b: {  	vm0 =	vlt.s32 v5, $0x1000  }
0x13c: {  	v6 =	vsub.s32 v7, v0;
	_ =	sdelay $0x4  }
0x13d: {  	v7 =	vld.idx.msk [tilespmem:v6+s11+$0x0], vm0;
	_ =	sdelay $0x4  }
0x13e: {  	vm1 =	vgt.s32 v5, v7  }
0x13f: {  	vm0 =	vmand vm0, vm1  }
0x140: {  	v7 =	vmpcnt.ones.xlane vm0;
	_ =	sdelay $0x1  }
0x141: {  	v7 =	vxor.u32 $0x80000000, v7  }
0x142: {  	(xrf0) =	vmax.scan.msk.u32 $0xffff, v7  }
0x143: {  	p3 =	seq.s32 s0, $0x1  }
.Ltmp8:
0x144: {  	s5 =	simm.s32 $0x9A90;
	[tilespmem:v6+s11+$0x0] =	vst.idx.msk vm0, v5;
	(pc) =	sbr.rel @p3 .LBB2_14-.Ltmp8, $3  }
0x145: {  	s8 =	simm.s32 $0xAB10;
	v5 =	vld [tilespmem:s5+$0x0]  }
0x146: {  	v7 =	vld [tilespmem:s8+$0x0];
	_ =	sdelay $0x1  }
0x147: {  	s12 =	sadd.s32 $0xFFFFFFFF, s0;
	p2 =	por $0x1, $0x1;
	s0 =	simm.s32 $0x0;
	v6, _, _ =	vpop (xrf0)  }
.LBB2_15:
0x148: {  	p3 =	seq.s32 s12, $0x1;
	(v2sf) =	vpush v6, $0xF  }
0x149: {  	vm0 =	vlt.s32 v5, $0x1000  }
0x14a: {  	v6 =	vsub.s32 v7, v0;
	_ =	sdelay $0x4  }
0x14b: {  	v7 =	vld.idx.msk [tilespmem:v6+s11+$0x0], vm0;
	_ =	sdelay $0x5  }
0x14c: {  	vm1 =	vgt.s32 v5, v7  }
0x14d: {  	vm0 =	vmand vm0, vm1  }
0x14e: {  	v7 =	vmpcnt.ones.xlane vm0;
	s14 =	spop (v2sf)  }
0x14f: {  	s0 =	sadd.s32 s14, s0  }
0x150: {  	v7 =	vxor.u32 $0x80000000, v7;
	s0 =	sadd.s32 $0x80000000, s0  }
0x151: {  	(xrf0) =	vmax.scan.msk.u32 $0xffff, v7;
	_ =	sdelay $0x1  }
.Ltmp9:
0x152: {  	s5 =	sadd.s32 $0x10, s5;
	[tilespmem:v6+s11+$0x0] =	vst.idx.msk vm0, v5;
	(pc) =	sbr.rel @!p3 .LBB2_15-.Ltmp9, $3  }
0x153: {  	s8 =	sadd.s32 $0x10, s8;
	v5 =	vld [tilespmem:s5+$0x0]  }
0x154: {  	v7 =	vld [tilespmem:s8+$0x0];
	_ =	sdelay $0x1  }
0x155: {  	s12 =	sadd.s32 $0xFFFFFFFF, s12;
	v6, _, _ =	vpop (xrf0)  }
.LBB2_16:
0x156: {  	_ = 	snop  }
0x157: {  	vm0 =	vlt.s32 @p1 v5, $0x1000  }
0x158: {  	v7 =	vsub.s32 @p1 v7, v0;
	_ =	sdelay $0x4  }
0x159: {  	v8 =	vld.idx.msk @p1 [tilespmem:v7+s11+$0x0], vm0;
	_ =	sdelay $0x4  }
0x15a: {  	vm1 =	vgt.s32 @p1 v5, v8  }
0x15b: {  	vm0 =	vmand @p1 vm0, vm1;
	_ =	sdelay $0x4  }
0x15c: {  	s5 =	sadd.s32 @p1 $0x10, s5  }
0x15d: {  	s4 =	smov.u32 @p1 s5;
	s5 =	sadd.s32 @p1 $0x10, s8;
	[tilespmem:v7+s11+$0x0] =	vst.idx.msk @p1 vm0, v5  }
0x15e: {  	s3 =	smov.u32 @p1 s5;
	v5 =	vld [tilespmem:s4+$0x0]  }
0x15f: {  	v7 =	vld [tilespmem:s3+$0x0];
	_ =	sdelay $0x3  }
0x160: {  	vm14 =	vlt.s32 v5, $0x1000  }
0x161: {  	v7 =	vsub.s32 v7, v0;
	_ =	sdelay $0x4  }
0x162: {  	v62 =	vld.idx.msk [tilespmem:v7+s11+$0x0], vm14;
	_ =	sdelay $0x2  }
0x163: {  	v9 =	vmpcnt.ones.xlane @p1 vm0;
	_ =	sdelay $0x1  }
0x164: {  	v8 =	vxor.u32 @p1 $0x80000000, v9;
	vm15 =	vgt.s32 v5, v62  }
0x165: {  	(xrf0) =	vmax.scan.msk.u32 @p1 $0xffff, v8;
	vm0 =	vmand vm14, vm15  }
0x166: {  	v63 =	vmpcnt.ones.xlane vm0;
	_ =	sdelay $0x1  }
0x167: {  	v8 =	vxor.u32 $0x80000000, v63  }
0x168: {  	(xrf0) =	vmax.scan.msk.u32 $0xffff, v8  }
0x169: {  	(v2sf) =	vpush @p2 v6, $0xF  }
0x16a: {  	v6, _, _ =	vpop @p1 (xrf0)  }
0x16b: {  	v6 =	vpsel p1, v6, v0  }
0x16c: {  	(v2sf) =	vpush @p1 v6, $0xF;
	_ =	sdelay $0x1  }
0x16d: {  	v6, _, _ =	vpop (xrf0)  }
0x16e: {  	(v2sf) =	vpush v6, $0xF;
	_ =	sdelay $0x8  }
0x16f: {  	s3 =	spop @p2 (v2sf)  }
0x170: {  	s0 =	sadd.s32 @p2 s3, s0  }
0x171: {  	s3 =	simm.s32 $0x0;
	s0 =	sadd.s32 @p2 $0x80000000, s0  }
0x172: {  	s3 =	smov.u32 @p2 s0;
	s4 =	spop @p1 (v2sf)  }
0x173: {  	s0 =	sadd.s32 @p1 s4, s3  }
0x174: {  	s0 =	sadd.s32 @p1 $0x80000000, s0  }
0x175: {  	s1 =	smov.u32 @p1 s0;
	s31 =	spop (v2sf)  }
0x176: {  	s0 =	sadd.s32 s31, s1  }
0x177: {  	[tilespmem:v7+s11+$0x0] =	vst.idx.msk vm0, v5;
	s0 =	sadd.s32 $0x80000000, s0  }
0x178: {  	p1 =	slt.s32 s0, $0x1  }
.Ltmp10:
0x179: {  	_ = 	snop;
	(pc) =	sbr.rel @!p1 .LBB2_9-.Ltmp10, $4  }
.Ltmp11:
0x17a: {  	_ = 	snop;
	(pc) =	sbr.rel @p1 .LBB2_17-.Ltmp11, $4  }
0x17b: {  	_ = 	snop  }
0x17c: {  	_ = 	snop  }
0x17d: {  	s1 =	simm.s32 $0x0;
	s0 =	simm.s32 $0x9A80;
	s3 =	simm.s32 $0xAB00  }
0x17e: {  	_ = 	snop  }
.LBB2_10:
.Ltmp12:
0x17f: {  	(pc) =	sbr.rel .LBB2_16-.Ltmp12, $2  }
0x180: {  	_ =	sdelay $0x2  }
0x181: {  	s0 =	simm.s32 $0x0;
	s5 =	simm.s32 $0x9A80;
	s8 =	simm.s32 $0xAB00  }
.LBB2_12:
.Ltmp13:
0x182: {  	(pc) =	sbr.rel .LBB2_16-.Ltmp13, $2  }
0x183: {  	_ =	sdelay $0x2  }
0x184: {  	s0 =	simm.s32 $0x0;
	s5 =	simm.s32 $0x9A80;
	s8 =	simm.s32 $0xAB00  }
.LBB2_14:
.Ltmp14:
0x185: {  	(pc) =	sbr.rel .LBB2_16-.Ltmp14, $2  }
0x186: {  	_ =	sdelay $0x2  }
0x187: {  	s0 =	simm.s32 $0x0  }
.LBB2_17:
0x188: {  	p1 =	sne.s32 s13, $0x1  }
.Ltmp15:
0x189: {  	_ = 	snop;
	(pc) =	sbr.rel @!p1 .LBB2_18-.Ltmp15, $2  }
0x18a: {  	_ =	sdelay $0x2  }
0x18b: {  	v5 =	vld [tilespmem:s0+$0x0];
	s4 =	sadd.s32 $0xFFFFFFFF, s13;
	p0 =	por $0x0, $0x0  }
0x18c: {  	v6 =	vld [tilespmem:s3+$0x0];
	_ =	sdelay $0x3  }
0x18d: {  	vm0 =	vlt.s32 v5, $0x1000  }
0x18e: {  	v7 =	vsub.s32 v6, v0;
	_ =	sdelay $0x4  }
0x18f: {  	v7 =	vld.idx.msk [tilespmem:v7+s11+$0x0], vm0;
	_ =	sdelay $0x7  }
0x190: {  	v8 =	vld.idx.msk [tilespmem:v7+s6+$0x0], vm0;
	_ =	sdelay $0x4  }
0x191: {  	vm1 =	vgt.s32 v8, $0x0  }
0x192: {  	p1 =	sne.s32 s4, $0x1;
	vm1 =	vmand vm0, vm1  }
.Ltmp16:
0x193: {  	vm2 =	vmxor vm0, vm1;
	[tilespmem:s1+$0xBB80] =	vst.msk vm1, v5;
	v63 =	vmpcnt.ones.xlane vm1;
	(pc) =	sbr.rel @!p1 .LBB2_20-.Ltmp16, $4  }
0x194: {  	[tilespmem:s1+$0xCC00] =	vst.msk vm1, v6;
	v6 =	vmpcnt.ones.xlane vm2  }
0x195: {  	v7 =	vnsel vm0, $0x0, v7;
	[tilespmem:s1+$0x9A80] =	vst.msk vm2, v5;
	v5 =	vxor.u32 $0x80000000, v63  }
0x196: {  	s8 =	sadd.s32 $0x10, s0;
	s13 =	sadd.s32 $0xFFFFFFFF, s4;
	s3 =	sadd.s32 $0x10, s3;
	[tilespmem:s1+$0xAB00] =	vst.msk vm2, v7;
	v6 =	vxor.u32 $0x80000000, v6;
	(xrf0) =	vmax.scan.msk.u32 $0xffff, v5  }
0x197: {  	p0 =	por $0x1, $0x1;
	s0 =	simm.s32 $0x0;
	s4 =	simm.s32 $0x0;
	v5 =	vld [tilespmem:s8+$0x0];
	(xrf0) =	vmax.scan.msk.u32 $0xffff, v6  }
.LBB2_21:
0x198: {  	p1 =	sne.s32 s13, $0x1;
	v6 =	vld [tilespmem:s3+$0x0];
	_ =	sdelay $0x3  }
0x199: {  	vm0 =	vlt.s32 v5, $0x1000;
	v7, _, _ =	vpop (xrf0)  }
0x19a: {  	v8 =	vsub.s32 v6, v0;
	(v2sf) =	vpush v7, $0xF;
	v7, _, _ =	vpop (xrf0)  }
0x19b: {  	(v2sf) =	vpush v7, $0xF;
	_ =	sdelay $0x3  }
0x19c: {  	v7 =	vld.idx.msk [tilespmem:v8+s11+$0x0], vm0;
	_ =	sdelay $0x5  }
0x19d: {  	v8 =	vnsel vm0, $0x0, v7;
	_ =	sdelay $0x1  }
0x19e: {  	v7 =	vld.idx.msk [tilespmem:v7+s6+$0x0], vm0;
	_ =	sdelay $0x1  }
0x19f: {  	s5 =	spop (v2sf)  }
0x1a0: {  	s0 =	sadd.s32 s5, s0;
	s5 =	spop (v2sf)  }
0x1a1: {  	s0 =	sadd.s32 $0x80000000, s0;
	s4 =	sadd.s32 s5, s4  }
0x1a2: {  	s4 =	sadd.s32 $0x80000000, s4  }
0x1a3: {  	vm1 =	vgt.s32 v7, $0x0  }
0x1a4: {  	vm1 =	vmand vm0, vm1  }
.Ltmp17:
0x1a5: {  	vm0 =	vmxor vm0, vm1;
	v7 =	vmpcnt.ones.xlane vm1;
	[tilespmem:s0+$0xBB80] =	vst.msk vm1, v5;
	(pc) =	sbr.rel @p1 .LBB2_21-.Ltmp17, $4  }
0x1a6: {  	[tilespmem:s0+$0xCC00] =	vst.msk vm1, v6;
	v6 =	vmpcnt.ones.xlane vm0  }
0x1a7: {  	[tilespmem:s4+$0x9A80] =	vst.msk vm0, v5;
	v5 =	vxor.u32 $0x80000000, v7  }
0x1a8: {  	s8 =	sadd.s32 $0x10, s8;
	[tilespmem:s4+$0xAB00] =	vst.msk vm0, v8;
	v6 =	vxor.u32 $0x80000000, v6;
	(xrf0) =	vmax.scan.msk.u32 $0xffff, v5  }
0x1a9: {  	s13 =	sadd.s32 $0xFFFFFFFF, s13;
	s3 =	sadd.s32 $0x10, s3;
	v5 =	vld [tilespmem:s8+$0x0];
	(xrf0) =	vmax.scan.msk.u32 $0xffff, v6  }
.LBB2_22:
0x1aa: {  	v6 =	vld [tilespmem:s3+$0x0];
	_ =	sdelay $0x3  }
0x1ab: {  	vm0 =	vlt.s32 v5, $0x1000  }
0x1ac: {  	v7 =	vsub.s32 v6, v0;
	_ =	sdelay $0x4  }
0x1ad: {  	v7 =	vld.idx.msk [tilespmem:v7+s11+$0x0], vm0;
	_ =	sdelay $0x7  }
0x1ae: {  	v8 =	vld.idx.msk [tilespmem:v7+s6+$0x0], vm0;
	_ =	sdelay $0x4  }
0x1af: {  	vm1 =	vgt.s32 v8, $0x0  }
0x1b0: {  	vm1 =	vmand vm0, vm1  }
0x1b1: {  	vm2 =	vmxor vm0, vm1;
	v60 =	vmpcnt.ones.xlane vm1  }
0x1b2: {  	v9 =	vmpcnt.ones.xlane vm2  }
0x1b3: {  	v8 =	vxor.u32 $0x80000000, v60  }
0x1b4: {  	(xrf0) =	vmax.scan.msk.u32 $0xffff, v8;
	v61 =	vxor.u32 $0x80000000, v9  }
0x1b5: {  	(xrf0) =	vmax.scan.msk.u32 $0xffff, v61  }
0x1b6: {  	v8, _, _ =	vpop @p0 (xrf0)  }
0x1b7: {  	(v2sf) =	vpush @p0 v8, $0xF  }
0x1b8: {  	v8, _, _ =	vpop @p0 (xrf0)  }
0x1b9: {  	(v2sf) =	vpush @p0 v8, $0xF  }
0x1ba: {  	v62, _, _ =	vpop (xrf0)  }
0x1bb: {  	(v2sf) =	vpush v62, $0xF;
	v63, _, _ =	vpop (xrf0)  }
0x1bc: {  	(v2sf) =	vpush v63, $0xF;
	_ =	sdelay $0x9  }
0x1bd: {  	s3 =	spop @p0 (v2sf)  }
0x1be: {  	s0 =	sadd.s32 @p0 s3, s0  }
0x1bf: {  	s5 =	simm.s32 $0x0;
	s3 =	spop @p0 (v2sf);
	s0 =	sadd.s32 @p0 $0x80000000, s0  }
.Ltmp18:
0x1c0: {  	s3 =	sadd.s32 @p0 s3, s4;
	s5 =	smov.u32 @p0 s0;
	(pc) =	sbr.rel .LBB2_23-.Ltmp18, $4  }
0x1c1: {  	s0 =	sadd.s32 @p0 $0x80000000, s3;
	[tilespmem:s5+$0xBB80] =	vst.msk vm1, v5;
	s29 =	spop (v2sf)  }
0x1c2: {  	s1 =	smov.u32 @p0 s0;
	[tilespmem:s5+$0xCC00] =	vst.msk vm1, v6;
	s30 =	spop (v2sf)  }
0x1c3: {  	v6 =	vnsel vm0, $0x0, v7;
	s3 =	sadd.s32 s29, s5;
	[tilespmem:s1+$0x9A80] =	vst.msk vm2, v5;
	s31 =	sadd.s32 s30, s1  }
0x1c4: {  	s0 =	sadd.s32 $0x80000000, s3;
	[tilespmem:s1+$0xAB00] =	vst.msk vm2, v6;
	s1 =	sadd.s32 $0x80000000, s31  }
.LBB2_4:
0x1c5: {  	s0 =	simm.s32 $0x0;
	s1 =	simm.s32 $0x0  }
.LBB2_23:
0x1c6: {  	s31 =	sadd.s32 $0xF, s0  }
0x1c7: {  	s2 =	sshra.s32 s31, $0x4  }
0x1c8: {  	[tilespmem:s0+$0xBB80] =	vst v2;
	p0 =	sgt.s32 s2, $0x0  }
.Ltmp19:
0x1c9: {  	[tilespmem:s0+$0xCC00] =	vst v0;
	(pc) =	sbr.rel @!p0 .LBB2_26-.Ltmp19, $4  }
0x1ca: {  	[tilespmem:s1+$0x9A80] =	vst v2  }
0x1cb: {  	[tilespmem:s1+$0xAB00] =	vst v4  }
0x1cc: {  	[dreg:$0x12] =	wrdreg s9;
	[tilespmem:s1+$0x9A90] =	vst v3  }
0x1cd: {  	[tilespmem:s1+$0xAB10] =	vst v4;
	[dreg:$0x13] =	wrdreg s2  }
0x1ce: {  	s16 =	simm.s32 $0xBB80  }
0x1cf: {  	v5 =	vld [tilespmem:s16+$0x0];
	_ =	sdelay $0x4  }
0x1d0: {  	v5 =	vshll.u32 v5, $0x4  }
0x1d1: {  	(v2sf) =	vpush v5, $0x3  }
0x1d2: {  	(v2sf) =	vpush v5, $0xF  }
0x1d3: {  	(v2sf) =	vpush v5, $0xE  }
0x1d4: {  	(v2sf) =	vpush v5, $0x1  }
0x1d5: {  	(v2sf) =	vpush v5, $0x0  }
0x1d6: {  	(v2sf) =	vpush v5, $0x2  }
0x1d7: {  	(v2sf) =	vpush v5, $0x5  }
0x1d8: {  	(v2sf) =	vpush v5, $0x6  }
0x1d9: {  	s0 =	simm.s32 $0xCC00;
	(v2sf) =	vpush v5, $0x7  }
0x1da: {  	v6 =	vld [tilespmem:s0+$0x0];
	(v2sf) =	vpush v5, $0x8  }
0x1db: {  	(v2sf) =	vpush v5, $0x9  }
0x1dc: {  	(v2sf) =	vpush v5, $0xA  }
0x1dd: {  	(v2sf) =	vpush v5, $0xB  }
0x1de: {  	(v2sf) =	vpush v5, $0xC  }
0x1df: {  	[dreg:$0x14] =	wrdreg s1;
	v6 =	vshll.u32 v6, $0x4;
	(v2sf) =	vpush v5, $0xD  }
0x1e0: {  	p0 =	seq.s32 s2, $0x1;
	s11 =	stileid.u32;
	s9 =	spop (v2sf);
	(v2sf) =	vpush v6, $0xF  }
0x1e1: {  	s17 =	sadd.s32 $0xFFFFFFFF, s2;
	s3 =	sshll.u32 s11, $0x6;
	(v2sf) =	vpush v6, $0xE;
	s10 =	spop (v2sf)  }
0x1e2: {  	s18 =	simm.s32 $0xCC10;
	s15 =	sor.u32 $0x1C01, s3;
	(v2sf) =	vpush v6, $0xD;
	s4 =	spop (v2sf)  }
0x1e3: {  	s0 =	sand.u32 $0x1FFFFFF0, s9;
	s29 =	sand.u32 $0x1FFFFFF0, s10;
	s12 =	spop (v2sf)  }
0x1e4: {  	s6 =	sadd.s32 s22, s0;
	s5 =	sand.u32 $0x1FFFFFF0, s4;
	s13 =	spop (v2sf)  }
0x1e5: {  	(v2sf) =	vpush v6, $0xC;
	s3 =	sand.u32 $0x1FFFFFF0, s12;
	s31 =	sadd.s32 s22, s5;
	s14 =	spop (v2sf)  }
0x1e6: {  	(v2sf) =	vpush v6, $0xB;
	s4 =	sand.u32 $0x1FFFFFF0, s13;
	s30 =	sadd.s32 s22, s3;
	s8 =	spop (v2sf)  }
0x1e7: {  	(v2sf) =	vpush v6, $0xA;
	s28 =	sadd.s32 s22, s4;
	s19 =	spop (v2sf);
	s20 =	sand.u32 $0x1FFFFFF0, s8  }
0x1e8: {  	s4 =	sand.u32 $0x1FFFFFF0, s14;
	(v2sf) =	vpush v6, $0x9;
	s21 =	spop (v2sf);
	s24 =	sadd.s32 s22, s20  }
0x1e9: {  	(v2sf) =	vpush v6, $0x8;
	s0 =	sand.u32 $0x1FFFFFF0, s19;
	s23 =	spop (v2sf);
	s26 =	sand.u32 $0x1FFFFFF0, s21  }
0x1ea: {  	(v2sf) =	vpush v6, $0x7;
	s11 =	sadd.s32 s22, s0;
	s2 =	spop (v2sf);
	s25 =	sadd.s32 s22, s26  }
0x1eb: {  	(v2sf) =	vpush v6, $0x6;
	s7 =	sand.u32 $0x1FFFFFF0, s23;
	s8 =	spop (v2sf);
	s10 =	sand.u32 $0x1FFFFFF0, s2  }
0x1ec: {  	(v2sf) =	vpush v6, $0x5;
	s26 =	sadd.s32 s22, s7;
	s12 =	spop (v2sf);
	s9 =	sadd.s32 s22, s10  }
.Ltmp20:
0x1ed: {  	(v2sf) =	vpush v6, $0x4;
	s14 =	sand.u32 $0x1FFFFFF0, s8;
	s19 =	spop (v2sf);
	(pc) =	sbr.rel @p0 .LBB2_25-.Ltmp20, $4  }
0x1ee: {  	(v2sf) =	vpush v6, $0x3;
	s13 =	sadd.s32 s22, s14;
	s20 =	sand.u32 $0x1FFFFFF0, s12;
	s21 =	spop (v2sf)  }
0x1ef: {  	(v2sf) =	vpush v6, $0x2;
	s14 =	sadd.s32 s22, s20;
	s23 =	sand.u32 $0x1FFFFFF0, s19;
	s12 =	spop (v2sf)  }
0x1f0: {  	(v2sf) =	vpush v6, $0x1;
	s1 =	sadd.s32 s22, s23;
	s0 =	sand.u32 $0x1FFFFFF0, s21;
	s8 =	spop (v2sf)  }
0x1f1: {  	(v2sf) =	vpush v6, $0x0;
	s23 =	rddreg [dreg:$0x10];
	s3 =	sand.u32 $0x1FFFFFF0, s12;
	s5 =	spop (v2sf)  }
.LBB2_29:
0x1f2: {  	[dreg:$0x5] =	wrdreg s13  }
0x1f3: {  	[dreg:$0x7] =	wrdreg s14;
	s0 =	sadd.s32 s22, s0  }
0x1f4: {  	s20 =	sadd.s32 s22, s29;
	s13 =	sadd.s32 s22, s4;
	s14 =	sand.u32 $0x1FFFFFF0, s5  }
0x1f5: {  	s2 =	sand.u32 $0x1FFFFFF0, s8;
	s4 =	smov.u32 s9;
	s12 =	spop (v2sf)  }
0x1f6: {  	s29 =	smov.u32 s26;
	s26 =	smov.u32 s25;
	(v2sf) =	vpush v5, $0x4;
	s21 =	spop (v2sf)  }
0x1f7: {  	s25 =	smov.u32 s11;
	s11 =	smov.u32 s24;
	s7 =	spop (v2sf)  }
0x1f8: {  	s24 =	smov.u32 s6;
	[dreg:$0xa] =	wrdreg s0;
	s19 =	spop (v2sf)  }
0x1f9: {  	[dreg:$0x8] =	wrdreg s20;
	s10 =	sadd.s32 s23, s2;
	s2 =	spop (v2sf)  }
0x1fa: {  	[dreg:$0xc] =	wrdreg s10;
	s10 =	sand.u32 $0x1FFFFFF0, s12;
	s20 =	spop (v2sf)  }
0x1fb: {  	s22 =	sand.u32 $0x1FFFFFF0, s21;
	s5 =	sadd.s32 s23, s10;
	s21 =	spop (v2sf)  }
0x1fc: {  	s12 =	sadd.s32 s23, s22;
	s9 =	sand.u32 $0x1FFFFFF0, s19;
	s22 =	spop (v2sf)  }
0x1fd: {  	s8 =	sand.u32 $0x1FFFFFF0, s7;
	s9 =	sadd.s32 s23, s9;
	s19 =	spop (v2sf)  }
0x1fe: {  	s2 =	sand.u32 $0x1FFFFFF0, s2;
	s10 =	sand.u32 $0x1FFFFFF0, s20;
	s20 =	spop (v2sf)  }
0x1ff: {  	s2 =	sadd.s32 s23, s2;
	s6 =	sand.u32 $0x1FFFFFF0, s21;
	s21 =	spop (v2sf)  }
0x200: {  	s10 =	sadd.s32 s23, s10;
	s0 =	sand.u32 $0x1FFFFFF0, s22;
	s22 =	spop (v2sf)  }
0x201: {  	s6 =	sadd.s32 s23, s6;
	s20 =	sand.u32 $0x1FFFFFF0, s20;
	s7 =	spop (v2sf)  }
0x202: {  	s19 =	sand.u32 $0x1FFFFFF0, s19;
	s20 =	sadd.s32 s23, s20;
	s7 =	sand.u32 $0x1FFFFFF0, s7  }
0x203: {  	s21 =	sand.u32 $0x1FFFFFF0, s21;
	s22 =	sand.u32 $0x1FFFFFF0, s22;
	s7 =	sadd.s32 s23, s7  }
0x204: {  	[hbm:s28], [sflag:s15] =	dma.local [hbm:s7], $0x10  }
0x205: {  	s22 =	sadd.s32 s23, s22;
	s7 =	sadd.s32 s23, s14;
	s14 =	spop (v2sf)  }
0x206: {  	[hbm:s30], [sflag:s15] =	dma.local [hbm:s22], $0x10  }
0x207: {  	s21 =	sadd.s32 s23, s21;
	s14 =	sand.u32 $0x1FFFFFF0, s14;
	s22 =	rddreg [dreg:$0x4]  }
0x208: {  	[hbm:s13], [sflag:s15] =	dma.local [hbm:s21], $0x10  }
0x209: {  	[hbm:s24], [sflag:s15] =	dma.local [hbm:s20], $0x10  }
0x20a: {  	s0 =	sadd.s32 s23, s0;
	s19 =	sadd.s32 s23, s19;
	s24 =	sadd.s32 s22, s14  }
0x20b: {  	[hbm:s24], [sflag:s15] =	dma.local [hbm:s19], $0x10  }
0x20c: {  	[hbm:s11], [sflag:s15] =	dma.local [hbm:s0], $0x10  }
0x20d: {  	[hbm:s25], [sflag:s15] =	dma.local [hbm:s6], $0x10  }
0x20e: {  	[hbm:s26], [sflag:s15] =	dma.local [hbm:s10], $0x10  }
0x20f: {  	[hbm:s29], [sflag:s15] =	dma.local [hbm:s2], $0x10  }
0x210: {  	[hbm:s4], [sflag:s15] =	dma.local [hbm:s9], $0x10  }
0x211: {  	s8 =	sadd.s32 s23, s8;
	s4 =	rddreg [dreg:$0x5]  }
0x212: {  	[hbm:s4], [sflag:s15] =	dma.local [hbm:s8], $0x10  }
0x213: {  	s0 =	rddreg [dreg:$0x7]  }
0x214: {  	[hbm:s0], [sflag:s15] =	dma.local [hbm:s12], $0x10  }
0x215: {  	[hbm:s1], [sflag:s15] =	dma.local [hbm:s5], $0x10  }
0x216: {  	s5 =	rddreg [dreg:$0xa]  }
0x217: {  	[hbm:s5], [sflag:s15] =	dma.local [hbm:s7], $0x10  }
0x218: {  	s0 =	rddreg [dreg:$0xc]  }
0x219: {  	[hbm:s31], [sflag:s15] =	dma.local [hbm:s0], $0x10  }
0x21a: {  	s3 =	sadd.s32 s23, s3;
	s16 =	sadd.s32 $0x10, s16;
	s0 =	rddreg [dreg:$0x8]  }
0x21b: {  	[hbm:s0], [sflag:s15] =	dma.local [hbm:s3], $0x10  }
0x21c: {  	v5 =	vld [tilespmem:s16+$0x0];
	_ =	sdelay $0x4  }
0x21d: {  	v5 =	vshll.u32 v5, $0x4  }
0x21e: {  	(v2sf) =	vpush v5, $0x3  }
0x21f: {  	(v2sf) =	vpush v5, $0xF  }
0x220: {  	(v2sf) =	vpush v5, $0xE  }
0x221: {  	(v2sf) =	vpush v5, $0x1  }
0x222: {  	(v2sf) =	vpush v5, $0x0  }
0x223: {  	(v2sf) =	vpush v5, $0x2  }
0x224: {  	(v2sf) =	vpush v5, $0x5  }
0x225: {  	(v2sf) =	vpush v5, $0x6  }
0x226: {  	(v2sf) =	vpush v5, $0x7  }
0x227: {  	v6 =	vld [tilespmem:s18+$0x0];
	(v2sf) =	vpush v5, $0x8  }
0x228: {  	(v2sf) =	vpush v5, $0x9  }
0x229: {  	(v2sf) =	vpush v5, $0xA  }
0x22a: {  	(v2sf) =	vpush v5, $0xB  }
0x22b: {  	(v2sf) =	vpush v5, $0xC  }
0x22c: {  	v6 =	vshll.u32 v6, $0x4;
	(v2sf) =	vpush v5, $0xD  }
0x22d: {  	s0 =	spop (v2sf);
	(v2sf) =	vpush v6, $0xF  }
0x22e: {  	(v2sf) =	vpush v6, $0xE;
	s6 =	spop (v2sf)  }
0x22f: {  	p0 =	seq.s32 s17, $0x1;
	s17 =	sadd.s32 $0xFFFFFFFF, s17;
	(v2sf) =	vpush v6, $0xD;
	s7 =	spop (v2sf)  }
0x230: {  	s18 =	sadd.s32 $0x10, s18;
	s0 =	sand.u32 $0x1FFFFFF0, s0;
	s3 =	spop (v2sf)  }
0x231: {  	s29 =	sand.u32 $0x1FFFFFF0, s6;
	s6 =	sadd.s32 s22, s0;
	s9 =	spop (v2sf)  }
0x232: {  	(v2sf) =	vpush v6, $0xC;
	s8 =	sand.u32 $0x1FFFFFF0, s3;
	s3 =	sand.u32 $0x1FFFFFF0, s7;
	s10 =	spop (v2sf)  }
0x233: {  	(v2sf) =	vpush v6, $0xB;
	s2 =	sand.u32 $0x1FFFFFF0, s9;
	s30 =	sadd.s32 s22, s8;
	s11 =	spop (v2sf)  }
0x234: {  	(v2sf) =	vpush v6, $0xA;
	s31 =	sadd.s32 s22, s3;
	s28 =	sadd.s32 s22, s2;
	s12 =	spop (v2sf)  }
0x235: {  	(v2sf) =	vpush v6, $0x9;
	s4 =	sand.u32 $0x1FFFFFF0, s10;
	s13 =	sand.u32 $0x1FFFFFF0, s11;
	s14 =	spop (v2sf)  }
0x236: {  	(v2sf) =	vpush v6, $0x8;
	s24 =	sadd.s32 s22, s13;
	s0 =	sand.u32 $0x1FFFFFF0, s12;
	s19 =	spop (v2sf)  }
0x237: {  	(v2sf) =	vpush v6, $0x7;
	s11 =	sadd.s32 s22, s0;
	s20 =	sand.u32 $0x1FFFFFF0, s14;
	s21 =	spop (v2sf)  }
0x238: {  	(v2sf) =	vpush v6, $0x6;
	s25 =	sadd.s32 s22, s20;
	s1 =	sand.u32 $0x1FFFFFF0, s19;
	s5 =	spop (v2sf)  }
0x239: {  	(v2sf) =	vpush v6, $0x5;
	s26 =	sadd.s32 s22, s1;
	s7 =	sand.u32 $0x1FFFFFF0, s21;
	s8 =	spop (v2sf)  }
.Ltmp21:
0x23a: {  	(v2sf) =	vpush v6, $0x4;
	s10 =	sand.u32 $0x1FFFFFF0, s5;
	s12 =	spop (v2sf);
	(pc) =	sbr.rel @!p0 .LBB2_29-.Ltmp21, $4  }
0x23b: {  	(v2sf) =	vpush v6, $0x3;
	s9 =	sadd.s32 s22, s7;
	s13 =	sadd.s32 s22, s10;
	s19 =	spop (v2sf)  }
0x23c: {  	(v2sf) =	vpush v6, $0x2;
	s14 =	sand.u32 $0x1FFFFFF0, s8;
	s20 =	sand.u32 $0x1FFFFFF0, s12;
	s21 =	spop (v2sf)  }
0x23d: {  	(v2sf) =	vpush v6, $0x1;
	s14 =	sadd.s32 s22, s14;
	s1 =	sadd.s32 s22, s20;
	s8 =	spop (v2sf)  }
0x23e: {  	(v2sf) =	vpush v6, $0x0;
	s0 =	sand.u32 $0x1FFFFFF0, s19;
	s3 =	sand.u32 $0x1FFFFFF0, s21;
	s5 =	spop (v2sf)  }
0x23f: {  	[dreg:$0x7] =	wrdreg s14  }
0x240: {  	[dreg:$0x5] =	wrdreg s13;
	s10 =	smov.u32 s30  }
0x241: {  	s2 =	smov.u32 s9;
	s7 =	smov.u32 s28;
	s23 =	smov.u32 s6  }
.LBB2_31:
0x242: {  	s6 =	spop (v2sf)  }
0x243: {  	(v2sf) =	vpush v5, $0x4;
	[dreg:$0x19] =	wrdreg s6;
	s6 =	spop (v2sf)  }
0x244: {  	s28 =	spop (v2sf)  }
0x245: {  	s9 =	spop (v2sf)  }
0x246: {  	s30 =	spop (v2sf)  }
0x247: {  	s12 =	spop (v2sf)  }
0x248: {  	s13 =	spop (v2sf)  }
0x249: {  	s14 =	spop (v2sf)  }
0x24a: {  	s16 =	spop (v2sf)  }
0x24b: {  	s17 =	spop (v2sf)  }
0x24c: {  	s18 =	spop (v2sf)  }
0x24d: {  	s19 =	spop (v2sf)  }
0x24e: {  	s20 =	spop (v2sf)  }
0x24f: {  	s21 =	rddreg [dreg:$0x10];
	s20 =	sand.u32 $0x1FFFFFF0, s20  }
0x250: {  	s19 =	sand.u32 $0x1FFFFFF0, s19;
	s20 =	sadd.s32 s21, s20  }
0x251: {  	[hbm:s7], [sflag:s15] =	dma.local [hbm:s20], $0x10  }
0x252: {  	s18 =	sand.u32 $0x1FFFFFF0, s18;
	s19 =	sadd.s32 s21, s19;
	s20 =	spop (v2sf)  }
0x253: {  	[hbm:s10], [sflag:s15] =	dma.local [hbm:s19], $0x10  }
0x254: {  	s4 =	sadd.s32 s22, s4;
	s18 =	sadd.s32 s21, s18;
	s19 =	sand.u32 $0x1FFFFFF0, s17  }
0x255: {  	[hbm:s4], [sflag:s15] =	dma.local [hbm:s18], $0x10  }
0x256: {  	s7 =	sand.u32 $0x1FFFFFF0, s16;
	s10 =	sand.u32 $0x1FFFFFF0, s20;
	s4 =	sadd.s32 s21, s19  }
0x257: {  	[hbm:s23], [sflag:s15] =	dma.local [hbm:s4], $0x10  }
0x258: {  	s17 =	sand.u32 $0x1FFFFFF0, s14;
	s16 =	sadd.s32 s22, s10;
	s4 =	sadd.s32 s21, s7  }
0x259: {  	[hbm:s16], [sflag:s15] =	dma.local [hbm:s4], $0x10  }
0x25a: {  	s18 =	sand.u32 $0x1FFFFFF0, s13;
	s4 =	sadd.s32 s21, s17  }
0x25b: {  	[hbm:s24], [sflag:s15] =	dma.local [hbm:s4], $0x10  }
0x25c: {  	s19 =	sand.u32 $0x1FFFFFF0, s12;
	s4 =	sadd.s32 s21, s18  }
0x25d: {  	[hbm:s11], [sflag:s15] =	dma.local [hbm:s4], $0x10  }
0x25e: {  	s20 =	sand.u32 $0x1FFFFFF0, s30;
	s4 =	sadd.s32 s21, s19  }
0x25f: {  	[hbm:s25], [sflag:s15] =	dma.local [hbm:s4], $0x10  }
0x260: {  	s23 =	sand.u32 $0x1FFFFFF0, s9;
	s4 =	sadd.s32 s21, s20  }
0x261: {  	[hbm:s26], [sflag:s15] =	dma.local [hbm:s4], $0x10  }
0x262: {  	s24 =	sand.u32 $0x1FFFFFF0, s28;
	s4 =	sadd.s32 s21, s23  }
0x263: {  	[hbm:s2], [sflag:s15] =	dma.local [hbm:s4], $0x10  }
0x264: {  	s25 =	sand.u32 $0x1FFFFFF0, s6;
	s4 =	sadd.s32 s21, s24;
	s2 =	rddreg [dreg:$0x5]  }
0x265: {  	[hbm:s2], [sflag:s15] =	dma.local [hbm:s4], $0x10  }
0x266: {  	s4 =	sadd.s32 s21, s25;
	s2 =	rddreg [dreg:$0x7]  }
0x267: {  	[hbm:s2], [sflag:s15] =	dma.local [hbm:s4], $0x10  }
0x268: {  	s2 =	rddreg [dreg:$0x19]  }
0x269: {  	s2 =	sand.u32 $0x1FFFFFF0, s2  }
0x26a: {  	s26 =	sand.u32 $0x1FFFFFF0, s5;
	s2 =	sadd.s32 s21, s2  }
0x26b: {  	[hbm:s1], [sflag:s15] =	dma.local [hbm:s2], $0x10  }
0x26c: {  	s0 =	sadd.s32 s22, s0;
	s28 =	sand.u32 $0x1FFFFFF0, s8;
	s1 =	sadd.s32 s21, s26  }
0x26d: {  	[hbm:s0], [sflag:s15] =	dma.local [hbm:s1], $0x10  }
0x26e: {  	s0 =	sadd.s32 s21, s28  }
0x26f: {  	[hbm:s31], [sflag:s15] =	dma.local [hbm:s0], $0x10  }
0x270: {  	s30 =	sadd.s32 s22, s29;
	s31 =	sadd.s32 s21, s3  }
0x271: {  	[hbm:s30], [sflag:s15] =	dma.local [hbm:s31], $0x10  }
0x272: {  	s9 =	rddreg [dreg:$0x12]  }
0x273: {  	s7 =	simm.s32 $0x1;
	s2 =	rddreg [dreg:$0x13]  }
0x274: {  	s11 =	simm.s32 $0x2000;
	s6 =	simm.s32 $0x1000;
	s1 =	rddreg [dreg:$0x14]  }
.LBB2_26:
0x275: {  	s0 =	sadd.s32 $0xF, s1  }
0x276: {  	s3 =	sshra.s32 s0, $0x4  }
0x277: {  	p0 =	sgt.s32 s3, $0x0  }
.Ltmp22:
0x278: {  	_ = 	snop;
	(pc) =	sbr.rel @!p0 .LBB2_35-.Ltmp22, $1  }
0x279: {  	_ =	sdelay $0x3  }
0x27a: {  	s29 =	simm.s32 $0x9A80  }
0x27b: {  	v5 =	vld [tilespmem:s29+$0x0];
	_ =	sdelay $0x4  }
0x27c: {  	v5 =	vshll.u32 v5, $0x4  }
0x27d: {  	(v2sf) =	vpush v5, $0x3  }
0x27e: {  	(v2sf) =	vpush v5, $0xF  }
0x27f: {  	(v2sf) =	vpush v5, $0xE  }
0x280: {  	(v2sf) =	vpush v5, $0x1  }
0x281: {  	(v2sf) =	vpush v5, $0x0  }
0x282: {  	(v2sf) =	vpush v5, $0x2  }
0x283: {  	(v2sf) =	vpush v5, $0x5  }
0x284: {  	(v2sf) =	vpush v5, $0x6  }
0x285: {  	s0 =	simm.s32 $0xAB00;
	(v2sf) =	vpush v5, $0x7  }
0x286: {  	v6 =	vld [tilespmem:s0+$0x0];
	(v2sf) =	vpush v5, $0x8  }
0x287: {  	(v2sf) =	vpush v5, $0x9  }
0x288: {  	(v2sf) =	vpush v5, $0xA  }
0x289: {  	(v2sf) =	vpush v5, $0xB  }
0x28a: {  	(v2sf) =	vpush v5, $0xC  }
0x28b: {  	[dreg:$0x15] =	wrdreg s3;
	v6 =	vshll.u32 v6, $0x4;
	(v2sf) =	vpush v5, $0xD  }
0x28c: {  	p0 =	sne.s32 s3, $0x1;
	s2 =	stileid.u32;
	s9 =	spop (v2sf);
	(v2sf) =	vpush v6, $0xF  }
0x28d: {  	s17 =	sadd.s32 $0xFFFFFFFF, s3;
	s2 =	sshll.u32 s2, $0x6;
	(v2sf) =	vpush v6, $0xE;
	s1 =	spop (v2sf)  }
0x28e: {  	s18 =	simm.s32 $0xAB10;
	s15 =	sor.u32 $0x1C01, s2;
	(v2sf) =	vpush v6, $0xD;
	s10 =	spop (v2sf)  }
0x28f: {  	s0 =	sand.u32 $0x1FFFFFF0, s9;
	s30 =	sand.u32 $0x1FFFFFF0, s1;
	s12 =	spop (v2sf)  }
0x290: {  	s6 =	sadd.s32 s22, s0;
	s3 =	sand.u32 $0x1FFFFFF0, s10;
	s4 =	spop (v2sf)  }
0x291: {  	(v2sf) =	vpush v6, $0xC;
	s2 =	sand.u32 $0x1FFFFFF0, s12;
	s4 =	sand.u32 $0x1FFFFFF0, s4;
	s13 =	spop (v2sf)  }
0x292: {  	(v2sf) =	vpush v6, $0xB;
	s12 =	sadd.s32 s22, s2;
	s28 =	sadd.s32 s22, s4;
	s5 =	spop (v2sf)  }
0x293: {  	(v2sf) =	vpush v6, $0xA;
	s4 =	sand.u32 $0x1FFFFFF0, s13;
	s14 =	spop (v2sf);
	s16 =	sand.u32 $0x1FFFFFF0, s5  }
0x294: {  	(v2sf) =	vpush v6, $0x9;
	s19 =	spop (v2sf);
	s24 =	sadd.s32 s22, s16;
	s0 =	sand.u32 $0x1FFFFFF0, s14  }
0x295: {  	(v2sf) =	vpush v6, $0x8;
	s20 =	spop (v2sf);
	s25 =	sadd.s32 s22, s0;
	s21 =	sand.u32 $0x1FFFFFF0, s19  }
0x296: {  	(v2sf) =	vpush v6, $0x7;
	s23 =	spop (v2sf);
	s26 =	sadd.s32 s22, s21;
	s1 =	sand.u32 $0x1FFFFFF0, s20  }
0x297: {  	(v2sf) =	vpush v6, $0x6;
	s5 =	spop (v2sf);
	s7 =	sadd.s32 s22, s1;
	s8 =	sand.u32 $0x1FFFFFF0, s23  }
0x298: {  	(v2sf) =	vpush v6, $0x5;
	s1 =	sadd.s32 s22, s3;
	s9 =	spop (v2sf);
	s10 =	sadd.s32 s22, s8  }
.Ltmp23:
0x299: {  	(v2sf) =	vpush v6, $0x4;
	s14 =	sand.u32 $0x1FFFFFF0, s5;
	s16 =	spop (v2sf);
	(pc) =	sbr.rel @!p0 .LBB2_28-.Ltmp23, $4  }
0x29a: {  	(v2sf) =	vpush v6, $0x3;
	s13 =	sadd.s32 s22, s14;
	s19 =	sand.u32 $0x1FFFFFF0, s9;
	s20 =	spop (v2sf)  }
0x29b: {  	(v2sf) =	vpush v6, $0x2;
	s31 =	sadd.s32 s22, s19;
	s21 =	sand.u32 $0x1FFFFFF0, s16;
	s23 =	spop (v2sf)  }
0x29c: {  	(v2sf) =	vpush v6, $0x1;
	s16 =	sadd.s32 s22, s21;
	s0 =	sand.u32 $0x1FFFFFF0, s20;
	s8 =	spop (v2sf)  }
0x29d: {  	(v2sf) =	vpush v6, $0x0;
	s3 =	sand.u32 $0x1FFFFFF0, s23;
	s23 =	rddreg [dreg:$0x0];
	s5 =	spop (v2sf)  }
.LBB2_32:
0x29e: {  	[dreg:$0xf] =	wrdreg s25  }
0x29f: {  	[dreg:$0xe] =	wrdreg s26  }
0x2a0: {  	[dreg:$0x6] =	wrdreg s13;
	s0 =	sadd.s32 s22, s0;
	s2 =	spop (v2sf)  }
0x2a1: {  	s20 =	sadd.s32 s22, s30;
	s13 =	sadd.s32 s22, s4;
	(v2sf) =	vpush v5, $0x4;
	s21 =	spop (v2sf)  }
0x2a2: {  	s9 =	sand.u32 $0x1FFFFFF0, s8;
	s25 =	smov.u32 s7;
	s14 =	spop (v2sf)  }
0x2a3: {  	s19 =	sadd.s32 s23, s9;
	s7 =	sand.u32 $0x1FFFFFF0, s14;
	s9 =	spop (v2sf)  }
0x2a4: {  	s26 =	smov.u32 s24;
	s8 =	sadd.s32 s23, s7;
	s7 =	spop (v2sf)  }
0x2a5: {  	s24 =	smov.u32 s6;
	[dreg:$0x9] =	wrdreg s20;
	s20 =	spop (v2sf)  }
0x2a6: {  	s6 =	sand.u32 $0x1FFFFFF0, s5;
	s22 =	sand.u32 $0x1FFFFFF0, s21;
	s21 =	spop (v2sf)  }
0x2a7: {  	s30 =	smov.u32 s10;
	[dreg:$0xb] =	wrdreg s0;
	s14 =	spop (v2sf)  }
0x2a8: {  	s2 =	sand.u32 $0x1FFFFFF0, s2;
	s4 =	sadd.s32 s23, s22;
	s22 =	spop (v2sf)  }
0x2a9: {  	[dreg:$0xd] =	wrdreg s19;
	s5 =	sadd.s32 s23, s2;
	s19 =	spop (v2sf)  }
0x2aa: {  	s9 =	sand.u32 $0x1FFFFFF0, s9;
	s2 =	sand.u32 $0x1FFFFFF0, s20;
	s20 =	spop (v2sf)  }
0x2ab: {  	s9 =	sadd.s32 s23, s9;
	s10 =	sand.u32 $0x1FFFFFF0, s21;
	s21 =	spop (v2sf)  }
0x2ac: {  	s0 =	sand.u32 $0x1FFFFFF0, s22;
	s19 =	sand.u32 $0x1FFFFFF0, s19;
	s22 =	spop (v2sf)  }
0x2ad: {  	s14 =	sand.u32 $0x1FFFFFF0, s14;
	s19 =	sadd.s32 s23, s19;
	s22 =	sand.u32 $0x1FFFFFF0, s22  }
0x2ae: {  	s20 =	sand.u32 $0x1FFFFFF0, s20;
	s21 =	sand.u32 $0x1FFFFFF0, s21;
	s22 =	sadd.s32 s23, s22  }
0x2af: {  	[hbm:s28], [sflag:s15] =	dma.local [hbm:s22], $0x10  }
0x2b0: {  	s20 =	sadd.s32 s23, s20;
	s21 =	sadd.s32 s23, s21;
	s22 =	spop (v2sf)  }
0x2b1: {  	[hbm:s12], [sflag:s15] =	dma.local [hbm:s21], $0x10  }
0x2b2: {  	[hbm:s13], [sflag:s15] =	dma.local [hbm:s20], $0x10  }
0x2b3: {  	[hbm:s24], [sflag:s15] =	dma.local [hbm:s19], $0x10  }
0x2b4: {  	s14 =	sadd.s32 s23, s14;
	s22 =	sand.u32 $0x1FFFFFF0, s22;
	s24 =	rddreg [dreg:$0x4]  }
0x2b5: {  	s0 =	sadd.s32 s23, s0;
	s13 =	sadd.s32 s24, s22;
	s22 =	rddreg [dreg:$0x4]  }
0x2b6: {  	[hbm:s13], [sflag:s15] =	dma.local [hbm:s0], $0x10  }
0x2b7: {  	[hbm:s26], [sflag:s15] =	dma.local [hbm:s14], $0x10  }
0x2b8: {  	s7 =	sand.u32 $0x1FFFFFF0, s7;
	s10 =	sadd.s32 s23, s10;
	s26 =	rddreg [dreg:$0xf]  }
0x2b9: {  	[hbm:s26], [sflag:s15] =	dma.local [hbm:s10], $0x10  }
0x2ba: {  	s7 =	sadd.s32 s23, s7;
	s2 =	sadd.s32 s23, s2;
	s0 =	rddreg [dreg:$0xe]  }
0x2bb: {  	[hbm:s0], [sflag:s15] =	dma.local [hbm:s2], $0x10  }
0x2bc: {  	[hbm:s25], [sflag:s15] =	dma.local [hbm:s7], $0x10  }
0x2bd: {  	[hbm:s30], [sflag:s15] =	dma.local [hbm:s9], $0x10  }
0x2be: {  	s2 =	rddreg [dreg:$0x6]  }
0x2bf: {  	[hbm:s2], [sflag:s15] =	dma.local [hbm:s8], $0x10  }
0x2c0: {  	[hbm:s31], [sflag:s15] =	dma.local [hbm:s4], $0x10  }
0x2c1: {  	[hbm:s16], [sflag:s15] =	dma.local [hbm:s5], $0x10  }
0x2c2: {  	s6 =	sadd.s32 s23, s6;
	s4 =	rddreg [dreg:$0xb]  }
0x2c3: {  	[hbm:s4], [sflag:s15] =	dma.local [hbm:s6], $0x10  }
0x2c4: {  	s0 =	rddreg [dreg:$0xd]  }
0x2c5: {  	[hbm:s1], [sflag:s15] =	dma.local [hbm:s0], $0x10  }
0x2c6: {  	s3 =	sadd.s32 s23, s3;
	s29 =	sadd.s32 $0x10, s29;
	s0 =	rddreg [dreg:$0x9]  }
0x2c7: {  	[hbm:s0], [sflag:s15] =	dma.local [hbm:s3], $0x10  }
0x2c8: {  	v5 =	vld [tilespmem:s29+$0x0];
	_ =	sdelay $0x4  }
0x2c9: {  	v5 =	vshll.u32 v5, $0x4  }
0x2ca: {  	(v2sf) =	vpush v5, $0x3  }
0x2cb: {  	(v2sf) =	vpush v5, $0xF  }
0x2cc: {  	(v2sf) =	vpush v5, $0xE  }
0x2cd: {  	(v2sf) =	vpush v5, $0x1  }
0x2ce: {  	(v2sf) =	vpush v5, $0x0  }
0x2cf: {  	(v2sf) =	vpush v5, $0x2  }
0x2d0: {  	(v2sf) =	vpush v5, $0x5  }
0x2d1: {  	(v2sf) =	vpush v5, $0x6  }
0x2d2: {  	(v2sf) =	vpush v5, $0x7  }
0x2d3: {  	v6 =	vld [tilespmem:s18+$0x0];
	(v2sf) =	vpush v5, $0x8  }
0x2d4: {  	(v2sf) =	vpush v5, $0x9  }
0x2d5: {  	(v2sf) =	vpush v5, $0xA  }
0x2d6: {  	(v2sf) =	vpush v5, $0xB  }
0x2d7: {  	(v2sf) =	vpush v5, $0xC  }
0x2d8: {  	v6 =	vshll.u32 v6, $0x4;
	(v2sf) =	vpush v5, $0xD  }
0x2d9: {  	s0 =	spop (v2sf);
	(v2sf) =	vpush v6, $0xF  }
0x2da: {  	(v2sf) =	vpush v6, $0xE;
	s5 =	spop (v2sf)  }
0x2db: {  	p0 =	sne.s32 s17, $0x1;
	s17 =	sadd.s32 $0xFFFFFFFF, s17;
	(v2sf) =	vpush v6, $0xD;
	s6 =	spop (v2sf)  }
0x2dc: {  	s18 =	sadd.s32 $0x10, s18;
	s0 =	sand.u32 $0x1FFFFFF0, s0;
	s3 =	spop (v2sf)  }
0x2dd: {  	s30 =	sand.u32 $0x1FFFFFF0, s5;
	s7 =	sand.u32 $0x1FFFFFF0, s3;
	s8 =	spop (v2sf)  }
0x2de: {  	(v2sf) =	vpush v6, $0xC;
	s3 =	sand.u32 $0x1FFFFFF0, s6;
	s6 =	sadd.s32 s22, s0;
	s9 =	spop (v2sf)  }
0x2df: {  	(v2sf) =	vpush v6, $0xB;
	s2 =	sand.u32 $0x1FFFFFF0, s8;
	s12 =	sadd.s32 s22, s7;
	s10 =	spop (v2sf)  }
0x2e0: {  	(v2sf) =	vpush v6, $0xA;
	s28 =	sadd.s32 s22, s2;
	s4 =	sand.u32 $0x1FFFFFF0, s9;
	s13 =	spop (v2sf)  }
0x2e1: {  	(v2sf) =	vpush v6, $0x9;
	s14 =	sand.u32 $0x1FFFFFF0, s10;
	s16 =	spop (v2sf);
	s0 =	sand.u32 $0x1FFFFFF0, s13  }
0x2e2: {  	(v2sf) =	vpush v6, $0x8;
	s24 =	sadd.s32 s22, s14;
	s19 =	spop (v2sf);
	s25 =	sadd.s32 s22, s0  }
0x2e3: {  	(v2sf) =	vpush v6, $0x7;
	s20 =	sand.u32 $0x1FFFFFF0, s16;
	s21 =	spop (v2sf);
	s1 =	sand.u32 $0x1FFFFFF0, s19  }
0x2e4: {  	(v2sf) =	vpush v6, $0x6;
	s26 =	sadd.s32 s22, s20;
	s5 =	spop (v2sf);
	s7 =	sadd.s32 s22, s1  }
0x2e5: {  	(v2sf) =	vpush v6, $0x5;
	s8 =	sand.u32 $0x1FFFFFF0, s21;
	s1 =	sadd.s32 s22, s3;
	s9 =	spop (v2sf)  }
.Ltmp24:
0x2e6: {  	(v2sf) =	vpush v6, $0x4;
	s13 =	sand.u32 $0x1FFFFFF0, s5;
	s14 =	spop (v2sf);
	(pc) =	sbr.rel @p0 .LBB2_32-.Ltmp24, $4  }
0x2e7: {  	(v2sf) =	vpush v6, $0x3;
	s10 =	sadd.s32 s22, s8;
	s13 =	sadd.s32 s22, s13;
	s19 =	spop (v2sf)  }
0x2e8: {  	(v2sf) =	vpush v6, $0x2;
	s16 =	sand.u32 $0x1FFFFFF0, s9;
	s20 =	sand.u32 $0x1FFFFFF0, s14;
	s21 =	spop (v2sf)  }
0x2e9: {  	(v2sf) =	vpush v6, $0x1;
	s31 =	sadd.s32 s22, s16;
	s16 =	sadd.s32 s22, s20;
	s8 =	spop (v2sf)  }
0x2ea: {  	(v2sf) =	vpush v6, $0x0;
	s0 =	sand.u32 $0x1FFFFFF0, s19;
	s3 =	sand.u32 $0x1FFFFFF0, s21;
	s5 =	spop (v2sf)  }
0x2eb: {  	[dreg:$0x18] =	wrdreg s16  }
0x2ec: {  	[dreg:$0x17] =	wrdreg s1  }
0x2ed: {  	[dreg:$0x6] =	wrdreg s13  }
0x2ee: {  	[dreg:$0x16] =	wrdreg s10  }
0x2ef: {  	s9 =	smov.u32 s28;
	s2 =	smov.u32 s7;
	s23 =	smov.u32 s6  }
.LBB2_34:
0x2f0: {  	s1 =	spop (v2sf)  }
0x2f1: {  	(v2sf) =	vpush v5, $0x4;
	s6 =	spop (v2sf)  }
0x2f2: {  	s7 =	spop (v2sf)  }
0x2f3: {  	s28 =	spop (v2sf)  }
0x2f4: {  	s10 =	spop (v2sf)  }
0x2f5: {  	s29 =	spop (v2sf)  }
0x2f6: {  	s13 =	spop (v2sf)  }
0x2f7: {  	s14 =	spop (v2sf)  }
0x2f8: {  	s16 =	spop (v2sf)  }
0x2f9: {  	s17 =	spop (v2sf)  }
0x2fa: {  	s18 =	spop (v2sf)  }
0x2fb: {  	s19 =	spop (v2sf)  }
0x2fc: {  	s20 =	spop (v2sf)  }
0x2fd: {  	s21 =	rddreg [dreg:$0x0];
	s20 =	sand.u32 $0x1FFFFFF0, s20  }
0x2fe: {  	s19 =	sand.u32 $0x1FFFFFF0, s19;
	s20 =	sadd.s32 s21, s20  }
0x2ff: {  	[hbm:s9], [sflag:s15] =	dma.local [hbm:s20], $0x10  }
0x300: {  	s18 =	sand.u32 $0x1FFFFFF0, s18;
	s19 =	sadd.s32 s21, s19;
	s20 =	spop (v2sf)  }
0x301: {  	[hbm:s12], [sflag:s15] =	dma.local [hbm:s19], $0x10  }
0x302: {  	s4 =	sadd.s32 s22, s4;
	s18 =	sadd.s32 s21, s18;
	s19 =	sand.u32 $0x1FFFFFF0, s17  }
0x303: {  	[hbm:s4], [sflag:s15] =	dma.local [hbm:s18], $0x10  }
0x304: {  	s9 =	sand.u32 $0x1FFFFFF0, s16;
	s12 =	sand.u32 $0x1FFFFFF0, s20;
	s4 =	sadd.s32 s21, s19  }
0x305: {  	[hbm:s23], [sflag:s15] =	dma.local [hbm:s4], $0x10  }
0x306: {  	s16 =	sadd.s32 s22, s12;
	s4 =	sadd.s32 s21, s9  }
0x307: {  	[hbm:s16], [sflag:s15] =	dma.local [hbm:s4], $0x10  }
0x308: {  	s16 =	sand.u32 $0x1FFFFFF0, s14  }
0x309: {  	s17 =	sand.u32 $0x1FFFFFF0, s13;
	s4 =	sadd.s32 s21, s16  }
0x30a: {  	[hbm:s24], [sflag:s15] =	dma.local [hbm:s4], $0x10  }
0x30b: {  	s0 =	sadd.s32 s22, s0;
	s18 =	sand.u32 $0x1FFFFFF0, s29;
	s4 =	sadd.s32 s21, s17  }
0x30c: {  	[hbm:s25], [sflag:s15] =	dma.local [hbm:s4], $0x10  }
0x30d: {  	s30 =	sadd.s32 s22, s30;
	s19 =	sand.u32 $0x1FFFFFF0, s10;
	s4 =	sadd.s32 s21, s18  }
0x30e: {  	[hbm:s26], [sflag:s15] =	dma.local [hbm:s4], $0x10  }
0x30f: {  	s20 =	sand.u32 $0x1FFFFFF0, s28;
	s28 =	sand.u32 $0x1FFFFFF0, s5;
	s4 =	sadd.s32 s21, s19  }
0x310: {  	[hbm:s2], [sflag:s15] =	dma.local [hbm:s4], $0x10  }
0x311: {  	s23 =	sand.u32 $0x1FFFFFF0, s7;
	s4 =	sadd.s32 s21, s20;
	s2 =	rddreg [dreg:$0x16]  }
0x312: {  	[hbm:s2], [sflag:s15] =	dma.local [hbm:s4], $0x10  }
0x313: {  	s24 =	sand.u32 $0x1FFFFFF0, s6;
	s4 =	sadd.s32 s21, s23;
	s2 =	rddreg [dreg:$0x6]  }
0x314: {  	[hbm:s2], [sflag:s15] =	dma.local [hbm:s4], $0x10  }
0x315: {  	s29 =	sand.u32 $0x1FFFFFF0, s8;
	s25 =	sand.u32 $0x1FFFFFF0, s1;
	s4 =	sadd.s32 s21, s24  }
0x316: {  	[hbm:s31], [sflag:s15] =	dma.local [hbm:s4], $0x10  }
0x317: {  	s1 =	sadd.s32 s21, s28;
	s2 =	sadd.s32 s21, s25;
	s26 =	rddreg [dreg:$0x18]  }
0x318: {  	[hbm:s26], [sflag:s15] =	dma.local [hbm:s2], $0x10  }
0x319: {  	[hbm:s0], [sflag:s15] =	dma.local [hbm:s1], $0x10  }
0x31a: {  	s31 =	sadd.s32 s21, s3;
	s0 =	sadd.s32 s21, s29;
	s1 =	rddreg [dreg:$0x17]  }
0x31b: {  	[hbm:s1], [sflag:s15] =	dma.local [hbm:s0], $0x10  }
0x31c: {  	[hbm:s30], [sflag:s15] =	dma.local [hbm:s31], $0x10  }
0x31d: {  	s9 =	rddreg [dreg:$0x12]  }
0x31e: {  	s2 =	rddreg [dreg:$0x13]  }
0x31f: {  	s7 =	simm.s32 $0x1;
	s6 =	simm.s32 $0x1000;
	s3 =	rddreg [dreg:$0x15]  }
.LBB2_35:
0x320: {  	s0 =	sadd.s32 s2, s3  }
0x321: {  	s0 =	sshll.u32 s0, $0x4  }
0x322: {  	p0 =	slt.s32 s0, $0x1  }
.Ltmp25:
0x323: {  	_ = 	snop;
	(pc) =	sbr.rel @p0 .LBB2_39-.Ltmp25, $1  }
0x324: {  	_ =	sdelay $0x3  }
0x325: {  	p0 =	sne.s32 s0, $0x1  }
.Ltmp26:
0x326: {  	_ = 	snop;
	(pc) =	sbr.rel @!p0 .LBB2_38-.Ltmp26, $3  }
0x327: {  	_ =	sdelay $0x1  }
0x328: {  	_ =	swait.ge [sflag:s7], $0x10  }
0x329: {  	s0 =	sadd.s32 $0xFFFFFFFF, s0;
	[sflag:s7] =	ssyncset.done $0x0  }
.LBB2_37:
0x32a: {  	p0 =	sne.s32 s0, $0x1;
	s0 =	sadd.s32 $0xFFFFFFFF, s0;
	[sflag:s7] =	ssyncadd.s32 $0xFFFFFFF0  }
.Ltmp27:
0x32b: {  	(pc) =	sbr.rel @p0 .LBB2_37-.Ltmp27, $3  }
0x32c: {  	_ =	sdelay $0x1  }
0x32d: {  	_ =	swait.ge [sflag:s7], $0x10  }
0x32e: {  	[sflag:s7] =	ssyncset.done $0x0  }
.Ltmp28:
0x32f: {  	_ = 	snop;
	(pc) =	sbr.rel .LBB2_38-.Ltmp28, $1  }
0x330: {  	_ =	sdelay $0x3  }
.LBB2_18:
.Ltmp29:
0x331: {  	(pc) =	sbr.rel .LBB2_22-.Ltmp29, $2  }
0x332: {  	_ =	sdelay $0x2  }
0x333: {  	s0 =	simm.s32 $0x0;
	s4 =	simm.s32 $0x0  }
.LBB2_25:
.Ltmp30:
0x334: {  	(pc) =	sbr.rel .LBB2_31-.Ltmp30, $4  }
0x335: {  	_ = 	snop  }
0x336: {  	[dreg:$0x7] =	wrdreg s14  }
0x337: {  	[dreg:$0x5] =	wrdreg s13;
	s10 =	smov.u32 s30  }
0x338: {  	s2 =	smov.u32 s9;
	s7 =	smov.u32 s28;
	s23 =	smov.u32 s6  }
.LBB2_28:
.Ltmp31:
0x339: {  	[dreg:$0x18] =	wrdreg s16;
	(pc) =	sbr.rel .LBB2_34-.Ltmp31, $4  }
0x33a: {  	[dreg:$0x17] =	wrdreg s1  }
0x33b: {  	[dreg:$0x6] =	wrdreg s13  }
0x33c: {  	[dreg:$0x16] =	wrdreg s10  }
0x33d: {  	s9 =	smov.u32 s28;
	s2 =	smov.u32 s7;
	s23 =	smov.u32 s6  }
.LBB2_20:
.Ltmp32:
0x33e: {  	(pc) =	sbr.rel .LBB2_22-.Ltmp32, $2  }
0x33f: {  	_ =	sdelay $0x2  }
0x340: {  	s0 =	simm.s32 $0x0;
	s4 =	simm.s32 $0x0  }
.LBB2_40:
0x341: {  	_ =	sfence.sel $0x180000  }
0x342: {  	[bflag:$0x0] =	sbarrier.arrive $0xFFFF  }
0x343: {  	_ =	strace $0x90000047  }
0x344: {  	s0 =	stileid.u32;
	[bflag:$0x2] =	sbarrier.arrive $0xFFFF  }
0x345: {  	p0 =	sne.s32 s0, $0x0;
	s0 =	rddreg [dreg:$0x3]  }
0x346: {  	s0 =	sadd.s32 @!p0 $0x100000, s0  }
0x347: {  	[sflag:s0] =	ssyncadd.tile.s32 @!p0 $0x1;
	_ =	shalt  }
.Lfunc_end2:
_tile_overlayer_lowered:
.L_overlay_start_2:
0x348: {  	(tag) =	ssettag $0x2  }
0x349: {  	s0 =	rddreg [dreg:$0x0];
	s2 =	stileid.u32  }
0x34a: {  	s1 =	rddreg [dreg:$0x1];
	p0 =	sne.s32 s2, $0x0  }
0x34b: {  	s3 =	rddreg [dreg:$0x2];
	[bflag:$0x3] =	sbarrier.arrive $0xFFFF;
	s2 =	simm.s32 @!p0 $0x1C02  }
0x34c: {  	[timem:s3], [sflag:s2] =	dma.local @!p0 [hbm:s0], s1  }
0x34d: {  	s0 =	simm.s32 @!p0 $0x2  }
0x34e: {  	_ =	swait.ge @!p0 [sflag:s0], s1  }
0x34f: {  	s1 =	ssub.s32 @!p0 $0x0, s1;
	[sflag:s0] =	ssyncset.done @!p0 $0x0  }
0x350: {  	[sflag:s0] =	ssyncadd.s32 @!p0 s1  }
0x351: {  	[bflag:$0x3] =	sbarrier.arrive $0xFFFF  }
0x352: {  	_ =	shalt  }

</sc_bundles>
